<compile_context>
chip_gen: v7x
topology: tpu7x:2x2x1
jax: 0.10.2.dev20260603
libtpu: 0.0.44.dev20260713+nightly
codegen_flags: <defaults>
</compile_context>

<pallas_src>
import functools

import jax
import jax.numpy as jnp
from jax import lax
from jax.experimental import pallas as pl
from jax.experimental.pallas import tpu as pltpu
from jax.experimental.pallas import tpu_sc as plsc

N = 10000
E = 320000
D = 128
H = 128
HH = H // 2

NC = 2
NS = 16
EPW = E // NS
K = 125
NCHUNK = EPW // K
NP = 10240
RPS = NP // NS
ZCH = 128
ROW_BLK = 2000
NBUF = 4
AHEAD = 2


def _segment_sum_sc(h2, e4, zeros):
  mesh = plsc.VectorSubcoreMesh(core_axis_name="c", subcore_axis_name="s")

  @functools.partial(
      pl.kernel,
      out_type=jax.ShapeDtypeStruct((NC, NP, HH), jnp.float32),
      mesh=mesh,
      compiler_params=pltpu.CompilerParams(use_tc_tiling_on_sc=False),
      scratch_types=[
          pltpu.VMEM((NCHUNK, K), jnp.int32),
          pltpu.VMEM((NCHUNK, K), jnp.int32),
          pltpu.VMEM((K, HH), jnp.float32),
          pltpu.VMEM((K, HH), jnp.float32),
          pltpu.VMEM((K, HH), jnp.float32),
          pltpu.VMEM((K, HH), jnp.float32),
          pltpu.VMEM((ZCH, HH), jnp.float32),
          pltpu.VMEM_SHARED((NP, HH), jnp.float32),
          pltpu.SemaphoreType.DMA,
          pltpu.SemaphoreType.DMA,
          pltpu.SemaphoreType.DMA,
          pltpu.SemaphoreType.DMA,
          pltpu.SemaphoreType.DMA,
          pltpu.SemaphoreType.DMA,
          pltpu.SemaphoreType.DMA,
          pltpu.SemaphoreType.DMA,
      ],
  )
  def k(h_hbm, e_hbm, z_hbm, out_hbm,
        src_v, dst_v, rows0, rows1, rows2, rows3, stage_v, acc,
        gsem0, gsem1, gsem2, gsem3, ssem0, ssem1, ssem2, ssem3):
    rows = (rows0, rows1, rows2, rows3)
    gsem = (gsem0, gsem1, gsem2, gsem3)
    ssem = (ssem0, ssem1, ssem2, ssem3)
    c = lax.axis_index("c")
    s = lax.axis_index("s")
    hc = h_hbm.at[c]

    cp_src = pltpu.async_copy(e_hbm.at[0, s], src_v, gsem0)
    cp_dst = pltpu.async_copy(e_hbm.at[1, s], dst_v, gsem1)
    pltpu.sync_copy(z_hbm, stage_v)
    zcp = [pltpu.async_copy(stage_v, acc.at[pl.ds(s * RPS + j * ZCH, ZCH), :],
                            ssem0) for j in range(RPS // ZCH)]
    cp_src.wait()
    cp_dst.wait()
    for cp in zcp:
      cp.wait()
    plsc.subcore_barrier()

    def gather(i, b):
      return pltpu.async_copy(hc.at[src_v.at[i]], rows[b], gsem[b])

    def scatter(i, b):
      return pltpu.async_copy(rows[b], acc.at[dst_v.at[i]], ssem[b], add=True)

    gather(0, 0)
    gather(1, 1)

    def body(i, carry):
      for db in range(NBUF):
        idx = i + db
        bg = (db + AHEAD) % NBUF

        @pl.when(idx + AHEAD < NCHUNK)
        def _():
          @pl.when(idx >= AHEAD)
          def _():
            pltpu.make_async_copy(
                rows[bg], acc.at[dst_v.at[idx - AHEAD]], ssem[bg]).wait()
          gather(idx + AHEAD, bg)

        pltpu.make_async_copy(
            hc.at[src_v.at[idx]], rows[db], gsem[db]).wait()
        scatter(idx, db)
      return carry

    lax.fori_loop(0, NCHUNK // NBUF, lambda i, cr: body(i * NBUF, cr), 0,
                  unroll=False)
    for b in range(NBUF):
      pltpu.make_async_copy(
          rows[b], acc.at[dst_v.at[NCHUNK - NBUF + b]], ssem[b]).wait()
    plsc.subcore_barrier()

    ocp = []
    for j in range(RPS // ZCH):
      rsl = pl.ds(s * RPS + j * ZCH, ZCH)
      ocp.append(pltpu.async_copy(acc.at[rsl, :], out_hbm.at[c, rsl, :],
                                  gsem[j % NBUF]))
    for cp in ocp:
      cp.wait()

  return k(h2, e4, zeros)


def _root_tc(h_i, wot, b2d):
  RB = ROW_BLK // 2

  def body(h_ref, wo_ref, b_ref, o_ref):
    f32 = jnp.float32
    h0, h1 = h_ref[0], h_ref[1]

    def half(sl):
      y = jnp.dot(h0[:, sl], wo_ref[:HH], preferred_element_type=f32)
      y += jnp.dot(h1[:, sl], wo_ref[HH:], preferred_element_type=f32)
      return y + b_ref[...]

    o_ref[...] = jnp.concatenate([half(slice(0, HH)), half(slice(HH, H))],
                                 axis=1)

  return pl.pallas_call(
      body,
      grid=(N // ROW_BLK,),
      in_specs=[
          pl.BlockSpec((2, RB, H), lambda i: (0, i, 0)),
          pl.BlockSpec((H, H), lambda i: (0, 0)),
          pl.BlockSpec((1, H), lambda i: (0, 0)),
      ],
      out_specs=pl.BlockSpec((RB, 2 * H), lambda i: (i, 0)),
      out_shape=jax.ShapeDtypeStruct((N // 2, 2 * H), jnp.float32),
  )(h_i, wot, b2d)


def _combine_tc(aggs_i, r_pair, wrt, split_out):
  RB = ROW_BLK // 2

  def body(aggs_ref, r_ref, wr_ref, o_ref):
    f32 = jnp.float32
    a0, a1 = aggs_ref[0], aggs_ref[1]

    def half(sl, rsl):
      y = jnp.dot(a0[:, sl], wr_ref[:HH], preferred_element_type=f32)
      y += jnp.dot(a1[:, sl], wr_ref[HH:], preferred_element_type=f32)
      return jnp.maximum(y + r_ref[:, rsl], 0.0)

    y_even = half(slice(0, HH), slice(0, H))
    y_odd = half(slice(HH, H), slice(H, 2 * H))
    if split_out:
      o_ref[0] = jnp.concatenate([y_even[:, :HH], y_odd[:, :HH]], axis=1)
      o_ref[1] = jnp.concatenate([y_even[:, HH:], y_odd[:, HH:]], axis=1)
    else:
      v = jnp.concatenate([y_even[:, None, :], y_odd[:, None, :]], axis=1)
      o_ref[...] = v.reshape(ROW_BLK, H)

  if split_out:
    out_shape = jax.ShapeDtypeStruct((2, N // 2, H), jnp.float32)
    out_spec = pl.BlockSpec((2, RB, H), lambda i: (0, i, 0))
  else:
    out_shape = jax.ShapeDtypeStruct((N, H), jnp.float32)
    out_spec = pl.BlockSpec((ROW_BLK, H), lambda i: (i, 0))

  return pl.pallas_call(
      body,
      grid=(N // ROW_BLK,),
      in_specs=[
          pl.BlockSpec((NC, RB, H), lambda i: (0, i, 0)),
          pl.BlockSpec((RB, 2 * H), lambda i: (i, 0)),
          pl.BlockSpec((H, H), lambda i: (0, 0)),
      ],
      out_specs=out_spec,
      out_shape=out_shape,
  )(aggs_i, r_pair, wrt)


def _edges_linear(edge_index):
  def body(e_ref, o_ref):
    o_ref[...] = e_ref[...].reshape(2, E // 128, 128)

  return pl.pallas_call(
      body,
      out_shape=jax.ShapeDtypeStruct((2, E // 128, 128), jnp.int32),
  )(edge_index)


def _to_interleaved(x):
  RB = ROW_BLK // 2

  def body(x_ref, o_ref):
    v = x_ref[...].reshape(RB, 2, H)
    ev, od = v[:, 0, :], v[:, 1, :]
    o_ref[0] = jnp.concatenate([ev[:, :HH], od[:, :HH]], axis=1)
    o_ref[1] = jnp.concatenate([ev[:, HH:], od[:, HH:]], axis=1)

  return pl.pallas_call(
      body,
      grid=(N // ROW_BLK,),
      in_specs=[pl.BlockSpec((ROW_BLK, H), lambda i: (i, 0))],
      out_specs=pl.BlockSpec((2, RB, H), lambda i: (0, i, 0)),
      out_shape=jax.ShapeDtypeStruct((2, N // 2, H), jnp.float32),
  )(x)


def kernel(x, edge_index, W1_rel, W1_root, b1, W2_rel, W2_root, b2,
           W3_rel, W3_root, b3):
  e4 = _edges_linear(edge_index).reshape(2, NS, NCHUNK, K)
  zeros = jnp.zeros((ZCH, HH), jnp.float32)

  h_i = _to_interleaved(x)
  layers = ((W1_rel, W1_root, b1),
            (W2_rel, W2_root, b2),
            (W3_rel, W3_root, b3))
  for li, (w_rel, w_root, b) in enumerate(layers):
    aggs = _segment_sum_sc(h_i.reshape(2, N, HH), e4, zeros)
    r_pair = _root_tc(h_i, w_root.T, b.reshape(1, H))
    h_i = _combine_tc(aggs.reshape(NC, NP // 2, H), r_pair, w_rel.T,
                      split_out=(li < 2))
  return h_i.reshape(1, N, H)

# --- scband reference (transcript-rebuilt; emitter-appended) ---
"""Pipeline reference for scband-representation-network-81990925680796 (READ-ONLY COPY).

The authoritative reference and input builder live on the scoring server;
editing this copy changes nothing except your own understanding.
"""

import jax, jax.numpy as jnp
import numpy as np

N = 10000
E = 320000
D = 128
H = 128


def setup_inputs(seed: int = 0) -> dict:
    key = jax.random.key(seed)
    ks = jax.random.split(key, 12)
    x = jax.random.normal(ks[0], (N, D), dtype=jnp.float32)
    edge_index = jax.random.randint(ks[1], (2, E), 0, N).astype(jnp.int32)
    s_in = 1.0 / np.sqrt(D)
    s_h = 1.0 / np.sqrt(H)
    W1_rel = jax.random.uniform(ks[2], (H, D), jnp.float32, -s_in, s_in)
    W1_root = jax.random.uniform(ks[3], (H, D), jnp.float32, -s_in, s_in)
    b1 = jax.random.uniform(ks[4], (H,), jnp.float32, -s_in, s_in)
    W2_rel = jax.random.uniform(ks[5], (H, H), jnp.float32, -s_h, s_h)
    W2_root = jax.random.uniform(ks[6], (H, H), jnp.float32, -s_h, s_h)
    b2 = jax.random.uniform(ks[7], (H,), jnp.float32, -s_h, s_h)
    W3_rel = jax.random.uniform(ks[8], (H, H), jnp.float32, -s_h, s_h)
    W3_root = jax.random.uniform(ks[9], (H, H), jnp.float32, -s_h, s_h)
    b3 = jax.random.uniform(ks[10], (H,), jnp.float32, -s_h, s_h)
    return {
        "x": x, "edge_index": edge_index,
        "W1_rel": W1_rel, "W1_root": W1_root, "b1": b1,
        "W2_rel": W2_rel, "W2_root": W2_root, "b2": b2,
        "W3_rel": W3_rel, "W3_root": W3_root, "b3": b3,
    }


def _graph_conv(x, edge_index, W_rel, W_root, b):
    # PyG GraphConv (aggr='add'): out_i = lin_rel(sum_{j in N(i)} x_j) + lin_root(x_i)
    src = edge_index[0]
    dst = edge_index[1]
    msgs = jnp.take(x, src, axis=0)
    agg = jax.ops.segment_sum(msgs, dst, num_segments=N)
    return agg @ W_rel.T + b + x @ W_root.T


def reference(x, edge_index, W1_rel, W1_root, b1, W2_rel, W2_root, b2, W3_rel, W3_root, b3):
    h = jax.nn.relu(_graph_conv(x, edge_index, W1_rel, W1_root, b1))
    h = jax.nn.relu(_graph_conv(h, edge_index, W2_rel, W2_root, b2))
    h = jax.nn.relu(_graph_conv(h, edge_index, W3_rel, W3_root, b3))
    return h.reshape(-1, N, h.shape[1])

if __name__ == "__main__":
    import jax
    _d = setup_inputs()
    print(jax.jit(kernel)(*tuple(_d.values())))

</pallas_src>

<mosaic_0001>
#map = affine_map<(d0, d1) -> (0, 0, 0)>
#map1 = affine_map<(d0, d1) -> (0, 0, 0, 0)>
#map2 = affine_map<(d0, d1) -> (0, 0)>
module attributes {stable_mosaic.version = 14 : i64} {
  func.func @k(%arg0: i32, %arg1: i32, %arg2: memref<2x10000x64xf32, #tpu.memory_space<hbm>>, %arg3: memref<2x16x160x125xi32, #tpu.memory_space<hbm>>, %arg4: memref<128x64xf32, #tpu.memory_space<hbm>>, %arg5: memref<2x10240x64xf32, #tpu.memory_space<hbm>>, %arg6: memref<160x125xi32, #tpu.memory_space<vmem>>, %arg7: memref<160x125xi32, #tpu.memory_space<vmem>>, %arg8: memref<125x64xf32, #tpu.memory_space<vmem>>, %arg9: memref<125x64xf32, #tpu.memory_space<vmem>>, %arg10: memref<125x64xf32, #tpu.memory_space<vmem>>, %arg11: memref<125x64xf32, #tpu.memory_space<vmem>>, %arg12: memref<128x64xf32, #tpu.memory_space<vmem>>, %arg13: memref<10240x64xf32, #tpu.memory_space<vmem_shared>>, %arg14: memref<!tpu.dma_semaphore, #tpu.memory_space<semaphore_mem>>, %arg15: memref<!tpu.dma_semaphore, #tpu.memory_space<semaphore_mem>>, %arg16: memref<!tpu.dma_semaphore, #tpu.memory_space<semaphore_mem>>, %arg17: memref<!tpu.dma_semaphore, #tpu.memory_space<semaphore_mem>>, %arg18: memref<!tpu.dma_semaphore, #tpu.memory_space<semaphore_mem>>, %arg19: memref<!tpu.dma_semaphore, #tpu.memory_space<semaphore_mem>>, %arg20: memref<!tpu.dma_semaphore, #tpu.memory_space<semaphore_mem>>, %arg21: memref<!tpu.dma_semaphore, #tpu.memory_space<semaphore_mem>>) attributes {dimension_semantics = [#tpu.dimension_semantics<core_parallel>, #tpu.dimension_semantics<subcore_parallel>], iteration_bounds = array<i64: 2, 16>, scalar_prefetch = 0 : i64, scratch_operands = 16 : i64, tpu.core_type = #tpu.core_type<sc_vector_subcore>, window_params = [{transform_indices = #map}, {transform_indices = #map1}, {transform_indices = #map2}, {transform_indices = #map}]} {
    %dma_start3A = arith.constant 0 : i32
    %dma_start3A_0 = arith.constant 0 : i32
    %dma_start3A_1 = arith.constant 0 : i32
    %dma_start3A_2 = tpu.memref_slice %arg3[%dma_start3A, %arg1, %dma_start3A_0, %dma_start3A_1] : memref<2x16x160x125xi32, #tpu.memory_space<hbm>> -> memref<1x1x160x125xi32, #tpu.memory_space<hbm>>
    %dma_start3A_3 = tpu.memref_squeeze %dma_start3A_2 : memref<1x1x160x125xi32, #tpu.memory_space<hbm>> -> memref<160x125xi32, #tpu.memory_space<hbm>>
    %dma_start3A_4 = arith.constant 0 : i32
    %dma_start3A_5 = arith.constant 0 : i32
    %dma_start3A_6 = tpu.memref_slice %arg3[%dma_start3A, %arg1, %dma_start3A_4, %dma_start3A_5] : memref<2x16x160x125xi32, #tpu.memory_space<hbm>> -> memref<1x1x160x125xi32, #tpu.memory_space<hbm>>
    %dma_start3A_7 = tpu.memref_squeeze %dma_start3A_6 : memref<1x1x160x125xi32, #tpu.memory_space<hbm>> -> memref<160x125xi32, #tpu.memory_space<hbm>>
    tpu.enqueue_dma source(%dma_start3A_7 : memref<160x125xi32, #tpu.memory_space<hbm>>) target(%arg6 : memref<160x125xi32, #tpu.memory_space<vmem>>) target_semaphore(%arg14 : memref<!tpu.dma_semaphore, #tpu.memory_space<semaphore_mem>>)
    %dma_start3A_8 = arith.constant 1 : i32
    %dma_start3A_9 = arith.constant 0 : i32
    %dma_start3A_10 = arith.constant 0 : i32
    %dma_start3A_11 = tpu.memref_slice %arg3[%dma_start3A_8, %arg1, %dma_start3A_9, %dma_start3A_10] : memref<2x16x160x125xi32, #tpu.memory_space<hbm>> -> memref<1x1x160x125xi32, #tpu.memory_space<hbm>>
    %dma_start3A_12 = tpu.memref_squeeze %dma_start3A_11 : memref<1x1x160x125xi32, #tpu.memory_space<hbm>> -> memref<160x125xi32, #tpu.memory_space<hbm>>
    %dma_start3A_13 = arith.constant 0 : i32
    %dma_start3A_14 = arith.constant 0 : i32
    %dma_start3A_15 = tpu.memref_slice %arg3[%dma_start3A_8, %arg1, %dma_start3A_13, %dma_start3A_14] : memref<2x16x160x125xi32, #tpu.memory_space<hbm>> -> memref<1x1x160x125xi32, #tpu.memory_space<hbm>>
    %dma_start3A_16 = tpu.memref_squeeze %dma_start3A_15 : memref<1x1x160x125xi32, #tpu.memory_space<hbm>> -> memref<160x125xi32, #tpu.memory_space<hbm>>
    tpu.enqueue_dma source(%dma_start3A_16 : memref<160x125xi32, #tpu.memory_space<hbm>>) target(%arg7 : memref<160x125xi32, #tpu.memory_space<vmem>>) target_semaphore(%arg15 : memref<!tpu.dma_semaphore, #tpu.memory_space<semaphore_mem>>)
    "tpu.region"() ({
      %run_scoped3A = tpu.sem_alloc : memref<!tpu.dma_semaphore, #tpu.memory_space<semaphore_mem>>
      tpu.enqueue_dma source(%arg4 : memref<128x64xf32, #tpu.memory_space<hbm>>) target(%arg12 : memref<128x64xf32, #tpu.memory_space<vmem>>) target_semaphore(%run_scoped3A : memref<!tpu.dma_semaphore, #tpu.memory_space<semaphore_mem>>)
      tpu.wait_dma2 semaphore(%run_scoped3A : memref<!tpu.dma_semaphore, #tpu.memory_space<semaphore_mem>>) src(%arg4 : memref<128x64xf32, #tpu.memory_space<hbm>>) dst(%arg12 : memref<128x64xf32, #tpu.memory_space<vmem>>)
      tpu.yield
    }) : () -> ()
    %mul3A = arith.constant 640 : i32
    %mul3A_17 = arith.muli %arg1, %mul3A : i32
    %add3A = arith.constant 0 : i32
    %add3A_18 = arith.addi %mul3A_17, %add3A : i32
    %dma_start3A_19 = arith.constant 0 : i32
    %dma_start3A_20 = tpu.memref_slice %arg13[%add3A_18, %dma_start3A_19] : memref<10240x64xf32, #tpu.memory_space<vmem_shared>> -> memref<128x64xf32, #tpu.memory_space<vmem_shared>>
    %dma_start3A_21 = arith.constant 0 : i32
    %dma_start3A_22 = tpu.memref_slice %arg13[%add3A_18, %dma_start3A_21] : memref<10240x64xf32, #tpu.memory_space<vmem_shared>> -> memref<128x64xf32, #tpu.memory_space<vmem_shared>>
    tpu.enqueue_dma source(%arg12 : memref<128x64xf32, #tpu.memory_space<vmem>>) target(%dma_start3A_22 : memref<128x64xf32, #tpu.memory_space<vmem_shared>>) target_semaphore(%arg18 : memref<!tpu.dma_semaphore, #tpu.memory_space<semaphore_mem>>)
    %mul3A_23 = arith.constant 640 : i32
    %mul3A_24 = arith.muli %arg1, %mul3A_23 : i32
    %add3A_25 = arith.constant 128 : i32
    %add3A_26 = arith.addi %mul3A_24, %add3A_25 : i32
    %dma_start3A_27 = arith.constant 0 : i32
    %dma_start3A_28 = tpu.memref_slice %arg13[%add3A_26, %dma_start3A_27] : memref<10240x64xf32, #tpu.memory_space<vmem_shared>> -> memref<128x64xf32, #tpu.memory_space<vmem_shared>>
    %dma_start3A_29 = arith.constant 0 : i32
    %dma_start3A_30 = tpu.memref_slice %arg13[%add3A_26, %dma_start3A_29] : memref<10240x64xf32, #tpu.memory_space<vmem_shared>> -> memref<128x64xf32, #tpu.memory_space<vmem_shared>>
    tpu.enqueue_dma source(%arg12 : memref<128x64xf32, #tpu.memory_space<vmem>>) target(%dma_start3A_30 : memref<128x64xf32, #tpu.memory_space<vmem_shared>>) target_semaphore(%arg18 : memref<!tpu.dma_semaphore, #tpu.memory_space<semaphore_mem>>)
    %mul3A_31 = arith.constant 640 : i32
    %mul3A_32 = arith.muli %arg1, %mul3A_31 : i32
    %add3A_33 = arith.constant 256 : i32
    %add3A_34 = arith.addi %mul3A_32, %add3A_33 : i32
    %dma_start3A_35 = arith.constant 0 : i32
    %dma_start3A_36 = tpu.memref_slice %arg13[%add3A_34, %dma_start3A_35] : memref<10240x64xf32, #tpu.memory_space<vmem_shared>> -> memref<128x64xf32, #tpu.memory_space<vmem_shared>>
    %dma_start3A_37 = arith.constant 0 : i32
    %dma_start3A_38 = tpu.memref_slice %arg13[%add3A_34, %dma_start3A_37] : memref<10240x64xf32, #tpu.memory_space<vmem_shared>> -> memref<128x64xf32, #tpu.memory_space<vmem_shared>>
    tpu.enqueue_dma source(%arg12 : memref<128x64xf32, #tpu.memory_space<vmem>>) target(%dma_start3A_38 : memref<128x64xf32, #tpu.memory_space<vmem_shared>>) target_semaphore(%arg18 : memref<!tpu.dma_semaphore, #tpu.memory_space<semaphore_mem>>)
    %mul3A_39 = arith.constant 640 : i32
    %mul3A_40 = arith.muli %arg1, %mul3A_39 : i32
    %add3A_41 = arith.constant 384 : i32
    %add3A_42 = arith.addi %mul3A_40, %add3A_41 : i32
    %dma_start3A_43 = arith.constant 0 : i32
    %dma_start3A_44 = tpu.memref_slice %arg13[%add3A_42, %dma_start3A_43] : memref<10240x64xf32, #tpu.memory_space<vmem_shared>> -> memref<128x64xf32, #tpu.memory_space<vmem_shared>>
    %dma_start3A_45 = arith.constant 0 : i32
    %dma_start3A_46 = tpu.memref_slice %arg13[%add3A_42, %dma_start3A_45] : memref<10240x64xf32, #tpu.memory_space<vmem_shared>> -> memref<128x64xf32, #tpu.memory_space<vmem_shared>>
    tpu.enqueue_dma source(%arg12 : memref<128x64xf32, #tpu.memory_space<vmem>>) target(%dma_start3A_46 : memref<128x64xf32, #tpu.memory_space<vmem_shared>>) target_semaphore(%arg18 : memref<!tpu.dma_semaphore, #tpu.memory_space<semaphore_mem>>)
    %mul3A_47 = arith.constant 640 : i32
    %mul3A_48 = arith.muli %arg1, %mul3A_47 : i32
    %add3A_49 = arith.constant 512 : i32
    %add3A_50 = arith.addi %mul3A_48, %add3A_49 : i32
    %dma_start3A_51 = arith.constant 0 : i32
    %dma_start3A_52 = tpu.memref_slice %arg13[%add3A_50, %dma_start3A_51] : memref<10240x64xf32, #tpu.memory_space<vmem_shared>> -> memref<128x64xf32, #tpu.memory_space<vmem_shared>>
    %dma_start3A_53 = arith.constant 0 : i32
    %dma_start3A_54 = tpu.memref_slice %arg13[%add3A_50, %dma_start3A_53] : memref<10240x64xf32, #tpu.memory_space<vmem_shared>> -> memref<128x64xf32, #tpu.memory_space<vmem_shared>>
    tpu.enqueue_dma source(%arg12 : memref<128x64xf32, #tpu.memory_space<vmem>>) target(%dma_start3A_54 : memref<128x64xf32, #tpu.memory_space<vmem_shared>>) target_semaphore(%arg18 : memref<!tpu.dma_semaphore, #tpu.memory_space<semaphore_mem>>)
    %dma_wait3A = arith.constant 0 : i32
    %dma_wait3A_55 = arith.constant 0 : i32
    %dma_wait3A_56 = arith.constant 0 : i32
    %dma_wait3A_57 = tpu.memref_slice %arg3[%dma_wait3A, %arg1, %dma_wait3A_55, %dma_wait3A_56] : memref<2x16x160x125xi32, #tpu.memory_space<hbm>> -> memref<1x1x160x125xi32, #tpu.memory_space<hbm>>
    %dma_wait3A_58 = tpu.memref_squeeze %dma_wait3A_57 : memref<1x1x160x125xi32, #tpu.memory_space<hbm>> -> memref<160x125xi32, #tpu.memory_space<hbm>>
    %dma_wait3A_59 = arith.constant 0 : i32
    %dma_wait3A_60 = arith.constant 0 : i32
    %dma_wait3A_61 = tpu.memref_slice %arg3[%dma_wait3A, %arg1, %dma_wait3A_59, %dma_wait3A_60] : memref<2x16x160x125xi32, #tpu.memory_space<hbm>> -> memref<1x1x160x125xi32, #tpu.memory_space<hbm>>
    %dma_wait3A_62 = tpu.memref_squeeze %dma_wait3A_61 : memref<1x1x160x125xi32, #tpu.memory_space<hbm>> -> memref<160x125xi32, #tpu.memory_space<hbm>>
    tpu.wait_dma2 semaphore(%arg14 : memref<!tpu.dma_semaphore, #tpu.memory_space<semaphore_mem>>) src(%dma_wait3A_62 : memref<160x125xi32, #tpu.memory_space<hbm>>) dst(%arg6 : memref<160x125xi32, #tpu.memory_space<vmem>>)
    %dma_wait3A_63 = arith.constant 1 : i32
    %dma_wait3A_64 = arith.constant 0 : i32
    %dma_wait3A_65 = arith.constant 0 : i32
    %dma_wait3A_66 = tpu.memref_slice %arg3[%dma_wait3A_63, %arg1, %dma_wait3A_64, %dma_wait3A_65] : memref<2x16x160x125xi32, #tpu.memory_space<hbm>> -> memref<1x1x160x125xi32, #tpu.memory_space<hbm>>
    %dma_wait3A_67 = tpu.memref_squeeze %dma_wait3A_66 : memref<1x1x160x125xi32, #tpu.memory_space<hbm>> -> memref<160x125xi32, #tpu.memory_space<hbm>>
    %dma_wait3A_68 = arith.constant 0 : i32
    %dma_wait3A_69 = arith.constant 0 : i32
    %dma_wait3A_70 = tpu.memref_slice %arg3[%dma_wait3A_63, %arg1, %dma_wait3A_68, %dma_wait3A_69] : memref<2x16x160x125xi32, #tpu.memory_space<hbm>> -> memref<1x1x160x125xi32, #tpu.memory_space<hbm>>
    %dma_wait3A_71 = tpu.memref_squeeze %dma_wait3A_70 : memref<1x1x160x125xi32, #tpu.memory_space<hbm>> -> memref<160x125xi32, #tpu.memory_space<hbm>>
    tpu.wait_dma2 semaphore(%arg15 : memref<!tpu.dma_semaphore, #tpu.memory_space<semaphore_mem>>) src(%dma_wait3A_71 : memref<160x125xi32, #tpu.memory_space<hbm>>) dst(%arg7 : memref<160x125xi32, #tpu.memory_space<vmem>>)
    %dma_wait3A_72 = arith.constant 0 : i32
    %dma_wait3A_73 = tpu.memref_slice %arg13[%add3A_18, %dma_wait3A_72] : memref<10240x64xf32, #tpu.memory_space<vmem_shared>> -> memref<128x64xf32, #tpu.memory_space<vmem_shared>>
    %dma_wait3A_74 = arith.constant 0 : i32
    %dma_wait3A_75 = tpu.memref_slice %arg13[%add3A_18, %dma_wait3A_74] : memref<10240x64xf32, #tpu.memory_space<vmem_shared>> -> memref<128x64xf32, #tpu.memory_space<vmem_shared>>
    tpu.wait_dma2 semaphore(%arg18 : memref<!tpu.dma_semaphore, #tpu.memory_space<semaphore_mem>>) src(%arg12 : memref<128x64xf32, #tpu.memory_space<vmem>>) dst(%dma_wait3A_75 : memref<128x64xf32, #tpu.memory_space<vmem_shared>>)
    %dma_wait3A_76 = arith.constant 0 : i32
    %dma_wait3A_77 = tpu.memref_slice %arg13[%add3A_26, %dma_wait3A_76] : memref<10240x64xf32, #tpu.memory_space<vmem_shared>> -> memref<128x64xf32, #tpu.memory_space<vmem_shared>>
    %dma_wait3A_78 = arith.constant 0 : i32
    %dma_wait3A_79 = tpu.memref_slice %arg13[%add3A_26, %dma_wait3A_78] : memref<10240x64xf32, #tpu.memory_space<vmem_shared>> -> memref<128x64xf32, #tpu.memory_space<vmem_shared>>
    tpu.wait_dma2 semaphore(%arg18 : memref<!tpu.dma_semaphore, #tpu.memory_space<semaphore_mem>>) src(%arg12 : memref<128x64xf32, #tpu.memory_space<vmem>>) dst(%dma_wait3A_79 : memref<128x64xf32, #tpu.memory_space<vmem_shared>>)
    %dma_wait3A_80 = arith.constant 0 : i32
    %dma_wait3A_81 = tpu.memref_slice %arg13[%add3A_34, %dma_wait3A_80] : memref<10240x64xf32, #tpu.memory_space<vmem_shared>> -> memref<128x64xf32, #tpu.memory_space<vmem_shared>>
    %dma_wait3A_82 = arith.constant 0 : i32
    %dma_wait3A_83 = tpu.memref_slice %arg13[%add3A_34, %dma_wait3A_82] : memref<10240x64xf32, #tpu.memory_space<vmem_shared>> -> memref<128x64xf32, #tpu.memory_space<vmem_shared>>
    tpu.wait_dma2 semaphore(%arg18 : memref<!tpu.dma_semaphore, #tpu.memory_space<semaphore_mem>>) src(%arg12 : memref<128x64xf32, #tpu.memory_space<vmem>>) dst(%dma_wait3A_83 : memref<128x64xf32, #tpu.memory_space<vmem_shared>>)
    %dma_wait3A_84 = arith.constant 0 : i32
    %dma_wait3A_85 = tpu.memref_slice %arg13[%add3A_42, %dma_wait3A_84] : memref<10240x64xf32, #tpu.memory_space<vmem_shared>> -> memref<128x64xf32, #tpu.memory_space<vmem_shared>>
    %dma_wait3A_86 = arith.constant 0 : i32
    %dma_wait3A_87 = tpu.memref_slice %arg13[%add3A_42, %dma_wait3A_86] : memref<10240x64xf32, #tpu.memory_space<vmem_shared>> -> memref<128x64xf32, #tpu.memory_space<vmem_shared>>
    tpu.wait_dma2 semaphore(%arg18 : memref<!tpu.dma_semaphore, #tpu.memory_space<semaphore_mem>>) src(%arg12 : memref<128x64xf32, #tpu.memory_space<vmem>>) dst(%dma_wait3A_87 : memref<128x64xf32, #tpu.memory_space<vmem_shared>>)
    %dma_wait3A_88 = arith.constant 0 : i32
    %dma_wait3A_89 = tpu.memref_slice %arg13[%add3A_50, %dma_wait3A_88] : memref<10240x64xf32, #tpu.memory_space<vmem_shared>> -> memref<128x64xf32, #tpu.memory_space<vmem_shared>>
    %dma_wait3A_90 = arith.constant 0 : i32
    %dma_wait3A_91 = tpu.memref_slice %arg13[%add3A_50, %dma_wait3A_90] : memref<10240x64xf32, #tpu.memory_space<vmem_shared>> -> memref<128x64xf32, #tpu.memory_space<vmem_shared>>
    tpu.wait_dma2 semaphore(%arg18 : memref<!tpu.dma_semaphore, #tpu.memory_space<semaphore_mem>>) src(%arg12 : memref<128x64xf32, #tpu.memory_space<vmem>>) dst(%dma_wait3A_91 : memref<128x64xf32, #tpu.memory_space<vmem_shared>>)
    %barrier3A = arith.constant 0 : index
    tpu.barrier barrier_id(%barrier3A)
    %dma_start3A_92 = arith.constant 0 : i32
    %dma_start3A_93 = arith.constant 0 : i32
    %dma_start3A_94 = tpu.memref_slice %arg6[%dma_start3A_92, %dma_start3A_93] : memref<160x125xi32, #tpu.memory_space<vmem>> -> memref<1x125xi32, #tpu.memory_space<vmem>>
    %dma_start3A_95 = tpu.memref_squeeze %dma_start3A_94 : memref<1x125xi32, #tpu.memory_space<vmem>> -> memref<125xi32, #tpu.memory_space<vmem>>
    %dma_start3A_96 = arith.constant 0 : i32
    %dma_start3A_97 = arith.constant 0 : i32
    %dma_start3A_98 = tpu.memref_slice %arg2[%arg0, %dma_start3A_96, %dma_start3A_97] : memref<2x10000x64xf32, #tpu.memory_space<hbm>> -> memref<1x10000x64xf32, #tpu.memory_space<hbm>>
    %dma_start3A_99 = tpu.memref_squeeze %dma_start3A_98 : memref<1x10000x64xf32, #tpu.memory_space<hbm>> -> memref<10000x64xf32, #tpu.memory_space<hbm>>
    %dma_start3A_100 = arith.constant 0 : i32
    %dma_start3A_101 = arith.constant 0 : i32
    %dma_start3A_102 = tpu.memref_slice %dma_start3A_99[%dma_start3A_100, %dma_start3A_101] : memref<10000x64xf32, #tpu.memory_space<hbm>> -> memref<10000x64xf32, #tpu.memory_space<hbm>>
    tpu.enqueue_indirect_dma source(%dma_start3A_102 : memref<10000x64xf32, #tpu.memory_space<hbm>>) target(%arg8 : memref<125x64xf32, #tpu.memory_space<vmem>>) offsets(%dma_start3A_95 : memref<125xi32, #tpu.memory_space<vmem>>) semaphore(%arg14 : memref<!tpu.dma_semaphore, #tpu.memory_space<semaphore_mem>>)
    %dma_start3A_103 = arith.constant 1 : i32
    %dma_start3A_104 = arith.constant 0 : i32
    %dma_start3A_105 = tpu.memref_slice %arg6[%dma_start3A_103, %dma_start3A_104] : memref<160x125xi32, #tpu.memory_space<vmem>> -> memref<1x125xi32, #tpu.memory_space<vmem>>
    %dma_start3A_106 = tpu.memref_squeeze %dma_start3A_105 : memref<1x125xi32, #tpu.memory_space<vmem>> -> memref<125xi32, #tpu.memory_space<vmem>>
    %dma_start3A_107 = arith.constant 0 : i32
    %dma_start3A_108 = arith.constant 0 : i32
    %dma_start3A_109 = tpu.memref_slice %arg2[%arg0, %dma_start3A_107, %dma_start3A_108] : memref<2x10000x64xf32, #tpu.memory_space<hbm>> -> memref<1x10000x64xf32, #tpu.memory_space<hbm>>
    %dma_start3A_110 = tpu.memref_squeeze %dma_start3A_109 : memref<1x10000x64xf32, #tpu.memory_space<hbm>> -> memref<10000x64xf32, #tpu.memory_space<hbm>>
    %dma_start3A_111 = arith.constant 0 : i32
    %dma_start3A_112 = arith.constant 0 : i32
    %dma_start3A_113 = tpu.memref_slice %dma_start3A_110[%dma_start3A_111, %dma_start3A_112] : memref<10000x64xf32, #tpu.memory_space<hbm>> -> memref<10000x64xf32, #tpu.memory_space<hbm>>
    tpu.enqueue_indirect_dma source(%dma_start3A_113 : memref<10000x64xf32, #tpu.memory_space<hbm>>) target(%arg9 : memref<125x64xf32, #tpu.memory_space<vmem>>) offsets(%dma_start3A_106 : memref<125xi32, #tpu.memory_space<vmem>>) semaphore(%arg15 : memref<!tpu.dma_semaphore, #tpu.memory_space<semaphore_mem>>)
    %scan3A = arith.constant 0 : i32
    %scan3A_114 = arith.constant 0 : i32
    %scan3A_115 = arith.constant 40 : i32
    %scan3A_116 = arith.addi %scan3A_114, %scan3A_115 : i32
    %scan3A_117 = arith.constant 1 : i32
    scf.for %scan3A_218 = %scan3A_114 to %scan3A_116 step %scan3A_117  : i32 {
      %mul3A_219 = arith.constant 4 : i32
      %mul3A_220 = arith.muli %scan3A_218, %mul3A_219 : i32
      %add3A_221 = arith.constant 0 : i32
      %add3A_222 = arith.addi %mul3A_220, %add3A_221 : i32
      %add3A_223 = arith.constant 2 : i32
      %add3A_224 = arith.addi %add3A_222, %add3A_223 : i32
      %lt3A = arith.constant 160 : i32
      %lt3A_225 = arith.cmpi slt, %add3A_224, %lt3A : i32
      %convert_element_type3A = arith.extui %lt3A_225 : i1 to i32
      %cond3A = arith.constant 0 : i32
      %cond3A_226 = arith.cmpi ne, %convert_element_type3A, %cond3A : i32
      scf.if %cond3A_226 {
        %ge3A = arith.constant 2 : i32
        %ge3A_318 = arith.cmpi sge, %add3A_222, %ge3A : i32
        %convert_element_type3A_319 = arith.extui %ge3A_318 : i1 to i32
        %cond3A_320 = arith.constant 0 : i32
        %cond3A_321 = arith.cmpi ne, %convert_element_type3A_319, %cond3A_320 : i32
        scf.if %cond3A_321 {
          %sub3A = arith.constant 2 : i32
          %sub3A_334 = arith.subi %add3A_222, %sub3A : i32
          %dma_wait3A_335 = arith.constant 0 : i32
          %dma_wait3A_336 = tpu.memref_slice %arg7[%sub3A_334, %dma_wait3A_335] : memref<160x125xi32, #tpu.memory_space<vmem>> -> memref<1x125xi32, #tpu.memory_space<vmem>>
          %dma_wait3A_337 = tpu.memref_squeeze %dma_wait3A_336 : memref<1x125xi32, #tpu.memory_space<vmem>> -> memref<125xi32, #tpu.memory_space<vmem>>
          %dma_wait3A_338 = arith.constant 0 : i32
          %dma_wait3A_339 = arith.constant 0 : i32
          %dma_wait3A_340 = tpu.memref_slice %arg13[%dma_wait3A_338, %dma_wait3A_339] : memref<10240x64xf32, #tpu.memory_space<vmem_shared>> -> memref<10240x64xf32, #tpu.memory_space<vmem_shared>>
          tpu.wait_indirect_dma semaphore(%arg20 : memref<!tpu.dma_semaphore, #tpu.memory_space<semaphore_mem>>) src(%arg10 : memref<125x64xf32, #tpu.memory_space<vmem>>) dst(%dma_wait3A_340 : memref<10240x64xf32, #tpu.memory_space<vmem_shared>>)
        } else {
        }
        %add3A_322 = arith.constant 2 : i32
        %add3A_323 = arith.addi %add3A_222, %add3A_322 : i32
        %dma_start3A_324 = arith.constant 0 : i32
        %dma_start3A_325 = tpu.memref_slice %arg6[%add3A_323, %dma_start3A_324] : memref<160x125xi32, #tpu.memory_space<vmem>> -> memref<1x125xi32, #tpu.memory_space<vmem>>
        %dma_start3A_326 = tpu.memref_squeeze %dma_start3A_325 : memref<1x125xi32, #tpu.memory_space<vmem>> -> memref<125xi32, #tpu.memory_space<vmem>>
        %dma_start3A_327 = arith.constant 0 : i32
        %dma_start3A_328 = arith.constant 0 : i32
        %dma_start3A_329 = tpu.memref_slice %arg2[%arg0, %dma_start3A_327, %dma_start3A_328] : memref<2x10000x64xf32, #tpu.memory_space<hbm>> -> memref<1x10000x64xf32, #tpu.memory_space<hbm>>
        %dma_start3A_330 = tpu.memref_squeeze %dma_start3A_329 : memref<1x10000x64xf32, #tpu.memory_space<hbm>> -> memref<10000x64xf32, #tpu.memory_space<hbm>>
        %dma_start3A_331 = arith.constant 0 : i32
        %dma_start3A_332 = arith.constant 0 : i32
        %dma_start3A_333 = tpu.memref_slice %dma_start3A_330[%dma_start3A_331, %dma_start3A_332] : memref<10000x64xf32, #tpu.memory_space<hbm>> -> memref<10000x64xf32, #tpu.memory_space<hbm>>
        tpu.enqueue_indirect_dma source(%dma_start3A_333 : memref<10000x64xf32, #tpu.memory_space<hbm>>) target(%arg10 : memref<125x64xf32, #tpu.memory_space<vmem>>) offsets(%dma_start3A_326 : memref<125xi32, #tpu.memory_space<vmem>>) semaphore(%arg16 : memref<!tpu.dma_semaphore, #tpu.memory_space<semaphore_mem>>)
      } else {
      }
      %dma_wait3A_227 = arith.constant 0 : i32
      %dma_wait3A_228 = tpu.memref_slice %arg6[%add3A_222, %dma_wait3A_227] : memref<160x125xi32, #tpu.memory_space<vmem>> -> memref<1x125xi32, #tpu.memory_space<vmem>>
      %dma_wait3A_229 = tpu.memref_squeeze %dma_wait3A_228 : memref<1x125xi32, #tpu.memory_space<vmem>> -> memref<125xi32, #tpu.memory_space<vmem>>
      %dma_wait3A_230 = arith.constant 0 : i32
      %dma_wait3A_231 = arith.constant 0 : i32
      %dma_wait3A_232 = tpu.memref_slice %arg2[%arg0, %dma_wait3A_230, %dma_wait3A_231] : memref<2x10000x64xf32, #tpu.memory_space<hbm>> -> memref<1x10000x64xf32, #tpu.memory_space<hbm>>
      %dma_wait3A_233 = tpu.memref_squeeze %dma_wait3A_232 : memref<1x10000x64xf32, #tpu.memory_space<hbm>> -> memref<10000x64xf32, #tpu.memory_space<hbm>>
      %dma_wait3A_234 = arith.constant 0 : i32
      %dma_wait3A_235 = arith.constant 0 : i32
      %dma_wait3A_236 = tpu.memref_slice %dma_wait3A_233[%dma_wait3A_234, %dma_wait3A_235] : memref<10000x64xf32, #tpu.memory_space<hbm>> -> memref<10000x64xf32, #tpu.memory_space<hbm>>
      tpu.wait_indirect_dma semaphore(%arg14 : memref<!tpu.dma_semaphore, #tpu.memory_space<semaphore_mem>>) src(%dma_wait3A_236 : memref<10000x64xf32, #tpu.memory_space<hbm>>) dst(%arg8 : memref<125x64xf32, #tpu.memory_space<vmem>>)
      %dma_start3A_237 = arith.constant 0 : i32
      %dma_start3A_238 = tpu.memref_slice %arg7[%add3A_222, %dma_start3A_237] : memref<160x125xi32, #tpu.memory_space<vmem>> -> memref<1x125xi32, #tpu.memory_space<vmem>>
      %dma_start3A_239 = tpu.memref_squeeze %dma_start3A_238 : memref<1x125xi32, #tpu.memory_space<vmem>> -> memref<125xi32, #tpu.memory_space<vmem>>
      %dma_start3A_240 = arith.constant 0 : i32
      %dma_start3A_241 = arith.constant 0 : i32
      %dma_start3A_242 = tpu.memref_slice %arg13[%dma_start3A_240, %dma_start3A_241] : memref<10240x64xf32, #tpu.memory_space<vmem_shared>> -> memref<10240x64xf32, #tpu.memory_space<vmem_shared>>
      tpu.enqueue_indirect_dma source(%arg8 : memref<125x64xf32, #tpu.memory_space<vmem>>) target(%dma_start3A_242 : memref<10240x64xf32, #tpu.memory_space<vmem_shared>>) offsets(%dma_start3A_239 : memref<125xi32, #tpu.memory_space<vmem>>) semaphore(%arg18 : memref<!tpu.dma_semaphore, #tpu.memory_space<semaphore_mem>>) {add = true}
      %add3A_243 = arith.constant 1 : i32
      %add3A_244 = arith.addi %mul3A_220, %add3A_243 : i32
      %add3A_245 = arith.constant 2 : i32
      %add3A_246 = arith.addi %add3A_244, %add3A_245 : i32
      %lt3A_247 = arith.constant 160 : i32
      %lt3A_248 = arith.cmpi slt, %add3A_246, %lt3A_247 : i32
      %convert_element_type3A_249 = arith.extui %lt3A_248 : i1 to i32
      %cond3A_250 = arith.constant 0 : i32
      %cond3A_251 = arith.cmpi ne, %convert_element_type3A_249, %cond3A_250 : i32
      scf.if %cond3A_251 {
        %ge3A = arith.constant 2 : i32
        %ge3A_318 = arith.cmpi sge, %add3A_244, %ge3A : i32
        %convert_element_type3A_319 = arith.extui %ge3A_318 : i1 to i32
        %cond3A_320 = arith.constant 0 : i32
        %cond3A_321 = arith.cmpi ne, %convert_element_type3A_319, %cond3A_320 : i32
        scf.if %cond3A_321 {
          %sub3A = arith.constant 2 : i32
          %sub3A_334 = arith.subi %add3A_244, %sub3A : i32
          %dma_wait3A_335 = arith.constant 0 : i32
          %dma_wait3A_336 = tpu.memref_slice %arg7[%sub3A_334, %dma_wait3A_335] : memref<160x125xi32, #tpu.memory_space<vmem>> -> memref<1x125xi32, #tpu.memory_space<vmem>>
          %dma_wait3A_337 = tpu.memref_squeeze %dma_wait3A_336 : memref<1x125xi32, #tpu.memory_space<vmem>> -> memref<125xi32, #tpu.memory_space<vmem>>
          %dma_wait3A_338 = arith.constant 0 : i32
          %dma_wait3A_339 = arith.constant 0 : i32
          %dma_wait3A_340 = tpu.memref_slice %arg13[%dma_wait3A_338, %dma_wait3A_339] : memref<10240x64xf32, #tpu.memory_space<vmem_shared>> -> memref<10240x64xf32, #tpu.memory_space<vmem_shared>>
          tpu.wait_indirect_dma semaphore(%arg21 : memref<!tpu.dma_semaphore, #tpu.memory_space<semaphore_mem>>) src(%arg11 : memref<125x64xf32, #tpu.memory_space<vmem>>) dst(%dma_wait3A_340 : memref<10240x64xf32, #tpu.memory_space<vmem_shared>>)
        } else {
        }
        %add3A_322 = arith.constant 2 : i32
        %add3A_323 = arith.addi %add3A_244, %add3A_322 : i32
        %dma_start3A_324 = arith.constant 0 : i32
        %dma_start3A_325 = tpu.memref_slice %arg6[%add3A_323, %dma_start3A_324] : memref<160x125xi32, #tpu.memory_space<vmem>> -> memref<1x125xi32, #tpu.memory_space<vmem>>
        %dma_start3A_326 = tpu.memref_squeeze %dma_start3A_325 : memref<1x125xi32, #tpu.memory_space<vmem>> -> memref<125xi32, #tpu.memory_space<vmem>>
        %dma_start3A_327 = arith.constant 0 : i32
        %dma_start3A_328 = arith.constant 0 : i32
        %dma_start3A_329 = tpu.memref_slice %arg2[%arg0, %dma_start3A_327, %dma_start3A_328] : memref<2x10000x64xf32, #tpu.memory_space<hbm>> -> memref<1x10000x64xf32, #tpu.memory_space<hbm>>
        %dma_start3A_330 = tpu.memref_squeeze %dma_start3A_329 : memref<1x10000x64xf32, #tpu.memory_space<hbm>> -> memref<10000x64xf32, #tpu.memory_space<hbm>>
        %dma_start3A_331 = arith.constant 0 : i32
        %dma_start3A_332 = arith.constant 0 : i32
        %dma_start3A_333 = tpu.memref_slice %dma_start3A_330[%dma_start3A_331, %dma_start3A_332] : memref<10000x64xf32, #tpu.memory_space<hbm>> -> memref<10000x64xf32, #tpu.memory_space<hbm>>
        tpu.enqueue_indirect_dma source(%dma_start3A_333 : memref<10000x64xf32, #tpu.memory_space<hbm>>) target(%arg11 : memref<125x64xf32, #tpu.memory_space<vmem>>) offsets(%dma_start3A_326 : memref<125xi32, #tpu.memory_space<vmem>>) semaphore(%arg17 : memref<!tpu.dma_semaphore, #tpu.memory_space<semaphore_mem>>)
      } else {
      }
      %dma_wait3A_252 = arith.constant 0 : i32
      %dma_wait3A_253 = tpu.memref_slice %arg6[%add3A_244, %dma_wait3A_252] : memref<160x125xi32, #tpu.memory_space<vmem>> -> memref<1x125xi32, #tpu.memory_space<vmem>>
      %dma_wait3A_254 = tpu.memref_squeeze %dma_wait3A_253 : memref<1x125xi32, #tpu.memory_space<vmem>> -> memref<125xi32, #tpu.memory_space<vmem>>
      %dma_wait3A_255 = arith.constant 0 : i32
      %dma_wait3A_256 = arith.constant 0 : i32
      %dma_wait3A_257 = tpu.memref_slice %arg2[%arg0, %dma_wait3A_255, %dma_wait3A_256] : memref<2x10000x64xf32, #tpu.memory_space<hbm>> -> memref<1x10000x64xf32, #tpu.memory_space<hbm>>
      %dma_wait3A_258 = tpu.memref_squeeze %dma_wait3A_257 : memref<1x10000x64xf32, #tpu.memory_space<hbm>> -> memref<10000x64xf32, #tpu.memory_space<hbm>>
      %dma_wait3A_259 = arith.constant 0 : i32
      %dma_wait3A_260 = arith.constant 0 : i32
      %dma_wait3A_261 = tpu.memref_slice %dma_wait3A_258[%dma_wait3A_259, %dma_wait3A_260] : memref<10000x64xf32, #tpu.memory_space<hbm>> -> memref<10000x64xf32, #tpu.memory_space<hbm>>
      tpu.wait_indirect_dma semaphore(%arg15 : memref<!tpu.dma_semaphore, #tpu.memory_space<semaphore_mem>>) src(%dma_wait3A_261 : memref<10000x64xf32, #tpu.memory_space<hbm>>) dst(%arg9 : memref<125x64xf32, #tpu.memory_space<vmem>>)
      %dma_start3A_262 = arith.constant 0 : i32
      %dma_start3A_263 = tpu.memref_slice %arg7[%add3A_244, %dma_start3A_262] : memref<160x125xi32, #tpu.memory_space<vmem>> -> memref<1x125xi32, #tpu.memory_space<vmem>>
      %dma_start3A_264 = tpu.memref_squeeze %dma_start3A_263 : memref<1x125xi32, #tpu.memory_space<vmem>> -> memref<125xi32, #tpu.memory_space<vmem>>
      %dma_start3A_265 = arith.constant 0 : i32
      %dma_start3A_266 = arith.constant 0 : i32
      %dma_start3A_267 = tpu.memref_slice %arg13[%dma_start3A_265, %dma_start3A_266] : memref<10240x64xf32, #tpu.memory_space<vmem_shared>> -> memref<10240x64xf32, #tpu.memory_space<vmem_shared>>
      tpu.enqueue_indirect_dma source(%arg9 : memref<125x64xf32, #tpu.memory_space<vmem>>) target(%dma_start3A_267 : memref<10240x64xf32, #tpu.memory_space<vmem_shared>>) offsets(%dma_start3A_264 : memref<125xi32, #tpu.memory_space<vmem>>) semaphore(%arg19 : memref<!tpu.dma_semaphore, #tpu.memory_space<semaphore_mem>>) {add = true}
      %add3A_268 = arith.constant 2 : i32
      %add3A_269 = arith.addi %mul3A_220, %add3A_268 : i32
      %add3A_270 = arith.constant 2 : i32
      %add3A_271 = arith.addi %add3A_269, %add3A_270 : i32
      %lt3A_272 = arith.constant 160 : i32
      %lt3A_273 = arith.cmpi slt, %add3A_271, %lt3A_272 : i32
      %convert_element_type3A_274 = arith.extui %lt3A_273 : i1 to i32
      %cond3A_275 = arith.constant 0 : i32
      %cond3A_276 = arith.cmpi ne, %convert_element_type3A_274, %cond3A_275 : i32
      scf.if %cond3A_276 {
        %ge3A = arith.constant 2 : i32
        %ge3A_318 = arith.cmpi sge, %add3A_269, %ge3A : i32
        %convert_element_type3A_319 = arith.extui %ge3A_318 : i1 to i32
        %cond3A_320 = arith.constant 0 : i32
        %cond3A_321 = arith.cmpi ne, %convert_element_type3A_319, %cond3A_320 : i32
        scf.if %cond3A_321 {
          %sub3A = arith.constant 2 : i32
          %sub3A_334 = arith.subi %add3A_269, %sub3A : i32
          %dma_wait3A_335 = arith.constant 0 : i32
          %dma_wait3A_336 = tpu.memref_slice %arg7[%sub3A_334, %dma_wait3A_335] : memref<160x125xi32, #tpu.memory_space<vmem>> -> memref<1x125xi32, #tpu.memory_space<vmem>>
          %dma_wait3A_337 = tpu.memref_squeeze %dma_wait3A_336 : memref<1x125xi32, #tpu.memory_space<vmem>> -> memref<125xi32, #tpu.memory_space<vmem>>
          %dma_wait3A_338 = arith.constant 0 : i32
          %dma_wait3A_339 = arith.constant 0 : i32
          %dma_wait3A_340 = tpu.memref_slice %arg13[%dma_wait3A_338, %dma_wait3A_339] : memref<10240x64xf32, #tpu.memory_space<vmem_shared>> -> memref<10240x64xf32, #tpu.memory_space<vmem_shared>>
          tpu.wait_indirect_dma semaphore(%arg18 : memref<!tpu.dma_semaphore, #tpu.memory_space<semaphore_mem>>) src(%arg8 : memref<125x64xf32, #tpu.memory_space<vmem>>) dst(%dma_wait3A_340 : memref<10240x64xf32, #tpu.memory_space<vmem_shared>>)
        } else {
        }
        %add3A_322 = arith.constant 2 : i32
        %add3A_323 = arith.addi %add3A_269, %add3A_322 : i32
        %dma_start3A_324 = arith.constant 0 : i32
        %dma_start3A_325 = tpu.memref_slice %arg6[%add3A_323, %dma_start3A_324] : memref<160x125xi32, #tpu.memory_space<vmem>> -> memref<1x125xi32, #tpu.memory_space<vmem>>
        %dma_start3A_326 = tpu.memref_squeeze %dma_start3A_325 : memref<1x125xi32, #tpu.memory_space<vmem>> -> memref<125xi32, #tpu.memory_space<vmem>>
        %dma_start3A_327 = arith.constant 0 : i32
        %dma_start3A_328 = arith.constant 0 : i32
        %dma_start3A_329 = tpu.memref_slice %arg2[%arg0, %dma_start3A_327, %dma_start3A_328] : memref<2x10000x64xf32, #tpu.memory_space<hbm>> -> memref<1x10000x64xf32, #tpu.memory_space<hbm>>
        %dma_start3A_330 = tpu.memref_squeeze %dma_start3A_329 : memref<1x10000x64xf32, #tpu.memory_space<hbm>> -> memref<10000x64xf32, #tpu.memory_space<hbm>>
        %dma_start3A_331 = arith.constant 0 : i32
        %dma_start3A_332 = arith.constant 0 : i32
        %dma_start3A_333 = tpu.memref_slice %dma_start3A_330[%dma_start3A_331, %dma_start3A_332] : memref<10000x64xf32, #tpu.memory_space<hbm>> -> memref<10000x64xf32, #tpu.memory_space<hbm>>
        tpu.enqueue_indirect_dma source(%dma_start3A_333 : memref<10000x64xf32, #tpu.memory_space<hbm>>) target(%arg8 : memref<125x64xf32, #tpu.memory_space<vmem>>) offsets(%dma_start3A_326 : memref<125xi32, #tpu.memory_space<vmem>>) semaphore(%arg14 : memref<!tpu.dma_semaphore, #tpu.memory_space<semaphore_mem>>)
      } else {
      }
      %dma_wait3A_277 = arith.constant 0 : i32
      %dma_wait3A_278 = tpu.memref_slice %arg6[%add3A_269, %dma_wait3A_277] : memref<160x125xi32, #tpu.memory_space<vmem>> -> memref<1x125xi32, #tpu.memory_space<vmem>>
      %dma_wait3A_279 = tpu.memref_squeeze %dma_wait3A_278 : memref<1x125xi32, #tpu.memory_space<vmem>> -> memref<125xi32, #tpu.memory_space<vmem>>
      %dma_wait3A_280 = arith.constant 0 : i32
      %dma_wait3A_281 = arith.constant 0 : i32
      %dma_wait3A_282 = tpu.memref_slice %arg2[%arg0, %dma_wait3A_280, %dma_wait3A_281] : memref<2x10000x64xf32, #tpu.memory_space<hbm>> -> memref<1x10000x64xf32, #tpu.memory_space<hbm>>
      %dma_wait3A_283 = tpu.memref_squeeze %dma_wait3A_282 : memref<1x10000x64xf32, #tpu.memory_space<hbm>> -> memref<10000x64xf32, #tpu.memory_space<hbm>>
      %dma_wait3A_284 = arith.constant 0 : i32
      %dma_wait3A_285 = arith.constant 0 : i32
      %dma_wait3A_286 = tpu.memref_slice %dma_wait3A_283[%dma_wait3A_284, %dma_wait3A_285] : memref<10000x64xf32, #tpu.memory_space<hbm>> -> memref<10000x64xf32, #tpu.memory_space<hbm>>
      tpu.wait_indirect_dma semaphore(%arg16 : memref<!tpu.dma_semaphore, #tpu.memory_space<semaphore_mem>>) src(%dma_wait3A_286 : memref<10000x64xf32, #tpu.memory_space<hbm>>) dst(%arg10 : memref<125x64xf32, #tpu.memory_space<vmem>>)
      %dma_start3A_287 = arith.constant 0 : i32
      %dma_start3A_288 = tpu.memref_slice %arg7[%add3A_269, %dma_start3A_287] : memref<160x125xi32, #tpu.memory_space<vmem>> -> memref<1x125xi32, #tpu.memory_space<vmem>>
      %dma_start3A_289 = tpu.memref_squeeze %dma_start3A_288 : memref<1x125xi32, #tpu.memory_space<vmem>> -> memref<125xi32, #tpu.memory_space<vmem>>
      %dma_start3A_290 = arith.constant 0 : i32
      %dma_start3A_291 = arith.constant 0 : i32
      %dma_start3A_292 = tpu.memref_slice %arg13[%dma_start3A_290, %dma_start3A_291] : memref<10240x64xf32, #tpu.memory_space<vmem_shared>> -> memref<10240x64xf32, #tpu.memory_space<vmem_shared>>
      tpu.enqueue_indirect_dma source(%arg10 : memref<125x64xf32, #tpu.memory_space<vmem>>) target(%dma_start3A_292 : memref<10240x64xf32, #tpu.memory_space<vmem_shared>>) offsets(%dma_start3A_289 : memref<125xi32, #tpu.memory_space<vmem>>) semaphore(%arg20 : memref<!tpu.dma_semaphore, #tpu.memory_space<semaphore_mem>>) {add = true}
      %add3A_293 = arith.constant 3 : i32
      %add3A_294 = arith.addi %mul3A_220, %add3A_293 : i32
      %add3A_295 = arith.constant 2 : i32
      %add3A_296 = arith.addi %add3A_294, %add3A_295 : i32
      %lt3A_297 = arith.constant 160 : i32
      %lt3A_298 = arith.cmpi slt, %add3A_296, %lt3A_297 : i32
      %convert_element_type3A_299 = arith.extui %lt3A_298 : i1 to i32
      %cond3A_300 = arith.constant 0 : i32
      %cond3A_301 = arith.cmpi ne, %convert_element_type3A_299, %cond3A_300 : i32
      scf.if %cond3A_301 {
        %ge3A = arith.constant 2 : i32
        %ge3A_318 = arith.cmpi sge, %add3A_294, %ge3A : i32
        %convert_element_type3A_319 = arith.extui %ge3A_318 : i1 to i32
        %cond3A_320 = arith.constant 0 : i32
        %cond3A_321 = arith.cmpi ne, %convert_element_type3A_319, %cond3A_320 : i32
        scf.if %cond3A_321 {
          %sub3A = arith.constant 2 : i32
          %sub3A_334 = arith.subi %add3A_294, %sub3A : i32
          %dma_wait3A_335 = arith.constant 0 : i32
          %dma_wait3A_336 = tpu.memref_slice %arg7[%sub3A_334, %dma_wait3A_335] : memref<160x125xi32, #tpu.memory_space<vmem>> -> memref<1x125xi32, #tpu.memory_space<vmem>>
          %dma_wait3A_337 = tpu.memref_squeeze %dma_wait3A_336 : memref<1x125xi32, #tpu.memory_space<vmem>> -> memref<125xi32, #tpu.memory_space<vmem>>
          %dma_wait3A_338 = arith.constant 0 : i32
          %dma_wait3A_339 = arith.constant 0 : i32
          %dma_wait3A_340 = tpu.memref_slice %arg13[%dma_wait3A_338, %dma_wait3A_339] : memref<10240x64xf32, #tpu.memory_space<vmem_shared>> -> memref<10240x64xf32, #tpu.memory_space<vmem_shared>>
          tpu.wait_indirect_dma semaphore(%arg19 : memref<!tpu.dma_semaphore, #tpu.memory_space<semaphore_mem>>) src(%arg9 : memref<125x64xf32, #tpu.memory_space<vmem>>) dst(%dma_wait3A_340 : memref<10240x64xf32, #tpu.memory_space<vmem_shared>>)
        } else {
        }
        %add3A_322 = arith.constant 2 : i32
        %add3A_323 = arith.addi %add3A_294, %add3A_322 : i32
        %dma_start3A_324 = arith.constant 0 : i32
        %dma_start3A_325 = tpu.memref_slice %arg6[%add3A_323, %dma_start3A_324] : memref<160x125xi32, #tpu.memory_space<vmem>> -> memref<1x125xi32, #tpu.memory_space<vmem>>
        %dma_start3A_326 = tpu.memref_squeeze %dma_start3A_325 : memref<1x125xi32, #tpu.memory_space<vmem>> -> memref<125xi32, #tpu.memory_space<vmem>>
        %dma_start3A_327 = arith.constant 0 : i32
        %dma_start3A_328 = arith.constant 0 : i32
        %dma_start3A_329 = tpu.memref_slice %arg2[%arg0, %dma_start3A_327, %dma_start3A_328] : memref<2x10000x64xf32, #tpu.memory_space<hbm>> -> memref<1x10000x64xf32, #tpu.memory_space<hbm>>
        %dma_start3A_330 = tpu.memref_squeeze %dma_start3A_329 : memref<1x10000x64xf32, #tpu.memory_space<hbm>> -> memref<10000x64xf32, #tpu.memory_space<hbm>>
        %dma_start3A_331 = arith.constant 0 : i32
        %dma_start3A_332 = arith.constant 0 : i32
        %dma_start3A_333 = tpu.memref_slice %dma_start3A_330[%dma_start3A_331, %dma_start3A_332] : memref<10000x64xf32, #tpu.memory_space<hbm>> -> memref<10000x64xf32, #tpu.memory_space<hbm>>
        tpu.enqueue_indirect_dma source(%dma_start3A_333 : memref<10000x64xf32, #tpu.memory_space<hbm>>) target(%arg9 : memref<125x64xf32, #tpu.memory_space<vmem>>) offsets(%dma_start3A_326 : memref<125xi32, #tpu.memory_space<vmem>>) semaphore(%arg15 : memref<!tpu.dma_semaphore, #tpu.memory_space<semaphore_mem>>)
      } else {
      }
      %dma_wait3A_302 = arith.constant 0 : i32
      %dma_wait3A_303 = tpu.memref_slice %arg6[%add3A_294, %dma_wait3A_302] : memref<160x125xi32, #tpu.memory_space<vmem>> -> memref<1x125xi32, #tpu.memory_space<vmem>>
      %dma_wait3A_304 = tpu.memref_squeeze %dma_wait3A_303 : memref<1x125xi32, #tpu.memory_space<vmem>> -> memref<125xi32, #tpu.memory_space<vmem>>
      %dma_wait3A_305 = arith.constant 0 : i32
      %dma_wait3A_306 = arith.constant 0 : i32
      %dma_wait3A_307 = tpu.memref_slice %arg2[%arg0, %dma_wait3A_305, %dma_wait3A_306] : memref<2x10000x64xf32, #tpu.memory_space<hbm>> -> memref<1x10000x64xf32, #tpu.memory_space<hbm>>
      %dma_wait3A_308 = tpu.memref_squeeze %dma_wait3A_307 : memref<1x10000x64xf32, #tpu.memory_space<hbm>> -> memref<10000x64xf32, #tpu.memory_space<hbm>>
      %dma_wait3A_309 = arith.constant 0 : i32
      %dma_wait3A_310 = arith.constant 0 : i32
      %dma_wait3A_311 = tpu.memref_slice %dma_wait3A_308[%dma_wait3A_309, %dma_wait3A_310] : memref<10000x64xf32, #tpu.memory_space<hbm>> -> memref<10000x64xf32, #tpu.memory_space<hbm>>
      tpu.wait_indirect_dma semaphore(%arg17 : memref<!tpu.dma_semaphore, #tpu.memory_space<semaphore_mem>>) src(%dma_wait3A_311 : memref<10000x64xf32, #tpu.memory_space<hbm>>) dst(%arg11 : memref<125x64xf32, #tpu.memory_space<vmem>>)
      %dma_start3A_312 = arith.constant 0 : i32
      %dma_start3A_313 = tpu.memref_slice %arg7[%add3A_294, %dma_start3A_312] : memref<160x125xi32, #tpu.memory_space<vmem>> -> memref<1x125xi32, #tpu.memory_space<vmem>>
      %dma_start3A_314 = tpu.memref_squeeze %dma_start3A_313 : memref<1x125xi32, #tpu.memory_space<vmem>> -> memref<125xi32, #tpu.memory_space<vmem>>
      %dma_start3A_315 = arith.constant 0 : i32
      %dma_start3A_316 = arith.constant 0 : i32
      %dma_start3A_317 = tpu.memref_slice %arg13[%dma_start3A_315, %dma_start3A_316] : memref<10240x64xf32, #tpu.memory_space<vmem_shared>> -> memref<10240x64xf32, #tpu.memory_space<vmem_shared>>
      tpu.enqueue_indirect_dma source(%arg11 : memref<125x64xf32, #tpu.memory_space<vmem>>) target(%dma_start3A_317 : memref<10240x64xf32, #tpu.memory_space<vmem_shared>>) offsets(%dma_start3A_314 : memref<125xi32, #tpu.memory_space<vmem>>) semaphore(%arg21 : memref<!tpu.dma_semaphore, #tpu.memory_space<semaphore_mem>>) {add = true}
    }
    %scan3A_118 = arith.constant 40 : i32
    %dma_wait3A_119 = arith.constant 156 : i32
    %dma_wait3A_120 = arith.constant 0 : i32
    %dma_wait3A_121 = tpu.memref_slice %arg7[%dma_wait3A_119, %dma_wait3A_120] : memref<160x125xi32, #tpu.memory_space<vmem>> -> memref<1x125xi32, #tpu.memory_space<vmem>>
    %dma_wait3A_122 = tpu.memref_squeeze %dma_wait3A_121 : memref<1x125xi32, #tpu.memory_space<vmem>> -> memref<125xi32, #tpu.memory_space<vmem>>
    %dma_wait3A_123 = arith.constant 0 : i32
    %dma_wait3A_124 = arith.constant 0 : i32
    %dma_wait3A_125 = tpu.memref_slice %arg13[%dma_wait3A_123, %dma_wait3A_124] : memref<10240x64xf32, #tpu.memory_space<vmem_shared>> -> memref<10240x64xf32, #tpu.memory_space<vmem_shared>>
    tpu.wait_indirect_dma semaphore(%arg18 : memref<!tpu.dma_semaphore, #tpu.memory_space<semaphore_mem>>) src(%arg8 : memref<125x64xf32, #tpu.memory_space<vmem>>) dst(%dma_wait3A_125 : memref<10240x64xf32, #tpu.memory_space<vmem_shared>>)
    %dma_wait3A_126 = arith.constant 157 : i32
    %dma_wait3A_127 = arith.constant 0 : i32
    %dma_wait3A_128 = tpu.memref_slice %arg7[%dma_wait3A_126, %dma_wait3A_127] : memref<160x125xi32, #tpu.memory_space<vmem>> -> memref<1x125xi32, #tpu.memory_space<vmem>>
    %dma_wait3A_129 = tpu.memref_squeeze %dma_wait3A_128 : memref<1x125xi32, #tpu.memory_space<vmem>> -> memref<125xi32, #tpu.memory_space<vmem>>
    %dma_wait3A_130 = arith.constant 0 : i32
    %dma_wait3A_131 = arith.constant 0 : i32
    %dma_wait3A_132 = tpu.memref_slice %arg13[%dma_wait3A_130, %dma_wait3A_131] : memref<10240x64xf32, #tpu.memory_space<vmem_shared>> -> memref<10240x64xf32, #tpu.memory_space<vmem_shared>>
    tpu.wait_indirect_dma semaphore(%arg19 : memref<!tpu.dma_semaphore, #tpu.memory_space<semaphore_mem>>) src(%arg9 : memref<125x64xf32, #tpu.memory_space<vmem>>) dst(%dma_wait3A_132 : memref<10240x64xf32, #tpu.memory_space<vmem_shared>>)
    %dma_wait3A_133 = arith.constant 158 : i32
    %dma_wait3A_134 = arith.constant 0 : i32
    %dma_wait3A_135 = tpu.memref_slice %arg7[%dma_wait3A_133, %dma_wait3A_134] : memref<160x125xi32, #tpu.memory_space<vmem>> -> memref<1x125xi32, #tpu.memory_space<vmem>>
    %dma_wait3A_136 = tpu.memref_squeeze %dma_wait3A_135 : memref<1x125xi32, #tpu.memory_space<vmem>> -> memref<125xi32, #tpu.memory_space<vmem>>
    %dma_wait3A_137 = arith.constant 0 : i32
    %dma_wait3A_138 = arith.constant 0 : i32
    %dma_wait3A_139 = tpu.memref_slice %arg13[%dma_wait3A_137, %dma_wait3A_138] : memref<10240x64xf32, #tpu.memory_space<vmem_shared>> -> memref<10240x64xf32, #tpu.memory_space<vmem_shared>>
    tpu.wait_indirect_dma semaphore(%arg20 : memref<!tpu.dma_semaphore, #tpu.memory_space<semaphore_mem>>) src(%arg10 : memref<125x64xf32, #tpu.memory_space<vmem>>) dst(%dma_wait3A_139 : memref<10240x64xf32, #tpu.memory_space<vmem_shared>>)
    %dma_wait3A_140 = arith.constant 159 : i32
    %dma_wait3A_141 = arith.constant 0 : i32
    %dma_wait3A_142 = tpu.memref_slice %arg7[%dma_wait3A_140, %dma_wait3A_141] : memref<160x125xi32, #tpu.memory_space<vmem>> -> memref<1x125xi32, #tpu.memory_space<vmem>>
    %dma_wait3A_143 = tpu.memref_squeeze %dma_wait3A_142 : memref<1x125xi32, #tpu.memory_space<vmem>> -> memref<125xi32, #tpu.memory_space<vmem>>
    %dma_wait3A_144 = arith.constant 0 : i32
    %dma_wait3A_145 = arith.constant 0 : i32
    %dma_wait3A_146 = tpu.memref_slice %arg13[%dma_wait3A_144, %dma_wait3A_145] : memref<10240x64xf32, #tpu.memory_space<vmem_shared>> -> memref<10240x64xf32, #tpu.memory_space<vmem_shared>>
    tpu.wait_indirect_dma semaphore(%arg21 : memref<!tpu.dma_semaphore, #tpu.memory_space<semaphore_mem>>) src(%arg11 : memref<125x64xf32, #tpu.memory_space<vmem>>) dst(%dma_wait3A_146 : memref<10240x64xf32, #tpu.memory_space<vmem_shared>>)
    %barrier3A_147 = arith.constant 0 : index
    tpu.barrier barrier_id(%barrier3A_147)
    %mul3A_148 = arith.constant 640 : i32
    %mul3A_149 = arith.muli %arg1, %mul3A_148 : i32
    %add3A_150 = arith.constant 0 : i32
    %add3A_151 = arith.addi %mul3A_149, %add3A_150 : i32
    %dma_start3A_152 = arith.constant 0 : i32
    %dma_start3A_153 = tpu.memref_slice %arg5[%arg0, %add3A_151, %dma_start3A_152] : memref<2x10240x64xf32, #tpu.memory_space<hbm>> -> memref<1x128x64xf32, #tpu.memory_space<hbm>>
    %dma_start3A_154 = tpu.memref_squeeze %dma_start3A_153 : memref<1x128x64xf32, #tpu.memory_space<hbm>> -> memref<128x64xf32, #tpu.memory_space<hbm>>
    %dma_start3A_155 = arith.constant 0 : i32
    %dma_start3A_156 = tpu.memref_slice %arg13[%add3A_151, %dma_start3A_155] : memref<10240x64xf32, #tpu.memory_space<vmem_shared>> -> memref<128x64xf32, #tpu.memory_space<vmem_shared>>
    tpu.enqueue_dma source(%dma_start3A_156 : memref<128x64xf32, #tpu.memory_space<vmem_shared>>) target(%dma_start3A_154 : memref<128x64xf32, #tpu.memory_space<hbm>>) target_semaphore(%arg14 : memref<!tpu.dma_semaphore, #tpu.memory_space<semaphore_mem>>)
    %mul3A_157 = arith.constant 640 : i32
    %mul3A_158 = arith.muli %arg1, %mul3A_157 : i32
    %add3A_159 = arith.constant 128 : i32
    %add3A_160 = arith.addi %mul3A_158, %add3A_159 : i32
    %dma_start3A_161 = arith.constant 0 : i32
    %dma_start3A_162 = tpu.memref_slice %arg5[%arg0, %add3A_160, %dma_start3A_161] : memref<2x10240x64xf32, #tpu.memory_space<hbm>> -> memref<1x128x64xf32, #tpu.memory_space<hbm>>
    %dma_start3A_163 = tpu.memref_squeeze %dma_start3A_162 : memref<1x128x64xf32, #tpu.memory_space<hbm>> -> memref<128x64xf32, #tpu.memory_space<hbm>>
    %dma_start3A_164 = arith.constant 0 : i32
    %dma_start3A_165 = tpu.memref_slice %arg13[%add3A_160, %dma_start3A_164] : memref<10240x64xf32, #tpu.memory_space<vmem_shared>> -> memref<128x64xf32, #tpu.memory_space<vmem_shared>>
    tpu.enqueue_dma source(%dma_start3A_165 : memref<128x64xf32, #tpu.memory_space<vmem_shared>>) target(%dma_start3A_163 : memref<128x64xf32, #tpu.memory_space<hbm>>) target_semaphore(%arg15 : memref<!tpu.dma_semaphore, #tpu.memory_space<semaphore_mem>>)
    %mul3A_166 = arith.constant 640 : i32
    %mul3A_167 = arith.muli %arg1, %mul3A_166 : i32
    %add3A_168 = arith.constant 256 : i32
    %add3A_169 = arith.addi %mul3A_167, %add3A_168 : i32
    %dma_start3A_170 = arith.constant 0 : i32
    %dma_start3A_171 = tpu.memref_slice %arg5[%arg0, %add3A_169, %dma_start3A_170] : memref<2x10240x64xf32, #tpu.memory_space<hbm>> -> memref<1x128x64xf32, #tpu.memory_space<hbm>>
    %dma_start3A_172 = tpu.memref_squeeze %dma_start3A_171 : memref<1x128x64xf32, #tpu.memory_space<hbm>> -> memref<128x64xf32, #tpu.memory_space<hbm>>
    %dma_start3A_173 = arith.constant 0 : i32
    %dma_start3A_174 = tpu.memref_slice %arg13[%add3A_169, %dma_start3A_173] : memref<10240x64xf32, #tpu.memory_space<vmem_shared>> -> memref<128x64xf32, #tpu.memory_space<vmem_shared>>
    tpu.enqueue_dma source(%dma_start3A_174 : memref<128x64xf32, #tpu.memory_space<vmem_shared>>) target(%dma_start3A_172 : memref<128x64xf32, #tpu.memory_space<hbm>>) target_semaphore(%arg16 : memref<!tpu.dma_semaphore, #tpu.memory_space<semaphore_mem>>)
    %mul3A_175 = arith.constant 640 : i32
    %mul3A_176 = arith.muli %arg1, %mul3A_175 : i32
    %add3A_177 = arith.constant 384 : i32
    %add3A_178 = arith.addi %mul3A_176, %add3A_177 : i32
    %dma_start3A_179 = arith.constant 0 : i32
    %dma_start3A_180 = tpu.memref_slice %arg5[%arg0, %add3A_178, %dma_start3A_179] : memref<2x10240x64xf32, #tpu.memory_space<hbm>> -> memref<1x128x64xf32, #tpu.memory_space<hbm>>
    %dma_start3A_181 = tpu.memref_squeeze %dma_start3A_180 : memref<1x128x64xf32, #tpu.memory_space<hbm>> -> memref<128x64xf32, #tpu.memory_space<hbm>>
    %dma_start3A_182 = arith.constant 0 : i32
    %dma_start3A_183 = tpu.memref_slice %arg13[%add3A_178, %dma_start3A_182] : memref<10240x64xf32, #tpu.memory_space<vmem_shared>> -> memref<128x64xf32, #tpu.memory_space<vmem_shared>>
    tpu.enqueue_dma source(%dma_start3A_183 : memref<128x64xf32, #tpu.memory_space<vmem_shared>>) target(%dma_start3A_181 : memref<128x64xf32, #tpu.memory_space<hbm>>) target_semaphore(%arg17 : memref<!tpu.dma_semaphore, #tpu.memory_space<semaphore_mem>>)
    %mul3A_184 = arith.constant 640 : i32
    %mul3A_185 = arith.muli %arg1, %mul3A_184 : i32
    %add3A_186 = arith.constant 512 : i32
    %add3A_187 = arith.addi %mul3A_185, %add3A_186 : i32
    %dma_start3A_188 = arith.constant 0 : i32
    %dma_start3A_189 = tpu.memref_slice %arg5[%arg0, %add3A_187, %dma_start3A_188] : memref<2x10240x64xf32, #tpu.memory_space<hbm>> -> memref<1x128x64xf32, #tpu.memory_space<hbm>>
    %dma_start3A_190 = tpu.memref_squeeze %dma_start3A_189 : memref<1x128x64xf32, #tpu.memory_space<hbm>> -> memref<128x64xf32, #tpu.memory_space<hbm>>
    %dma_start3A_191 = arith.constant 0 : i32
    %dma_start3A_192 = tpu.memref_slice %arg13[%add3A_187, %dma_start3A_191] : memref<10240x64xf32, #tpu.memory_space<vmem_shared>> -> memref<128x64xf32, #tpu.memory_space<vmem_shared>>
    tpu.enqueue_dma source(%dma_start3A_192 : memref<128x64xf32, #tpu.memory_space<vmem_shared>>) target(%dma_start3A_190 : memref<128x64xf32, #tpu.memory_space<hbm>>) target_semaphore(%arg14 : memref<!tpu.dma_semaphore, #tpu.memory_space<semaphore_mem>>)
    %dma_wait3A_193 = arith.constant 0 : i32
    %dma_wait3A_194 = tpu.memref_slice %arg5[%arg0, %add3A_151, %dma_wait3A_193] : memref<2x10240x64xf32, #tpu.memory_space<hbm>> -> memref<1x128x64xf32, #tpu.memory_space<hbm>>
    %dma_wait3A_195 = tpu.memref_squeeze %dma_wait3A_194 : memref<1x128x64xf32, #tpu.memory_space<hbm>> -> memref<128x64xf32, #tpu.memory_space<hbm>>
    %dma_wait3A_196 = arith.constant 0 : i32
    %dma_wait3A_197 = tpu.memref_slice %arg13[%add3A_151, %dma_wait3A_196] : memref<10240x64xf32, #tpu.memory_space<vmem_shared>> -> memref<128x64xf32, #tpu.memory_space<vmem_shared>>
    tpu.wait_dma2 semaphore(%arg14 : memref<!tpu.dma_semaphore, #tpu.memory_space<semaphore_mem>>) src(%dma_wait3A_197 : memref<128x64xf32, #tpu.memory_space<vmem_shared>>) dst(%dma_wait3A_195 : memref<128x64xf32, #tpu.memory_space<hbm>>)
    %dma_wait3A_198 = arith.constant 0 : i32
    %dma_wait3A_199 = tpu.memref_slice %arg5[%arg0, %add3A_160, %dma_wait3A_198] : memref<2x10240x64xf32, #tpu.memory_space<hbm>> -> memref<1x128x64xf32, #tpu.memory_space<hbm>>
    %dma_wait3A_200 = tpu.memref_squeeze %dma_wait3A_199 : memref<1x128x64xf32, #tpu.memory_space<hbm>> -> memref<128x64xf32, #tpu.memory_space<hbm>>
    %dma_wait3A_201 = arith.constant 0 : i32
    %dma_wait3A_202 = tpu.memref_slice %arg13[%add3A_160, %dma_wait3A_201] : memref<10240x64xf32, #tpu.memory_space<vmem_shared>> -> memref<128x64xf32, #tpu.memory_space<vmem_shared>>
    tpu.wait_dma2 semaphore(%arg15 : memref<!tpu.dma_semaphore, #tpu.memory_space<semaphore_mem>>) src(%dma_wait3A_202 : memref<128x64xf32, #tpu.memory_space<vmem_shared>>) dst(%dma_wait3A_200 : memref<128x64xf32, #tpu.memory_space<hbm>>)
    %dma_wait3A_203 = arith.constant 0 : i32
    %dma_wait3A_204 = tpu.memref_slice %arg5[%arg0, %add3A_169, %dma_wait3A_203] : memref<2x10240x64xf32, #tpu.memory_space<hbm>> -> memref<1x128x64xf32, #tpu.memory_space<hbm>>
    %dma_wait3A_205 = tpu.memref_squeeze %dma_wait3A_204 : memref<1x128x64xf32, #tpu.memory_space<hbm>> -> memref<128x64xf32, #tpu.memory_space<hbm>>
    %dma_wait3A_206 = arith.constant 0 : i32
    %dma_wait3A_207 = tpu.memref_slice %arg13[%add3A_169, %dma_wait3A_206] : memref<10240x64xf32, #tpu.memory_space<vmem_shared>> -> memref<128x64xf32, #tpu.memory_space<vmem_shared>>
    tpu.wait_dma2 semaphore(%arg16 : memref<!tpu.dma_semaphore, #tpu.memory_space<semaphore_mem>>) src(%dma_wait3A_207 : memref<128x64xf32, #tpu.memory_space<vmem_shared>>) dst(%dma_wait3A_205 : memref<128x64xf32, #tpu.memory_space<hbm>>)
    %dma_wait3A_208 = arith.constant 0 : i32
    %dma_wait3A_209 = tpu.memref_slice %arg5[%arg0, %add3A_178, %dma_wait3A_208] : memref<2x10240x64xf32, #tpu.memory_space<hbm>> -> memref<1x128x64xf32, #tpu.memory_space<hbm>>
    %dma_wait3A_210 = tpu.memref_squeeze %dma_wait3A_209 : memref<1x128x64xf32, #tpu.memory_space<hbm>> -> memref<128x64xf32, #tpu.memory_space<hbm>>
    %dma_wait3A_211 = arith.constant 0 : i32
    %dma_wait3A_212 = tpu.memref_slice %arg13[%add3A_178, %dma_wait3A_211] : memref<10240x64xf32, #tpu.memory_space<vmem_shared>> -> memref<128x64xf32, #tpu.memory_space<vmem_shared>>
    tpu.wait_dma2 semaphore(%arg17 : memref<!tpu.dma_semaphore, #tpu.memory_space<semaphore_mem>>) src(%dma_wait3A_212 : memref<128x64xf32, #tpu.memory_space<vmem_shared>>) dst(%dma_wait3A_210 : memref<128x64xf32, #tpu.memory_space<hbm>>)
    %dma_wait3A_213 = arith.constant 0 : i32
    %dma_wait3A_214 = tpu.memref_slice %arg5[%arg0, %add3A_187, %dma_wait3A_213] : memref<2x10240x64xf32, #tpu.memory_space<hbm>> -> memref<1x128x64xf32, #tpu.memory_space<hbm>>
    %dma_wait3A_215 = tpu.memref_squeeze %dma_wait3A_214 : memref<1x128x64xf32, #tpu.memory_space<hbm>> -> memref<128x64xf32, #tpu.memory_space<hbm>>
    %dma_wait3A_216 = arith.constant 0 : i32
    %dma_wait3A_217 = tpu.memref_slice %arg13[%add3A_187, %dma_wait3A_216] : memref<10240x64xf32, #tpu.memory_space<vmem_shared>> -> memref<128x64xf32, #tpu.memory_space<vmem_shared>>
    tpu.wait_dma2 semaphore(%arg14 : memref<!tpu.dma_semaphore, #tpu.memory_space<semaphore_mem>>) src(%dma_wait3A_217 : memref<128x64xf32, #tpu.memory_space<vmem_shared>>) dst(%dma_wait3A_215 : memref<128x64xf32, #tpu.memory_space<hbm>>)
    return
  }
}

#map = affine_map<(d0, d1) -> (0, 0, 0)>
#map1 = affine_map<(d0, d1) -> (0, 0, 0, 0)>
#map2 = affine_map<(d0, d1) -> (0, 0)>
module attributes {stable_mosaic.version = 14 : i64} {
  func.func @k(%arg0: i32, %arg1: i32, %arg2: memref<2x10000x64xf32, #tpu.memory_space<hbm>>, %arg3: memref<2x16x160x125xi32, #tpu.memory_space<hbm>>, %arg4: memref<128x64xf32, #tpu.memory_space<hbm>>, %arg5: memref<2x10240x64xf32, #tpu.memory_space<hbm>>, %arg6: memref<160x125xi32, #tpu.memory_space<vmem>>, %arg7: memref<160x125xi32, #tpu.memory_space<vmem>>, %arg8: memref<125x64xf32, #tpu.memory_space<vmem>>, %arg9: memref<125x64xf32, #tpu.memory_space<vmem>>, %arg10: memref<125x64xf32, #tpu.memory_space<vmem>>, %arg11: memref<125x64xf32, #tpu.memory_space<vmem>>, %arg12: memref<128x64xf32, #tpu.memory_space<vmem>>, %arg13: memref<10240x64xf32, #tpu.memory_space<vmem_shared>>, %arg14: memref<!tpu.dma_semaphore, #tpu.memory_space<semaphore_mem>>, %arg15: memref<!tpu.dma_semaphore, #tpu.memory_space<semaphore_mem>>, %arg16: memref<!tpu.dma_semaphore, #tpu.memory_space<semaphore_mem>>, %arg17: memref<!tpu.dma_semaphore, #tpu.memory_space<semaphore_mem>>, %arg18: memref<!tpu.dma_semaphore, #tpu.memory_space<semaphore_mem>>, %arg19: memref<!tpu.dma_semaphore, #tpu.memory_space<semaphore_mem>>, %arg20: memref<!tpu.dma_semaphore, #tpu.memory_space<semaphore_mem>>, %arg21: memref<!tpu.dma_semaphore, #tpu.memory_space<semaphore_mem>>) attributes {dimension_semantics = [#tpu.dimension_semantics<core_parallel>, #tpu.dimension_semantics<subcore_parallel>], iteration_bounds = array<i64: 2, 16>, scalar_prefetch = 0 : i64, scratch_operands = 16 : i64, tpu.core_type = #tpu.core_type<sc_vector_subcore>, window_params = [{transform_indices = #map}, {transform_indices = #map1}, {transform_indices = #map2}, {transform_indices = #map}]} {
    %dma_start3A = arith.constant 0 : i32
    %dma_start3A_0 = arith.constant 0 : i32
    %dma_start3A_1 = arith.constant 0 : i32
    %dma_start3A_2 = tpu.memref_slice %arg3[%dma_start3A, %arg1, %dma_start3A_0, %dma_start3A_1] : memref<2x16x160x125xi32, #tpu.memory_space<hbm>> -> memref<1x1x160x125xi32, #tpu.memory_space<hbm>>
    %dma_start3A_3 = tpu.memref_squeeze %dma_start3A_2 : memref<1x1x160x125xi32, #tpu.memory_space<hbm>> -> memref<160x125xi32, #tpu.memory_space<hbm>>
    %dma_start3A_4 = arith.constant 0 : i32
    %dma_start3A_5 = arith.constant 0 : i32
    %dma_start3A_6 = tpu.memref_slice %arg3[%dma_start3A, %arg1, %dma_start3A_4, %dma_start3A_5] : memref<2x16x160x125xi32, #tpu.memory_space<hbm>> -> memref<1x1x160x125xi32, #tpu.memory_space<hbm>>
    %dma_start3A_7 = tpu.memref_squeeze %dma_start3A_6 : memref<1x1x160x125xi32, #tpu.memory_space<hbm>> -> memref<160x125xi32, #tpu.memory_space<hbm>>
    tpu.enqueue_dma source(%dma_start3A_7 : memref<160x125xi32, #tpu.memory_space<hbm>>) target(%arg6 : memref<160x125xi32, #tpu.memory_space<vmem>>) target_semaphore(%arg14 : memref<!tpu.dma_semaphore, #tpu.memory_space<semaphore_mem>>)
    %dma_start3A_8 = arith.constant 1 : i32
    %dma_start3A_9 = arith.constant 0 : i32
    %dma_start3A_10 = arith.constant 0 : i32
    %dma_start3A_11 = tpu.memref_slice %arg3[%dma_start3A_8, %arg1, %dma_start3A_9, %dma_start3A_10] : memref<2x16x160x125xi32, #tpu.memory_space<hbm>> -> memref<1x1x160x125xi32, #tpu.memory_space<hbm>>
    %dma_start3A_12 = tpu.memref_squeeze %dma_start3A_11 : memref<1x1x160x125xi32, #tpu.memory_space<hbm>> -> memref<160x125xi32, #tpu.memory_space<hbm>>
    %dma_start3A_13 = arith.constant 0 : i32
    %dma_start3A_14 = arith.constant 0 : i32
    %dma_start3A_15 = tpu.memref_slice %arg3[%dma_start3A_8, %arg1, %dma_start3A_13, %dma_start3A_14] : memref<2x16x160x125xi32, #tpu.memory_space<hbm>> -> memref<1x1x160x125xi32, #tpu.memory_space<hbm>>
    %dma_start3A_16 = tpu.memref_squeeze %dma_start3A_15 : memref<1x1x160x125xi32, #tpu.memory_space<hbm>> -> memref<160x125xi32, #tpu.memory_space<hbm>>
    tpu.enqueue_dma source(%dma_start3A_16 : memref<160x125xi32, #tpu.memory_space<hbm>>) target(%arg7 : memref<160x125xi32, #tpu.memory_space<vmem>>) target_semaphore(%arg15 : memref<!tpu.dma_semaphore, #tpu.memory_space<semaphore_mem>>)
    "tpu.region"() ({
      %run_scoped3A = tpu.sem_alloc : memref<!tpu.dma_semaphore, #tpu.memory_space<semaphore_mem>>
      tpu.enqueue_dma source(%arg4 : memref<128x64xf32, #tpu.memory_space<hbm>>) target(%arg12 : memref<128x64xf32, #tpu.memory_space<vmem>>) target_semaphore(%run_scoped3A : memref<!tpu.dma_semaphore, #tpu.memory_space<semaphore_mem>>)
      tpu.wait_dma2 semaphore(%run_scoped3A : memref<!tpu.dma_semaphore, #tpu.memory_space<semaphore_mem>>) src(%arg4 : memref<128x64xf32, #tpu.memory_space<hbm>>) dst(%arg12 : memref<128x64xf32, #tpu.memory_space<vmem>>)
      tpu.yield
    }) : () -> ()
    %mul3A = arith.constant 640 : i32
    %mul3A_17 = arith.muli %arg1, %mul3A : i32
    %add3A = arith.constant 0 : i32
    %add3A_18 = arith.addi %mul3A_17, %add3A : i32
    %dma_start3A_19 = arith.constant 0 : i32
    %dma_start3A_20 = tpu.memref_slice %arg13[%add3A_18, %dma_start3A_19] : memref<10240x64xf32, #tpu.memory_space<vmem_shared>> -> memref<128x64xf32, #tpu.memory_space<vmem_shared>>
    %dma_start3A_21 = arith.constant 0 : i32
    %dma_start3A_22 = tpu.memref_slice %arg13[%add3A_18, %dma_start3A_21] : memref<10240x64xf32, #tpu.memory_space<vmem_shared>> -> memref<128x64xf32, #tpu.memory_space<vmem_shared>>
    tpu.enqueue_dma source(%arg12 : memref<128x64xf32, #tpu.memory_space<vmem>>) target(%dma_start3A_22 : memref<128x64xf32, #tpu.memory_space<vmem_shared>>) target_semaphore(%arg18 : memref<!tpu.dma_semaphore, #tpu.memory_space<semaphore_mem>>)
    %mul3A_23 = arith.constant 640 : i32
    %mul3A_24 = arith.muli %arg1, %mul3A_23 : i32
    %add3A_25 = arith.constant 128 : i32
    %add3A_26 = arith.addi %mul3A_24, %add3A_25 : i32
    %dma_start3A_27 = arith.constant 0 : i32
    %dma_start3A_28 = tpu.memref_slice %arg13[%add3A_26, %dma_start3A_27] : memref<10240x64xf32, #tpu.memory_space<vmem_shared>> -> memref<128x64xf32, #tpu.memory_space<vmem_shared>>
    %dma_start3A_29 = arith.constant 0 : i32
    %dma_start3A_30 = tpu.memref_slice %arg13[%add3A_26, %dma_start3A_29] : memref<10240x64xf32, #tpu.memory_space<vmem_shared>> -> memref<128x64xf32, #tpu.memory_space<vmem_shared>>
    tpu.enqueue_dma source(%arg12 : memref<128x64xf32, #tpu.memory_space<vmem>>) target(%dma_start3A_30 : memref<128x64xf32, #tpu.memory_space<vmem_shared>>) target_semaphore(%arg18 : memref<!tpu.dma_semaphore, #tpu.memory_space<semaphore_mem>>)
    %mul3A_31 = arith.constant 640 : i32
    %mul3A_32 = arith.muli %arg1, %mul3A_31 : i32
    %add3A_33 = arith.constant 256 : i32
    %add3A_34 = arith.addi %mul3A_32, %add3A_33 : i32
    %dma_start3A_35 = arith.constant 0 : i32
    %dma_start3A_36 = tpu.memref_slice %arg13[%add3A_34, %dma_start3A_35] : memref<10240x64xf32, #tpu.memory_space<vmem_shared>> -> memref<128x64xf32, #tpu.memory_space<vmem_shared>>
    %dma_start3A_37 = arith.constant 0 : i32
    %dma_start3A_38 = tpu.memref_slice %arg13[%add3A_34, %dma_start3A_37] : memref<10240x64xf32, #tpu.memory_space<vmem_shared>> -> memref<128x64xf32, #tpu.memory_space<vmem_shared>>
    tpu.enqueue_dma source(%arg12 : memref<128x64xf32, #tpu.memory_space<vmem>>) target(%dma_start3A_38 : memref<128x64xf32, #tpu.memory_space<vmem_shared>>) target_semaphore(%arg18 : memref<!tpu.dma_semaphore, #tpu.memory_space<semaphore_mem>>)
    %mul3A_39 = arith.constant 640 : i32
    %mul3A_40 = arith.muli %arg1, %mul3A_39 : i32
    %add3A_41 = arith.constant 384 : i32
    %add3A_42 = arith.addi %mul3A_40, %add3A_41 : i32
    %dma_start3A_43 = arith.constant 0 : i32
    %dma_start3A_44 = tpu.memref_slice %arg13[%add3A_42, %dma_start3A_43] : memref<10240x64xf32, #tpu.memory_space<vmem_shared>> -> memref<128x64xf32, #tpu.memory_space<vmem_shared>>
    %dma_start3A_45 = arith.constant 0 : i32
    %dma_start3A_46 = tpu.memref_slice %arg13[%add3A_42, %dma_start3A_45] : memref<10240x64xf32, #tpu.memory_space<vmem_shared>> -> memref<128x64xf32, #tpu.memory_space<vmem_shared>>
    tpu.enqueue_dma source(%arg12 : memref<128x64xf32, #tpu.memory_space<vmem>>) target(%dma_start3A_46 : memref<128x64xf32, #tpu.memory_space<vmem_shared>>) target_semaphore(%arg18 : memref<!tpu.dma_semaphore, #tpu.memory_space<semaphore_mem>>)
    %mul3A_47 = arith.constant 640 : i32
    %mul3A_48 = arith.muli %arg1, %mul3A_47 : i32
    %add3A_49 = arith.constant 512 : i32
    %add3A_50 = arith.addi %mul3A_48, %add3A_49 : i32
    %dma_start3A_51 = arith.constant 0 : i32
    %dma_start3A_52 = tpu.memref_slice %arg13[%add3A_50, %dma_start3A_51] : memref<10240x64xf32, #tpu.memory_space<vmem_shared>> -> memref<128x64xf32, #tpu.memory_space<vmem_shared>>
    %dma_start3A_53 = arith.constant 0 : i32
    %dma_start3A_54 = tpu.memref_slice %arg13[%add3A_50, %dma_start3A_53] : memref<10240x64xf32, #tpu.memory_space<vmem_shared>> -> memref<128x64xf32, #tpu.memory_space<vmem_shared>>
    tpu.enqueue_dma source(%arg12 : memref<128x64xf32, #tpu.memory_space<vmem>>) target(%dma_start3A_54 : memref<128x64xf32, #tpu.memory_space<vmem_shared>>) target_semaphore(%arg18 : memref<!tpu.dma_semaphore, #tpu.memory_space<semaphore_mem>>)
    %dma_wait3A = arith.constant 0 : i32
    %dma_wait3A_55 = arith.constant 0 : i32
    %dma_wait3A_56 = arith.constant 0 : i32
    %dma_wait3A_57 = tpu.memref_slice %arg3[%dma_wait3A, %arg1, %dma_wait3A_55, %dma_wait3A_56] : memref<2x16x160x125xi32, #tpu.memory_space<hbm>> -> memref<1x1x160x125xi32, #tpu.memory_space<hbm>>
    %dma_wait3A_58 = tpu.memref_squeeze %dma_wait3A_57 : memref<1x1x160x125xi32, #tpu.memory_space<hbm>> -> memref<160x125xi32, #tpu.memory_space<hbm>>
    %dma_wait3A_59 = arith.constant 0 : i32
    %dma_wait3A_60 = arith.constant 0 : i32
    %dma_wait3A_61 = tpu.memref_slice %arg3[%dma_wait3A, %arg1, %dma_wait3A_59, %dma_wait3A_60] : memref<2x16x160x125xi32, #tpu.memory_space<hbm>> -> memref<1x1x160x125xi32, #tpu.memory_space<hbm>>
    %dma_wait3A_62 = tpu.memref_squeeze %dma_wait3A_61 : memref<1x1x160x125xi32, #tpu.memory_space<hbm>> -> memref<160x125xi32, #tpu.memory_space<hbm>>
    tpu.wait_dma2 semaphore(%arg14 : memref<!tpu.dma_semaphore, #tpu.memory_space<semaphore_mem>>) src(%dma_wait3A_62 : memref<160x125xi32, #tpu.memory_space<hbm>>) dst(%arg6 : memref<160x125xi32, #tpu.memory_space<vmem>>)
    %dma_wait3A_63 = arith.constant 1 : i32
    %dma_wait3A_64 = arith.constant 0 : i32
    %dma_wait3A_65 = arith.constant 0 : i32
    %dma_wait3A_66 = tpu.memref_slice %arg3[%dma_wait3A_63, %arg1, %dma_wait3A_64, %dma_wait3A_65] : memref<2x16x160x125xi32, #tpu.memory_space<hbm>> -> memref<1x1x160x125xi32, #tpu.memory_space<hbm>>
    %dma_wait3A_67 = tpu.memref_squeeze %dma_wait3A_66 : memref<1x1x160x125xi32, #tpu.memory_space<hbm>> -> memref<160x125xi32, #tpu.memory_space<hbm>>
    %dma_wait3A_68 = arith.constant 0 : i32
    %dma_wait3A_69 = arith.constant 0 : i32
    %dma_wait3A_70 = tpu.memref_slice %arg3[%dma_wait3A_63, %arg1, %dma_wait3A_68, %dma_wait3A_69] : memref<2x16x160x125xi32, #tpu.memory_space<hbm>> -> memref<1x1x160x125xi32, #tpu.memory_space<hbm>>
    %dma_wait3A_71 = tpu.memref_squeeze %dma_wait3A_70 : memref<1x1x160x125xi32, #tpu.memory_space<hbm>> -> memref<160x125xi32, #tpu.memory_space<hbm>>
    tpu.wait_dma2 semaphore(%arg15 : memref<!tpu.dma_semaphore, #tpu.memory_space<semaphore_mem>>) src(%dma_wait3A_71 : memref<160x125xi32, #tpu.memory_space<hbm>>) dst(%arg7 : memref<160x125xi32, #tpu.memory_space<vmem>>)
    %dma_wait3A_72 = arith.constant 0 : i32
    %dma_wait3A_73 = tpu.memref_slice %arg13[%add3A_18, %dma_wait3A_72] : memref<10240x64xf32, #tpu.memory_space<vmem_shared>> -> memref<128x64xf32, #tpu.memory_space<vmem_shared>>
    %dma_wait3A_74 = arith.constant 0 : i32
    %dma_wait3A_75 = tpu.memref_slice %arg13[%add3A_18, %dma_wait3A_74] : memref<10240x64xf32, #tpu.memory_space<vmem_shared>> -> memref<128x64xf32, #tpu.memory_space<vmem_shared>>
    tpu.wait_dma2 semaphore(%arg18 : memref<!tpu.dma_semaphore, #tpu.memory_space<semaphore_mem>>) src(%arg12 : memref<128x64xf32, #tpu.memory_space<vmem>>) dst(%dma_wait3A_75 : memref<128x64xf32, #tpu.memory_space<vmem_shared>>)
    %dma_wait3A_76 = arith.constant 0 : i32
    %dma_wait3A_77 = tpu.memref_slice %arg13[%add3A_26, %dma_wait3A_76] : memref<10240x64xf32, #tpu.memory_space<vmem_shared>> -> memref<128x64xf32, #tpu.memory_space<vmem_shared>>
    %dma_wait3A_78 = arith.constant 0 : i32
    %dma_wait3A_79 = tpu.memref_slice %arg13[%add3A_26, %dma_wait3A_78] : memref<10240x64xf32, #tpu.memory_space<vmem_shared>> -> memref<128x64xf32, #tpu.memory_space<vmem_shared>>
    tpu.wait_dma2 semaphore(%arg18 : memref<!tpu.dma_semaphore, #tpu.memory_space<semaphore_mem>>) src(%arg12 : memref<128x64xf32, #tpu.memory_space<vmem>>) dst(%dma_wait3A_79 : memref<128x64xf32, #tpu.memory_space<vmem_shared>>)
    %dma_wait3A_80 = arith.constant 0 : i32
    %dma_wait3A_81 = tpu.memref_slice %arg13[%add3A_34, %dma_wait3A_80] : memref<10240x64xf32, #tpu.memory_space<vmem_shared>> -> memref<128x64xf32, #tpu.memory_space<vmem_shared>>
    %dma_wait3A_82 = arith.constant 0 : i32
    %dma_wait3A_83 = tpu.memref_slice %arg13[%add3A_34, %dma_wait3A_82] : memref<10240x64xf32, #tpu.memory_space<vmem_shared>> -> memref<128x64xf32, #tpu.memory_space<vmem_shared>>
    tpu.wait_dma2 semaphore(%arg18 : memref<!tpu.dma_semaphore, #tpu.memory_space<semaphore_mem>>) src(%arg12 : memref<128x64xf32, #tpu.memory_space<vmem>>) dst(%dma_wait3A_83 : memref<128x64xf32, #tpu.memory_space<vmem_shared>>)
    %dma_wait3A_84 = arith.constant 0 : i32
    %dma_wait3A_85 = tpu.memref_slice %arg13[%add3A_42, %dma_wait3A_84] : memref<10240x64xf32, #tpu.memory_space<vmem_shared>> -> memref<128x64xf32, #tpu.memory_space<vmem_shared>>
    %dma_wait3A_86 = arith.constant 0 : i32
    %dma_wait3A_87 = tpu.memref_slice %arg13[%add3A_42, %dma_wait3A_86] : memref<10240x64xf32, #tpu.memory_space<vmem_shared>> -> memref<128x64xf32, #tpu.memory_space<vmem_shared>>
    tpu.wait_dma2 semaphore(%arg18 : memref<!tpu.dma_semaphore, #tpu.memory_space<semaphore_mem>>) src(%arg12 : memref<128x64xf32, #tpu.memory_space<vmem>>) dst(%dma_wait3A_87 : memref<128x64xf32, #tpu.memory_space<vmem_shared>>)
    %dma_wait3A_88 = arith.constant 0 : i32
    %dma_wait3A_89 = tpu.memref_slice %arg13[%add3A_50, %dma_wait3A_88] : memref<10240x64xf32, #tpu.memory_space<vmem_shared>> -> memref<128x64xf32, #tpu.memory_space<vmem_shared>>
    %dma_wait3A_90 = arith.constant 0 : i32
    %dma_wait3A_91 = tpu.memref_slice %arg13[%add3A_50, %dma_wait3A_90] : memref<10240x64xf32, #tpu.memory_space<vmem_shared>> -> memref<128x64xf32, #tpu.memory_space<vmem_shared>>
    tpu.wait_dma2 semaphore(%arg18 : memref<!tpu.dma_semaphore, #tpu.memory_space<semaphore_mem>>) src(%arg12 : memref<128x64xf32, #tpu.memory_space<vmem>>) dst(%dma_wait3A_91 : memref<128x64xf32, #tpu.memory_space<vmem_shared>>)
    %barrier3A = arith.constant 0 : index
    tpu.barrier barrier_id(%barrier3A)
    %dma_start3A_92 = arith.constant 0 : i32
    %dma_start3A_93 = arith.constant 0 : i32
    %dma_start3A_94 = tpu.memref_slice %arg6[%dma_start3A_92, %dma_start3A_93] : memref<160x125xi32, #tpu.memory_space<vmem>> -> memref<1x125xi32, #tpu.memory_space<vmem>>
    %dma_start3A_95 = tpu.memref_squeeze %dma_start3A_94 : memref<1x125xi32, #tpu.memory_space<vmem>> -> memref<125xi32, #tpu.memory_space<vmem>>
    %dma_start3A_96 = arith.constant 0 : i32
    %dma_start3A_97 = arith.constant 0 : i32
    %dma_start3A_98 = tpu.memref_slice %arg2[%arg0, %dma_start3A_96, %dma_start3A_97] : memref<2x10000x64xf32, #tpu.memory_space<hbm>> -> memref<1x10000x64xf32, #tpu.memory_space<hbm>>
    %dma_start3A_99 = tpu.memref_squeeze %dma_start3A_98 : memref<1x10000x64xf32, #tpu.memory_space<hbm>> -> memref<10000x64xf32, #tpu.memory_space<hbm>>
    %dma_start3A_100 = arith.constant 0 : i32
    %dma_start3A_101 = arith.constant 0 : i32
    %dma_start3A_102 = tpu.memref_slice %dma_start3A_99[%dma_start3A_100, %dma_start3A_101] : memref<10000x64xf32, #tpu.memory_space<hbm>> -> memref<10000x64xf32, #tpu.memory_space<hbm>>
    tpu.enqueue_indirect_dma source(%dma_start3A_102 : memref<10000x64xf32, #tpu.memory_space<hbm>>) target(%arg8 : memref<125x64xf32, #tpu.memory_space<vmem>>) offsets(%dma_start3A_95 : memref<125xi32, #tpu.memory_space<vmem>>) semaphore(%arg14 : memref<!tpu.dma_semaphore, #tpu.memory_space<semaphore_mem>>)
    %dma_start3A_103 = arith.constant 1 : i32
    %dma_start3A_104 = arith.constant 0 : i32
    %dma_start3A_105 = tpu.memref_slice %arg6[%dma_start3A_103, %dma_start3A_104] : memref<160x125xi32, #tpu.memory_space<vmem>> -> memref<1x125xi32, #tpu.memory_space<vmem>>
    %dma_start3A_106 = tpu.memref_squeeze %dma_start3A_105 : memref<1x125xi32, #tpu.memory_space<vmem>> -> memref<125xi32, #tpu.memory_space<vmem>>
    %dma_start3A_107 = arith.constant 0 : i32
    %dma_start3A_108 = arith.constant 0 : i32
    %dma_start3A_109 = tpu.memref_slice %arg2[%arg0, %dma_start3A_107, %dma_start3A_108] : memref<2x10000x64xf32, #tpu.memory_space<hbm>> -> memref<1x10000x64xf32, #tpu.memory_space<hbm>>
    %dma_start3A_110 = tpu.memref_squeeze %dma_start3A_109 : memref<1x10000x64xf32, #tpu.memory_space<hbm>> -> memref<10000x64xf32, #tpu.memory_space<hbm>>
    %dma_start3A_111 = arith.constant 0 : i32
    %dma_start3A_112 = arith.constant 0 : i32
    %dma_start3A_113 = tpu.memref_slice %dma_start3A_110[%dma_start3A_111, %dma_start3A_112] : memref<10000x64xf32, #tpu.memory_space<hbm>> -> memref<10000x64xf32, #tpu.memory_space<hbm>>
    tpu.enqueue_indirect_dma source(%dma_start3A_113 : memref<10000x64xf32, #tpu.memory_space<hbm>>) target(%arg9 : memref<125x64xf32, #tpu.memory_space<vmem>>) offsets(%dma_start3A_106 : memref<125xi32, #tpu.memory_space<vmem>>) semaphore(%arg15 : memref<!tpu.dma_semaphore, #tpu.memory_space<semaphore_mem>>)
    %scan3A = arith.constant 0 : i32
    %scan3A_114 = arith.constant 0 : i32
    %scan3A_115 = arith.constant 40 : i32
    %scan3A_116 = arith.addi %scan3A_114, %scan3A_115 : i32
    %scan3A_117 = arith.constant 1 : i32
    scf.for %scan3A_218 = %scan3A_114 to %scan3A_116 step %scan3A_117  : i32 {
      %mul3A_219 = arith.constant 4 : i32
      %mul3A_220 = arith.muli %scan3A_218, %mul3A_219 : i32
      %add3A_221 = arith.constant 0 : i32
      %add3A_222 = arith.addi %mul3A_220, %add3A_221 : i32
      %add3A_223 = arith.constant 2 : i32
      %add3A_224 = arith.addi %add3A_222, %add3A_223 : i32
      %lt3A = arith.constant 160 : i32
      %lt3A_225 = arith.cmpi slt, %add3A_224, %lt3A : i32
      %convert_element_type3A = arith.extui %lt3A_225 : i1 to i32
      %cond3A = arith.constant 0 : i32
      %cond3A_226 = arith.cmpi ne, %convert_element_type3A, %cond3A : i32
      scf.if %cond3A_226 {
        %ge3A = arith.constant 2 : i32
        %ge3A_318 = arith.cmpi sge, %add3A_222, %ge3A : i32
        %convert_element_type3A_319 = arith.extui %ge3A_318 : i1 to i32
        %cond3A_320 = arith.constant 0 : i32
        %cond3A_321 = arith.cmpi ne, %convert_element_type3A_319, %cond3A_320 : i32
        scf.if %cond3A_321 {
          %sub3A = arith.constant 2 : i32
          %sub3A_334 = arith.subi %add3A_222, %sub3A : i32
          %dma_wait3A_335 = arith.constant 0 : i32
          %dma_wait3A_336 = tpu.memref_slice %arg7[%sub3A_334, %dma_wait3A_335] : memref<160x125xi32, #tpu.memory_space<vmem>> -> memref<1x125xi32, #tpu.memory_space<vmem>>
          %dma_wait3A_337 = tpu.memref_squeeze %dma_wait3A_336 : memref<1x125xi32, #tpu.memory_space<vmem>> -> memref<125xi32, #tpu.memory_space<vmem>>
          %dma_wait3A_338 = arith.constant 0 : i32
          %dma_wait3A_339 = arith.constant 0 : i32
          %dma_wait3A_340 = tpu.memref_slice %arg13[%dma_wait3A_338, %dma_wait3A_339] : memref<10240x64xf32, #tpu.memory_space<vmem_shared>> -> memref<10240x64xf32, #tpu.memory_space<vmem_shared>>
          tpu.wait_indirect_dma semaphore(%arg20 : memref<!tpu.dma_semaphore, #tpu.memory_space<semaphore_mem>>) src(%arg10 : memref<125x64xf32, #tpu.memory_space<vmem>>) dst(%dma_wait3A_340 : memref<10240x64xf32, #tpu.memory_space<vmem_shared>>)
        } else {
        }
        %add3A_322 = arith.constant 2 : i32
        %add3A_323 = arith.addi %add3A_222, %add3A_322 : i32
        %dma_start3A_324 = arith.constant 0 : i32
        %dma_start3A_325 = tpu.memref_slice %arg6[%add3A_323, %dma_start3A_324] : memref<160x125xi32, #tpu.memory_space<vmem>> -> memref<1x125xi32, #tpu.memory_space<vmem>>
        %dma_start3A_326 = tpu.memref_squeeze %dma_start3A_325 : memref<1x125xi32, #tpu.memory_space<vmem>> -> memref<125xi32, #tpu.memory_space<vmem>>
        %dma_start3A_327 = arith.constant 0 : i32
        %dma_start3A_328 = arith.constant 0 : i32
        %dma_start3A_329 = tpu.memref_slice %arg2[%arg0, %dma_start3A_327, %dma_start3A_328] : memref<2x10000x64xf32, #tpu.memory_space<hbm>> -> memref<1x10000x64xf32, #tpu.memory_space<hbm>>
        %dma_start3A_330 = tpu.memref_squeeze %dma_start3A_329 : memref<1x10000x64xf32, #tpu.memory_space<hbm>> -> memref<10000x64xf32, #tpu.memory_space<hbm>>
        %dma_start3A_331 = arith.constant 0 : i32
        %dma_start3A_332 = arith.constant 0 : i32
        %dma_start3A_333 = tpu.memref_slice %dma_start3A_330[%dma_start3A_331, %dma_start3A_332] : memref<10000x64xf32, #tpu.memory_space<hbm>> -> memref<10000x64xf32, #tpu.memory_space<hbm>>
        tpu.enqueue_indirect_dma source(%dma_start3A_333 : memref<10000x64xf32, #tpu.memory_space<hbm>>) target(%arg10 : memref<125x64xf32, #tpu.memory_space<vmem>>) offsets(%dma_start3A_326 : memref<125xi32, #tpu.memory_space<vmem>>) semaphore(%arg16 : memref<!tpu.dma_semaphore, #tpu.memory_space<semaphore_mem>>)
      } else {
      }
      %dma_wait3A_227 = arith.constant 0 : i32
      %dma_wait3A_228 = tpu.memref_slice %arg6[%add3A_222, %dma_wait3A_227] : memref<160x125xi32, #tpu.memory_space<vmem>> -> memref<1x125xi32, #tpu.memory_space<vmem>>
      %dma_wait3A_229 = tpu.memref_squeeze %dma_wait3A_228 : memref<1x125xi32, #tpu.memory_space<vmem>> -> memref<125xi32, #tpu.memory_space<vmem>>
      %dma_wait3A_230 = arith.constant 0 : i32
      %dma_wait3A_231 = arith.constant 0 : i32
      %dma_wait3A_232 = tpu.memref_slice %arg2[%arg0, %dma_wait3A_230, %dma_wait3A_231] : memref<2x10000x64xf32, #tpu.memory_space<hbm>> -> memref<1x10000x64xf32, #tpu.memory_space<hbm>>
      %dma_wait3A_233 = tpu.memref_squeeze %dma_wait3A_232 : memref<1x10000x64xf32, #tpu.memory_space<hbm>> -> memref<10000x64xf32, #tpu.memory_space<hbm>>
      %dma_wait3A_234 = arith.constant 0 : i32
      %dma_wait3A_235 = arith.constant 0 : i32
      %dma_wait3A_236 = tpu.memref_slice %dma_wait3A_233[%dma_wait3A_234, %dma_wait3A_235] : memref<10000x64xf32, #tpu.memory_space<hbm>> -> memref<10000x64xf32, #tpu.memory_space<hbm>>
      tpu.wait_indirect_dma semaphore(%arg14 : memref<!tpu.dma_semaphore, #tpu.memory_space<semaphore_mem>>) src(%dma_wait3A_236 : memref<10000x64xf32, #tpu.memory_space<hbm>>) dst(%arg8 : memref<125x64xf32, #tpu.memory_space<vmem>>)
      %dma_start3A_237 = arith.constant 0 : i32
      %dma_start3A_238 = tpu.memref_slice %arg7[%add3A_222, %dma_start3A_237] : memref<160x125xi32, #tpu.memory_space<vmem>> -> memref<1x125xi32, #tpu.memory_space<vmem>>
      %dma_start3A_239 = tpu.memref_squeeze %dma_start3A_238 : memref<1x125xi32, #tpu.memory_space<vmem>> -> memref<125xi32, #tpu.memory_space<vmem>>
      %dma_start3A_240 = arith.constant 0 : i32
      %dma_start3A_241 = arith.constant 0 : i32
      %dma_start3A_242 = tpu.memref_slice %arg13[%dma_start3A_240, %dma_start3A_241] : memref<10240x64xf32, #tpu.memory_space<vmem_shared>> -> memref<10240x64xf32, #tpu.memory_space<vmem_shared>>
      tpu.enqueue_indirect_dma source(%arg8 : memref<125x64xf32, #tpu.memory_space<vmem>>) target(%dma_start3A_242 : memref<10240x64xf32, #tpu.memory_space<vmem_shared>>) offsets(%dma_start3A_239 : memref<125xi32, #tpu.memory_space<vmem>>) semaphore(%arg18 : memref<!tpu.dma_semaphore, #tpu.memory_space<semaphore_mem>>) {add = true}
      %add3A_243 = arith.constant 1 : i32
      %add3A_244 = arith.addi %mul3A_220, %add3A_243 : i32
      %add3A_245 = arith.constant 2 : i32
      %add3A_246 = arith.addi %add3A_244, %add3A_245 : i32
      %lt3A_247 = arith.constant 160 : i32
      %lt3A_248 = arith.cmpi slt, %add3A_246, %lt3A_247 : i32
      %convert_element_type3A_249 = arith.extui %lt3A_248 : i1 to i32
      %cond3A_250 = arith.constant 0 : i32
      %cond3A_251 = arith.cmpi ne, %convert_element_type3A_249, %cond3A_250 : i32
      scf.if %cond3A_251 {
        %ge3A = arith.constant 2 : i32
        %ge3A_318 = arith.cmpi sge, %add3A_244, %ge3A : i32
        %convert_element_type3A_319 = arith.extui %ge3A_318 : i1 to i32
        %cond3A_320 = arith.constant 0 : i32
        %cond3A_321 = arith.cmpi ne, %convert_element_type3A_319, %cond3A_320 : i32
        scf.if %cond3A_321 {
          %sub3A = arith.constant 2 : i32
          %sub3A_334 = arith.subi %add3A_244, %sub3A : i32
          %dma_wait3A_335 = arith.constant 0 : i32
          %dma_wait3A_336 = tpu.memref_slice %arg7[%sub3A_334, %dma_wait3A_335] : memref<160x125xi32, #tpu.memory_space<vmem>> -> memref<1x125xi32, #tpu.memory_space<vmem>>
          %dma_wait3A_337 = tpu.memref_squeeze %dma_wait3A_336 : memref<1x125xi32, #tpu.memory_space<vmem>> -> memref<125xi32, #tpu.memory_space<vmem>>
          %dma_wait3A_338 = arith.constant 0 : i32
          %dma_wait3A_339 = arith.constant 0 : i32
          %dma_wait3A_340 = tpu.memref_slice %arg13[%dma_wait3A_338, %dma_wait3A_339] : memref<10240x64xf32, #tpu.memory_space<vmem_shared>> -> memref<10240x64xf32, #tpu.memory_space<vmem_shared>>
          tpu.wait_indirect_dma semaphore(%arg21 : memref<!tpu.dma_semaphore, #tpu.memory_space<semaphore_mem>>) src(%arg11 : memref<125x64xf32, #tpu.memory_space<vmem>>) dst(%dma_wait3A_340 : memref<10240x64xf32, #tpu.memory_space<vmem_shared>>)
        } else {
        }
        %add3A_322 = arith.constant 2 : i32
        %add3A_323 = arith.addi %add3A_244, %add3A_322 : i32
        %dma_start3A_324 = arith.constant 0 : i32
        %dma_start3A_325 = tpu.memref_slice %arg6[%add3A_323, %dma_start3A_324] : memref<160x125xi32, #tpu.memory_space<vmem>> -> memref<1x125xi32, #tpu.memory_space<vmem>>
        %dma_start3A_326 = tpu.memref_squeeze %dma_start3A_325 : memref<1x125xi32, #tpu.memory_space<vmem>> -> memref<125xi32, #tpu.memory_space<vmem>>
        %dma_start3A_327 = arith.constant 0 : i32
        %dma_start3A_328 = arith.constant 0 : i32
        %dma_start3A_329 = tpu.memref_slice %arg2[%arg0, %dma_start3A_327, %dma_start3A_328] : memref<2x10000x64xf32, #tpu.memory_space<hbm>> -> memref<1x10000x64xf32, #tpu.memory_space<hbm>>
        %dma_start3A_330 = tpu.memref_squeeze %dma_start3A_329 : memref<1x10000x64xf32, #tpu.memory_space<hbm>> -> memref<10000x64xf32, #tpu.memory_space<hbm>>
        %dma_start3A_331 = arith.constant 0 : i32
        %dma_start3A_332 = arith.constant 0 : i32
        %dma_start3A_333 = tpu.memref_slice %dma_start3A_330[%dma_start3A_331, %dma_start3A_332] : memref<10000x64xf32, #tpu.memory_space<hbm>> -> memref<10000x64xf32, #tpu.memory_space<hbm>>
        tpu.enqueue_indirect_dma source(%dma_start3A_333 : memref<10000x64xf32, #tpu.memory_space<hbm>>) target(%arg11 : memref<125x64xf32, #tpu.memory_space<vmem>>) offsets(%dma_start3A_326 : memref<125xi32, #tpu.memory_space<vmem>>) semaphore(%arg17 : memref<!tpu.dma_semaphore, #tpu.memory_space<semaphore_mem>>)
      } else {
      }
      %dma_wait3A_252 = arith.constant 0 : i32
      %dma_wait3A_253 = tpu.memref_slice %arg6[%add3A_244, %dma_wait3A_252] : memref<160x125xi32, #tpu.memory_space<vmem>> -> memref<1x125xi32, #tpu.memory_space<vmem>>
      %dma_wait3A_254 = tpu.memref_squeeze %dma_wait3A_253 : memref<1x125xi32, #tpu.memory_space<vmem>> -> memref<125xi32, #tpu.memory_space<vmem>>
      %dma_wait3A_255 = arith.constant 0 : i32
      %dma_wait3A_256 = arith.constant 0 : i32
      %dma_wait3A_257 = tpu.memref_slice %arg2[%arg0, %dma_wait3A_255, %dma_wait3A_256] : memref<2x10000x64xf32, #tpu.memory_space<hbm>> -> memref<1x10000x64xf32, #tpu.memory_space<hbm>>
      %dma_wait3A_258 = tpu.memref_squeeze %dma_wait3A_257 : memref<1x10000x64xf32, #tpu.memory_space<hbm>> -> memref<10000x64xf32, #tpu.memory_space<hbm>>
      %dma_wait3A_259 = arith.constant 0 : i32
      %dma_wait3A_260 = arith.constant 0 : i32
      %dma_wait3A_261 = tpu.memref_slice %dma_wait3A_258[%dma_wait3A_259, %dma_wait3A_260] : memref<10000x64xf32, #tpu.memory_space<hbm>> -> memref<10000x64xf32, #tpu.memory_space<hbm>>
      tpu.wait_indirect_dma semaphore(%arg15 : memref<!tpu.dma_semaphore, #tpu.memory_space<semaphore_mem>>) src(%dma_wait3A_261 : memref<10000x64xf32, #tpu.memory_space<hbm>>) dst(%arg9 : memref<125x64xf32, #tpu.memory_space<vmem>>)
      %dma_start3A_262 = arith.constant 0 : i32
      %dma_start3A_263 = tpu.memref_slice %arg7[%add3A_244, %dma_start3A_262] : memref<160x125xi32, #tpu.memory_space<vmem>> -> memref<1x125xi32, #tpu.memory_space<vmem>>
      %dma_start3A_264 = tpu.memref_squeeze %dma_start3A_263 : memref<1x125xi32, #tpu.memory_space<vmem>> -> memref<125xi32, #tpu.memory_space<vmem>>
      %dma_start3A_265 = arith.constant 0 : i32
      %dma_start3A_266 = arith.constant 0 : i32
      %dma_start3A_267 = tpu.memref_slice %arg13[%dma_start3A_265, %dma_start3A_266] : memref<10240x64xf32, #tpu.memory_space<vmem_shared>> -> memref<10240x64xf32, #tpu.memory_space<vmem_shared>>
      tpu.enqueue_indirect_dma source(%arg9 : memref<125x64xf32, #tpu.memory_space<vmem>>) target(%dma_start3A_267 : memref<10240x64xf32, #tpu.memory_space<vmem_shared>>) offsets(%dma_start3A_264 : memref<125xi32, #tpu.memory_space<vmem>>) semaphore(%arg19 : memref<!tpu.dma_semaphore, #tpu.memory_space<semaphore_mem>>) {add = true}
      %add3A_268 = arith.constant 2 : i32
      %add3A_269 = arith.addi %mul3A_220, %add3A_268 : i32
      %add3A_270 = arith.constant 2 : i32
      %add3A_271 = arith.addi %add3A_269, %add3A_270 : i32
      %lt3A_272 = arith.constant 160 : i32
      %lt3A_273 = arith.cmpi slt, %add3A_271, %lt3A_272 : i32
      %convert_element_type3A_274 = arith.extui %lt3A_273 : i1 to i32
      %cond3A_275 = arith.constant 0 : i32
      %cond3A_276 = arith.cmpi ne, %convert_element_type3A_274, %cond3A_275 : i32
      scf.if %cond3A_276 {
        %ge3A = arith.constant 2 : i32
        %ge3A_318 = arith.cmpi sge, %add3A_269, %ge3A : i32
        %convert_element_type3A_319 = arith.extui %ge3A_318 : i1 to i32
        %cond3A_320 = arith.constant 0 : i32
        %cond3A_321 = arith.cmpi ne, %convert_element_type3A_319, %cond3A_320 : i32
        scf.if %cond3A_321 {
          %sub3A = arith.constant 2 : i32
          %sub3A_334 = arith.subi %add3A_269, %sub3A : i32
          %dma_wait3A_335 = arith.constant 0 : i32
          %dma_wait3A_336 = tpu.memref_slice %arg7[%sub3A_334, %dma_wait3A_335] : memref<160x125xi32, #tpu.memory_space<vmem>> -> memref<1x125xi32, #tpu.memory_space<vmem>>
          %dma_wait3A_337 = tpu.memref_squeeze %dma_wait3A_336 : memref<1x125xi32, #tpu.memory_space<vmem>> -> memref<125xi32, #tpu.memory_space<vmem>>
          %dma_wait3A_338 = arith.constant 0 : i32
          %dma_wait3A_339 = arith.constant 0 : i32
          %dma_wait3A_340 = tpu.memref_slice %arg13[%dma_wait3A_338, %dma_wait3A_339] : memref<10240x64xf32, #tpu.memory_space<vmem_shared>> -> memref<10240x64xf32, #tpu.memory_space<vmem_shared>>
          tpu.wait_indirect_dma semaphore(%arg18 : memref<!tpu.dma_semaphore, #tpu.memory_space<semaphore_mem>>) src(%arg8 : memref<125x64xf32, #tpu.memory_space<vmem>>) dst(%dma_wait3A_340 : memref<10240x64xf32, #tpu.memory_space<vmem_shared>>)
        } else {
        }
        %add3A_322 = arith.constant 2 : i32
        %add3A_323 = arith.addi %add3A_269, %add3A_322 : i32
        %dma_start3A_324 = arith.constant 0 : i32
        %dma_start3A_325 = tpu.memref_slice %arg6[%add3A_323, %dma_start3A_324] : memref<160x125xi32, #tpu.memory_space<vmem>> -> memref<1x125xi32, #tpu.memory_space<vmem>>
        %dma_start3A_326 = tpu.memref_squeeze %dma_start3A_325 : memref<1x125xi32, #tpu.memory_space<vmem>> -> memref<125xi32, #tpu.memory_space<vmem>>
        %dma_start3A_327 = arith.constant 0 : i32
        %dma_start3A_328 = arith.constant 0 : i32
        %dma_start3A_329 = tpu.memref_slice %arg2[%arg0, %dma_start3A_327, %dma_start3A_328] : memref<2x10000x64xf32, #tpu.memory_space<hbm>> -> memref<1x10000x64xf32, #tpu.memory_space<hbm>>
        %dma_start3A_330 = tpu.memref_squeeze %dma_start3A_329 : memref<1x10000x64xf32, #tpu.memory_space<hbm>> -> memref<10000x64xf32, #tpu.memory_space<hbm>>
        %dma_start3A_331 = arith.constant 0 : i32
        %dma_start3A_332 = arith.constant 0 : i32
        %dma_start3A_333 = tpu.memref_slice %dma_start3A_330[%dma_start3A_331, %dma_start3A_332] : memref<10000x64xf32, #tpu.memory_space<hbm>> -> memref<10000x64xf32, #tpu.memory_space<hbm>>
        tpu.enqueue_indirect_dma source(%dma_start3A_333 : memref<10000x64xf32, #tpu.memory_space<hbm>>) target(%arg8 : memref<125x64xf32, #tpu.memory_space<vmem>>) offsets(%dma_start3A_326 : memref<125xi32, #tpu.memory_space<vmem>>) semaphore(%arg14 : memref<!tpu.dma_semaphore, #tpu.memory_space<semaphore_mem>>)
      } else {
      }
      %dma_wait3A_277 = arith.constant 0 : i32
      %dma_wait3A_278 = tpu.memref_slice %arg6[%add3A_269, %dma_wait3A_277] : memref<160x125xi32, #tpu.memory_space<vmem>> -> memref<1x125xi32, #tpu.memory_space<vmem>>
      %dma_wait3A_279 = tpu.memref_squeeze %dma_wait3A_278 : memref<1x125xi32, #tpu.memory_space<vmem>> -> memref<125xi32, #tpu.memory_space<vmem>>
      %dma_wait3A_280 = arith.constant 0 : i32
      %dma_wait3A_281 = arith.constant 0 : i32
      %dma_wait3A_282 = tpu.memref_slice %arg2[%arg0, %dma_wait3A_280, %dma_wait3A_281] : memref<2x10000x64xf32, #tpu.memory_space<hbm>> -> memref<1x10000x64xf32, #tpu.memory_space<hbm>>
      %dma_wait3A_283 = tpu.memref_squeeze %dma_wait3A_282 : memref<1x10000x64xf32, #tpu.memory_space<hbm>> -> memref<10000x64xf32, #tpu.memory_space<hbm>>
      %dma_wait3A_284 = arith.constant 0 : i32
      %dma_wait3A_285 = arith.constant 0 : i32
      %dma_wait3A_286 = tpu.memref_slice %dma_wait3A_283[%dma_wait3A_284, %dma_wait3A_285] : memref<10000x64xf32, #tpu.memory_space<hbm>> -> memref<10000x64xf32, #tpu.memory_space<hbm>>
      tpu.wait_indirect_dma semaphore(%arg16 : memref<!tpu.dma_semaphore, #tpu.memory_space<semaphore_mem>>) src(%dma_wait3A_286 : memref<10000x64xf32, #tpu.memory_space<hbm>>) dst(%arg10 : memref<125x64xf32, #tpu.memory_space<vmem>>)
      %dma_start3A_287 = arith.constant 0 : i32
      %dma_start3A_288 = tpu.memref_slice %arg7[%add3A_269, %dma_start3A_287] : memref<160x125xi32, #tpu.memory_space<vmem>> -> memref<1x125xi32, #tpu.memory_space<vmem>>
      %dma_start3A_289 = tpu.memref_squeeze %dma_start3A_288 : memref<1x125xi32, #tpu.memory_space<vmem>> -> memref<125xi32, #tpu.memory_space<vmem>>
      %dma_start3A_290 = arith.constant 0 : i32
      %dma_start3A_291 = arith.constant 0 : i32
      %dma_start3A_292 = tpu.memref_slice %arg13[%dma_start3A_290, %dma_start3A_291] : memref<10240x64xf32, #tpu.memory_space<vmem_shared>> -> memref<10240x64xf32, #tpu.memory_space<vmem_shared>>
      tpu.enqueue_indirect_dma source(%arg10 : memref<125x64xf32, #tpu.memory_space<vmem>>) target(%dma_start3A_292 : memref<10240x64xf32, #tpu.memory_space<vmem_shared>>) offsets(%dma_start3A_289 : memref<125xi32, #tpu.memory_space<vmem>>) semaphore(%arg20 : memref<!tpu.dma_semaphore, #tpu.memory_space<semaphore_mem>>) {add = true}
      %add3A_293 = arith.constant 3 : i32
      %add3A_294 = arith.addi %mul3A_220, %add3A_293 : i32
      %add3A_295 = arith.constant 2 : i32
      %add3A_296 = arith.addi %add3A_294, %add3A_295 : i32
      %lt3A_297 = arith.constant 160 : i32
      %lt3A_298 = arith.cmpi slt, %add3A_296, %lt3A_297 : i32
      %convert_element_type3A_299 = arith.extui %lt3A_298 : i1 to i32
      %cond3A_300 = arith.constant 0 : i32
      %cond3A_301 = arith.cmpi ne, %convert_element_type3A_299, %cond3A_300 : i32
      scf.if %cond3A_301 {
        %ge3A = arith.constant 2 : i32
        %ge3A_318 = arith.cmpi sge, %add3A_294, %ge3A : i32
        %convert_element_type3A_319 = arith.extui %ge3A_318 : i1 to i32
        %cond3A_320 = arith.constant 0 : i32
        %cond3A_321 = arith.cmpi ne, %convert_element_type3A_319, %cond3A_320 : i32
        scf.if %cond3A_321 {
          %sub3A = arith.constant 2 : i32
          %sub3A_334 = arith.subi %add3A_294, %sub3A : i32
          %dma_wait3A_335 = arith.constant 0 : i32
          %dma_wait3A_336 = tpu.memref_slice %arg7[%sub3A_334, %dma_wait3A_335] : memref<160x125xi32, #tpu.memory_space<vmem>> -> memref<1x125xi32, #tpu.memory_space<vmem>>
          %dma_wait3A_337 = tpu.memref_squeeze %dma_wait3A_336 : memref<1x125xi32, #tpu.memory_space<vmem>> -> memref<125xi32, #tpu.memory_space<vmem>>
          %dma_wait3A_338 = arith.constant 0 : i32
          %dma_wait3A_339 = arith.constant 0 : i32
          %dma_wait3A_340 = tpu.memref_slice %arg13[%dma_wait3A_338, %dma_wait3A_339] : memref<10240x64xf32, #tpu.memory_space<vmem_shared>> -> memref<10240x64xf32, #tpu.memory_space<vmem_shared>>
          tpu.wait_indirect_dma semaphore(%arg19 : memref<!tpu.dma_semaphore, #tpu.memory_space<semaphore_mem>>) src(%arg9 : memref<125x64xf32, #tpu.memory_space<vmem>>) dst(%dma_wait3A_340 : memref<10240x64xf32, #tpu.memory_space<vmem_shared>>)
        } else {
        }
        %add3A_322 = arith.constant 2 : i32
        %add3A_323 = arith.addi %add3A_294, %add3A_322 : i32
        %dma_start3A_324 = arith.constant 0 : i32
        %dma_start3A_325 = tpu.memref_slice %arg6[%add3A_323, %dma_start3A_324] : memref<160x125xi32, #tpu.memory_space<vmem>> -> memref<1x125xi32, #tpu.memory_space<vmem>>
        %dma_start3A_326 = tpu.memref_squeeze %dma_start3A_325 : memref<1x125xi32, #tpu.memory_space<vmem>> -> memref<125xi32, #tpu.memory_space<vmem>>
        %dma_start3A_327 = arith.constant 0 : i32
        %dma_start3A_328 = arith.constant 0 : i32
        %dma_start3A_329 = tpu.memref_slice %arg2[%arg0, %dma_start3A_327, %dma_start3A_328] : memref<2x10000x64xf32, #tpu.memory_space<hbm>> -> memref<1x10000x64xf32, #tpu.memory_space<hbm>>
        %dma_start3A_330 = tpu.memref_squeeze %dma_start3A_329 : memref<1x10000x64xf32, #tpu.memory_space<hbm>> -> memref<10000x64xf32, #tpu.memory_space<hbm>>
        %dma_start3A_331 = arith.constant 0 : i32
        %dma_start3A_332 = arith.constant 0 : i32
        %dma_start3A_333 = tpu.memref_slice %dma_start3A_330[%dma_start3A_331, %dma_start3A_332] : memref<10000x64xf32, #tpu.memory_space<hbm>> -> memref<10000x64xf32, #tpu.memory_space<hbm>>
        tpu.enqueue_indirect_dma source(%dma_start3A_333 : memref<10000x64xf32, #tpu.memory_space<hbm>>) target(%arg9 : memref<125x64xf32, #tpu.memory_space<vmem>>) offsets(%dma_start3A_326 : memref<125xi32, #tpu.memory_space<vmem>>) semaphore(%arg15 : memref<!tpu.dma_semaphore, #tpu.memory_space<semaphore_mem>>)
      } else {
      }
      %dma_wait3A_302 = arith.constant 0 : i32
      %dma_wait3A_303 = tpu.memref_slice %arg6[%add3A_294, %dma_wait3A_302] : memref<160x125xi32, #tpu.memory_space<vmem>> -> memref<1x125xi32, #tpu.memory_space<vmem>>
      %dma_wait3A_304 = tpu.memref_squeeze %dma_wait3A_303 : memref<1x125xi32, #tpu.memory_space<vmem>> -> memref<125xi32, #tpu.memory_space<vmem>>
      %dma_wait3A_305 = arith.constant 0 : i32
      %dma_wait3A_306 = arith.constant 0 : i32
      %dma_wait3A_307 = tpu.memref_slice %arg2[%arg0, %dma_wait3A_305, %dma_wait3A_306] : memref<2x10000x64xf32, #tpu.memory_space<hbm>> -> memref<1x10000x64xf32, #tpu.memory_space<hbm>>
      %dma_wait3A_308 = tpu.memref_squeeze %dma_wait3A_307 : memref<1x10000x64xf32, #tpu.memory_space<hbm>> -> memref<10000x64xf32, #tpu.memory_space<hbm>>
      %dma_wait3A_309 = arith.constant 0 : i32
      %dma_wait3A_310 = arith.constant 0 : i32
      %dma_wait3A_311 = tpu.memref_slice %dma_wait3A_308[%dma_wait3A_309, %dma_wait3A_310] : memref<10000x64xf32, #tpu.memory_space<hbm>> -> memref<10000x64xf32, #tpu.memory_space<hbm>>
      tpu.wait_indirect_dma semaphore(%arg17 : memref<!tpu.dma_semaphore, #tpu.memory_space<semaphore_mem>>) src(%dma_wait3A_311 : memref<10000x64xf32, #tpu.memory_space<hbm>>) dst(%arg11 : memref<125x64xf32, #tpu.memory_space<vmem>>)
      %dma_start3A_312 = arith.constant 0 : i32
      %dma_start3A_313 = tpu.memref_slice %arg7[%add3A_294, %dma_start3A_312] : memref<160x125xi32, #tpu.memory_space<vmem>> -> memref<1x125xi32, #tpu.memory_space<vmem>>
      %dma_start3A_314 = tpu.memref_squeeze %dma_start3A_313 : memref<1x125xi32, #tpu.memory_space<vmem>> -> memref<125xi32, #tpu.memory_space<vmem>>
      %dma_start3A_315 = arith.constant 0 : i32
      %dma_start3A_316 = arith.constant 0 : i32
      %dma_start3A_317 = tpu.memref_slice %arg13[%dma_start3A_315, %dma_start3A_316] : memref<10240x64xf32, #tpu.memory_space<vmem_shared>> -> memref<10240x64xf32, #tpu.memory_space<vmem_shared>>
      tpu.enqueue_indirect_dma source(%arg11 : memref<125x64xf32, #tpu.memory_space<vmem>>) target(%dma_start3A_317 : memref<10240x64xf32, #tpu.memory_space<vmem_shared>>) offsets(%dma_start3A_314 : memref<125xi32, #tpu.memory_space<vmem>>) semaphore(%arg21 : memref<!tpu.dma_semaphore, #tpu.memory_space<semaphore_mem>>) {add = true}
    }
    %scan3A_118 = arith.constant 40 : i32
    %dma_wait3A_119 = arith.constant 156 : i32
    %dma_wait3A_120 = arith.constant 0 : i32
    %dma_wait3A_121 = tpu.memref_slice %arg7[%dma_wait3A_119, %dma_wait3A_120] : memref<160x125xi32, #tpu.memory_space<vmem>> -> memref<1x125xi32, #tpu.memory_space<vmem>>
    %dma_wait3A_122 = tpu.memref_squeeze %dma_wait3A_121 : memref<1x125xi32, #tpu.memory_space<vmem>> -> memref<125xi32, #tpu.memory_space<vmem>>
    %dma_wait3A_123 = arith.constant 0 : i32
    %dma_wait3A_124 = arith.constant 0 : i32
    %dma_wait3A_125 = tpu.memref_slice %arg13[%dma_wait3A_123, %dma_wait3A_124] : memref<10240x64xf32, #tpu.memory_space<vmem_shared>> -> memref<10240x64xf32, #tpu.memory_space<vmem_shared>>
    tpu.wait_indirect_dma semaphore(%arg18 : memref<!tpu.dma_semaphore, #tpu.memory_space<semaphore_mem>>) src(%arg8 : memref<125x64xf32, #tpu.memory_space<vmem>>) dst(%dma_wait3A_125 : memref<10240x64xf32, #tpu.memory_space<vmem_shared>>)
    %dma_wait3A_126 = arith.constant 157 : i32
    %dma_wait3A_127 = arith.constant 0 : i32
    %dma_wait3A_128 = tpu.memref_slice %arg7[%dma_wait3A_126, %dma_wait3A_127] : memref<160x125xi32, #tpu.memory_space<vmem>> -> memref<1x125xi32, #tpu.memory_space<vmem>>
    %dma_wait3A_129 = tpu.memref_squeeze %dma_wait3A_128 : memref<1x125xi32, #tpu.memory_space<vmem>> -> memref<125xi32, #tpu.memory_space<vmem>>
    %dma_wait3A_130 = arith.constant 0 : i32
    %dma_wait3A_131 = arith.constant 0 : i32
    %dma_wait3A_132 = tpu.memref_slice %arg13[%dma_wait3A_130, %dma_wait3A_131] : memref<10240x64xf32, #tpu.memory_space<vmem_shared>> -> memref<10240x64xf32, #tpu.memory_space<vmem_shared>>
    tpu.wait_indirect_dma semaphore(%arg19 : memref<!tpu.dma_semaphore, #tpu.memory_space<semaphore_mem>>) src(%arg9 : memref<125x64xf32, #tpu.memory_space<vmem>>) dst(%dma_wait3A_132 : memref<10240x64xf32, #tpu.memory_space<vmem_shared>>)
    %dma_wait3A_133 = arith.constant 158 : i32
    %dma_wait3A_134 = arith.constant 0 : i32
    %dma_wait3A_135 = tpu.memref_slice %arg7[%dma_wait3A_133, %dma_wait3A_134] : memref<160x125xi32, #tpu.memory_space<vmem>> -> memref<1x125xi32, #tpu.memory_space<vmem>>
    %dma_wait3A_136 = tpu.memref_squeeze %dma_wait3A_135 : memref<1x125xi32, #tpu.memory_space<vmem>> -> memref<125xi32, #tpu.memory_space<vmem>>
    %dma_wait3A_137 = arith.constant 0 : i32
    %dma_wait3A_138 = arith.constant 0 : i32
    %dma_wait3A_139 = tpu.memref_slice %arg13[%dma_wait3A_137, %dma_wait3A_138] : memref<10240x64xf32, #tpu.memory_space<vmem_shared>> -> memref<10240x64xf32, #tpu.memory_space<vmem_shared>>
    tpu.wait_indirect_dma semaphore(%arg20 : memref<!tpu.dma_semaphore, #tpu.memory_space<semaphore_mem>>) src(%arg10 : memref<125x64xf32, #tpu.memory_space<vmem>>) dst(%dma_wait3A_139 : memref<10240x64xf32, #tpu.memory_space<vmem_shared>>)
    %dma_wait3A_140 = arith.constant 159 : i32
    %dma_wait3A_141 = arith.constant 0 : i32
    %dma_wait3A_142 = tpu.memref_slice %arg7[%dma_wait3A_140, %dma_wait3A_141] : memref<160x125xi32, #tpu.memory_space<vmem>> -> memref<1x125xi32, #tpu.memory_space<vmem>>
    %dma_wait3A_143 = tpu.memref_squeeze %dma_wait3A_142 : memref<1x125xi32, #tpu.memory_space<vmem>> -> memref<125xi32, #tpu.memory_space<vmem>>
    %dma_wait3A_144 = arith.constant 0 : i32
    %dma_wait3A_145 = arith.constant 0 : i32
    %dma_wait3A_146 = tpu.memref_slice %arg13[%dma_wait3A_144, %dma_wait3A_145] : memref<10240x64xf32, #tpu.memory_space<vmem_shared>> -> memref<10240x64xf32, #tpu.memory_space<vmem_shared>>
    tpu.wait_indirect_dma semaphore(%arg21 : memref<!tpu.dma_semaphore, #tpu.memory_space<semaphore_mem>>) src(%arg11 : memref<125x64xf32, #tpu.memory_space<vmem>>) dst(%dma_wait3A_146 : memref<10240x64xf32, #tpu.memory_space<vmem_shared>>)
    %barrier3A_147 = arith.constant 0 : index
    tpu.barrier barrier_id(%barrier3A_147)
    %mul3A_148 = arith.constant 640 : i32
    %mul3A_149 = arith.muli %arg1, %mul3A_148 : i32
    %add3A_150 = arith.constant 0 : i32
    %add3A_151 = arith.addi %mul3A_149, %add3A_150 : i32
    %dma_start3A_152 = arith.constant 0 : i32
    %dma_start3A_153 = tpu.memref_slice %arg5[%arg0, %add3A_151, %dma_start3A_152] : memref<2x10240x64xf32, #tpu.memory_space<hbm>> -> memref<1x128x64xf32, #tpu.memory_space<hbm>>
    %dma_start3A_154 = tpu.memref_squeeze %dma_start3A_153 : memref<1x128x64xf32, #tpu.memory_space<hbm>> -> memref<128x64xf32, #tpu.memory_space<hbm>>
    %dma_start3A_155 = arith.constant 0 : i32
    %dma_start3A_156 = tpu.memref_slice %arg13[%add3A_151, %dma_start3A_155] : memref<10240x64xf32, #tpu.memory_space<vmem_shared>> -> memref<128x64xf32, #tpu.memory_space<vmem_shared>>
    tpu.enqueue_dma source(%dma_start3A_156 : memref<128x64xf32, #tpu.memory_space<vmem_shared>>) target(%dma_start3A_154 : memref<128x64xf32, #tpu.memory_space<hbm>>) target_semaphore(%arg14 : memref<!tpu.dma_semaphore, #tpu.memory_space<semaphore_mem>>)
    %mul3A_157 = arith.constant 640 : i32
    %mul3A_158 = arith.muli %arg1, %mul3A_157 : i32
    %add3A_159 = arith.constant 128 : i32
    %add3A_160 = arith.addi %mul3A_158, %add3A_159 : i32
    %dma_start3A_161 = arith.constant 0 : i32
    %dma_start3A_162 = tpu.memref_slice %arg5[%arg0, %add3A_160, %dma_start3A_161] : memref<2x10240x64xf32, #tpu.memory_space<hbm>> -> memref<1x128x64xf32, #tpu.memory_space<hbm>>
    %dma_start3A_163 = tpu.memref_squeeze %dma_start3A_162 : memref<1x128x64xf32, #tpu.memory_space<hbm>> -> memref<128x64xf32, #tpu.memory_space<hbm>>
    %dma_start3A_164 = arith.constant 0 : i32
    %dma_start3A_165 = tpu.memref_slice %arg13[%add3A_160, %dma_start3A_164] : memref<10240x64xf32, #tpu.memory_space<vmem_shared>> -> memref<128x64xf32, #tpu.memory_space<vmem_shared>>
    tpu.enqueue_dma source(%dma_start3A_165 : memref<128x64xf32, #tpu.memory_space<vmem_shared>>) target(%dma_start3A_163 : memref<128x64xf32, #tpu.memory_space<hbm>>) target_semaphore(%arg15 : memref<!tpu.dma_semaphore, #tpu.memory_space<semaphore_mem>>)
    %mul3A_166 = arith.constant 640 : i32
    %mul3A_167 = arith.muli %arg1, %mul3A_166 : i32
    %add3A_168 = arith.constant 256 : i32
    %add3A_169 = arith.addi %mul3A_167, %add3A_168 : i32
    %dma_start3A_170 = arith.constant 0 : i32
    %dma_start3A_171 = tpu.memref_slice %arg5[%arg0, %add3A_169, %dma_start3A_170] : memref<2x10240x64xf32, #tpu.memory_space<hbm>> -> memref<1x128x64xf32, #tpu.memory_space<hbm>>
    %dma_start3A_172 = tpu.memref_squeeze %dma_start3A_171 : memref<1x128x64xf32, #tpu.memory_space<hbm>> -> memref<128x64xf32, #tpu.memory_space<hbm>>
    %dma_start3A_173 = arith.constant 0 : i32
    %dma_start3A_174 = tpu.memref_slice %arg13[%add3A_169, %dma_start3A_173] : memref<10240x64xf32, #tpu.memory_space<vmem_shared>> -> memref<128x64xf32, #tpu.memory_space<vmem_shared>>
    tpu.enqueue_dma source(%dma_start3A_174 : memref<128x64xf32, #tpu.memory_space<vmem_shared>>) target(%dma_start3A_172 : memref<128x64xf32, #tpu.memory_space<hbm>>) target_semaphore(%arg16 : memref<!tpu.dma_semaphore, #tpu.memory_space<semaphore_mem>>)
    %mul3A_175 = arith.constant 640 : i32
    %mul3A_176 = arith.muli %arg1, %mul3A_175 : i32
    %add3A_177 = arith.constant 384 : i32
    %add3A_178 = arith.addi %mul3A_176, %add3A_177 : i32
    %dma_start3A_179 = arith.constant 0 : i32
    %dma_start3A_180 = tpu.memref_slice %arg5[%arg0, %add3A_178, %dma_start3A_179] : memref<2x10240x64xf32, #tpu.memory_space<hbm>> -> memref<1x128x64xf32, #tpu.memory_space<hbm>>
    %dma_start3A_181 = tpu.memref_squeeze %dma_start3A_180 : memref<1x128x64xf32, #tpu.memory_space<hbm>> -> memref<128x64xf32, #tpu.memory_space<hbm>>
    %dma_start3A_182 = arith.constant 0 : i32
    %dma_start3A_183 = tpu.memref_slice %arg13[%add3A_178, %dma_start3A_182] : memref<10240x64xf32, #tpu.memory_space<vmem_shared>> -> memref<128x64xf32, #tpu.memory_space<vmem_shared>>
    tpu.enqueue_dma source(%dma_start3A_183 : memref<128x64xf32, #tpu.memory_space<vmem_shared>>) target(%dma_start3A_181 : memref<128x64xf32, #tpu.memory_space<hbm>>) target_semaphore(%arg17 : memref<!tpu.dma_semaphore, #tpu.memory_space<semaphore_mem>>)
    %mul3A_184 = arith.constant 640 : i32
    %mul3A_185 = arith.muli %arg1, %mul3A_184 : i32
    %add3A_186 = arith.constant 512 : i32
    %add3A_187 = arith.addi %mul3A_185, %add3A_186 : i32
    %dma_start3A_188 = arith.constant 0 : i32
    %dma_start3A_189 = tpu.memref_slice %arg5[%arg0, %add3A_187, %dma_start3A_188] : memref<2x10240x64xf32, #tpu.memory_space<hbm>> -> memref<1x128x64xf32, #tpu.memory_space<hbm>>
    %dma_start3A_190 = tpu.memref_squeeze %dma_start3A_189 : memref<1x128x64xf32, #tpu.memory_space<hbm>> -> memref<128x64xf32, #tpu.memory_space<hbm>>
    %dma_start3A_191 = arith.constant 0 : i32
    %dma_start3A_192 = tpu.memref_slice %arg13[%add3A_187, %dma_start3A_191] : memref<10240x64xf32, #tpu.memory_space<vmem_shared>> -> memref<128x64xf32, #tpu.memory_space<vmem_shared>>
    tpu.enqueue_dma source(%dma_start3A_192 : memref<128x64xf32, #tpu.memory_space<vmem_shared>>) target(%dma_start3A_190 : memref<128x64xf32, #tpu.memory_space<hbm>>) target_semaphore(%arg14 : memref<!tpu.dma_semaphore, #tpu.memory_space<semaphore_mem>>)
    %dma_wait3A_193 = arith.constant 0 : i32
    %dma_wait3A_194 = tpu.memref_slice %arg5[%arg0, %add3A_151, %dma_wait3A_193] : memref<2x10240x64xf32, #tpu.memory_space<hbm>> -> memref<1x128x64xf32, #tpu.memory_space<hbm>>
    %dma_wait3A_195 = tpu.memref_squeeze %dma_wait3A_194 : memref<1x128x64xf32, #tpu.memory_space<hbm>> -> memref<128x64xf32, #tpu.memory_space<hbm>>
    %dma_wait3A_196 = arith.constant 0 : i32
    %dma_wait3A_197 = tpu.memref_slice %arg13[%add3A_151, %dma_wait3A_196] : memref<10240x64xf32, #tpu.memory_space<vmem_shared>> -> memref<128x64xf32, #tpu.memory_space<vmem_shared>>
    tpu.wait_dma2 semaphore(%arg14 : memref<!tpu.dma_semaphore, #tpu.memory_space<semaphore_mem>>) src(%dma_wait3A_197 : memref<128x64xf32, #tpu.memory_space<vmem_shared>>) dst(%dma_wait3A_195 : memref<128x64xf32, #tpu.memory_space<hbm>>)
    %dma_wait3A_198 = arith.constant 0 : i32
    %dma_wait3A_199 = tpu.memref_slice %arg5[%arg0, %add3A_160, %dma_wait3A_198] : memref<2x10240x64xf32, #tpu.memory_space<hbm>> -> memref<1x128x64xf32, #tpu.memory_space<hbm>>
    %dma_wait3A_200 = tpu.memref_squeeze %dma_wait3A_199 : memref<1x128x64xf32, #tpu.memory_space<hbm>> -> memref<128x64xf32, #tpu.memory_space<hbm>>
    %dma_wait3A_201 = arith.constant 0 : i32
    %dma_wait3A_202 = tpu.memref_slice %arg13[%add3A_160, %dma_wait3A_201] : memref<10240x64xf32, #tpu.memory_space<vmem_shared>> -> memref<128x64xf32, #tpu.memory_space<vmem_shared>>
    tpu.wait_dma2 semaphore(%arg15 : memref<!tpu.dma_semaphore, #tpu.memory_space<semaphore_mem>>) src(%dma_wait3A_202 : memref<128x64xf32, #tpu.memory_space<vmem_shared>>) dst(%dma_wait3A_200 : memref<128x64xf32, #tpu.memory_space<hbm>>)
    %dma_wait3A_203 = arith.constant 0 : i32
    %dma_wait3A_204 = tpu.memref_slice %arg5[%arg0, %add3A_169, %dma_wait3A_203] : memref<2x10240x64xf32, #tpu.memory_space<hbm>> -> memref<1x128x64xf32, #tpu.memory_space<hbm>>
    %dma_wait3A_205 = tpu.memref_squeeze %dma_wait3A_204 : memref<1x128x64xf32, #tpu.memory_space<hbm>> -> memref<128x64xf32, #tpu.memory_space<hbm>>
    %dma_wait3A_206 = arith.constant 0 : i32
    %dma_wait3A_207 = tpu.memref_slice %arg13[%add3A_169, %dma_wait3A_206] : memref<10240x64xf32, #tpu.memory_space<vmem_shared>> -> memref<128x64xf32, #tpu.memory_space<vmem_shared>>
    tpu.wait_dma2 semaphore(%arg16 : memref<!tpu.dma_semaphore, #tpu.memory_space<semaphore_mem>>) src(%dma_wait3A_207 : memref<128x64xf32, #tpu.memory_space<vmem_shared>>) dst(%dma_wait3A_205 : memref<128x64xf32, #tpu.memory_space<hbm>>)
    %dma_wait3A_208 = arith.constant 0 : i32
    %dma_wait3A_209 = tpu.memref_slice %arg5[%arg0, %add3A_178, %dma_wait3A_208] : memref<2x10240x64xf32, #tpu.memory_space<hbm>> -> memref<1x128x64xf32, #tpu.memory_space<hbm>>
    %dma_wait3A_210 = tpu.memref_squeeze %dma_wait3A_209 : memref<1x128x64xf32, #tpu.memory_space<hbm>> -> memref<128x64xf32, #tpu.memory_space<hbm>>
    %dma_wait3A_211 = arith.constant 0 : i32
    %dma_wait3A_212 = tpu.memref_slice %arg13[%add3A_178, %dma_wait3A_211] : memref<10240x64xf32, #tpu.memory_space<vmem_shared>> -> memref<128x64xf32, #tpu.memory_space<vmem_shared>>
    tpu.wait_dma2 semaphore(%arg17 : memref<!tpu.dma_semaphore, #tpu.memory_space<semaphore_mem>>) src(%dma_wait3A_212 : memref<128x64xf32, #tpu.memory_space<vmem_shared>>) dst(%dma_wait3A_210 : memref<128x64xf32, #tpu.memory_space<hbm>>)
    %dma_wait3A_213 = arith.constant 0 : i32
    %dma_wait3A_214 = tpu.memref_slice %arg5[%arg0, %add3A_187, %dma_wait3A_213] : memref<2x10240x64xf32, #tpu.memory_space<hbm>> -> memref<1x128x64xf32, #tpu.memory_space<hbm>>
    %dma_wait3A_215 = tpu.memref_squeeze %dma_wait3A_214 : memref<1x128x64xf32, #tpu.memory_space<hbm>> -> memref<128x64xf32, #tpu.memory_space<hbm>>
    %dma_wait3A_216 = arith.constant 0 : i32
    %dma_wait3A_217 = tpu.memref_slice %arg13[%add3A_187, %dma_wait3A_216] : memref<10240x64xf32, #tpu.memory_space<vmem_shared>> -> memref<128x64xf32, #tpu.memory_space<vmem_shared>>
    tpu.wait_dma2 semaphore(%arg14 : memref<!tpu.dma_semaphore, #tpu.memory_space<semaphore_mem>>) src(%dma_wait3A_217 : memref<128x64xf32, #tpu.memory_space<vmem_shared>>) dst(%dma_wait3A_215 : memref<128x64xf32, #tpu.memory_space<hbm>>)
    return
  }
}

#map = affine_map<(d0, d1) -> (0, 0, 0)>
#map1 = affine_map<(d0, d1) -> (0, 0, 0, 0)>
#map2 = affine_map<(d0, d1) -> (0, 0)>
module attributes {stable_mosaic.version = 14 : i64} {
  func.func @k(%arg0: i32, %arg1: i32, %arg2: memref<2x10000x64xf32, #tpu.memory_space<hbm>>, %arg3: memref<2x16x160x125xi32, #tpu.memory_space<hbm>>, %arg4: memref<128x64xf32, #tpu.memory_space<hbm>>, %arg5: memref<2x10240x64xf32, #tpu.memory_space<hbm>>, %arg6: memref<160x125xi32, #tpu.memory_space<vmem>>, %arg7: memref<160x125xi32, #tpu.memory_space<vmem>>, %arg8: memref<125x64xf32, #tpu.memory_space<vmem>>, %arg9: memref<125x64xf32, #tpu.memory_space<vmem>>, %arg10: memref<125x64xf32, #tpu.memory_space<vmem>>, %arg11: memref<125x64xf32, #tpu.memory_space<vmem>>, %arg12: memref<128x64xf32, #tpu.memory_space<vmem>>, %arg13: memref<10240x64xf32, #tpu.memory_space<vmem_shared>>, %arg14: memref<!tpu.dma_semaphore, #tpu.memory_space<semaphore_mem>>, %arg15: memref<!tpu.dma_semaphore, #tpu.memory_space<semaphore_mem>>, %arg16: memref<!tpu.dma_semaphore, #tpu.memory_space<semaphore_mem>>, %arg17: memref<!tpu.dma_semaphore, #tpu.memory_space<semaphore_mem>>, %arg18: memref<!tpu.dma_semaphore, #tpu.memory_space<semaphore_mem>>, %arg19: memref<!tpu.dma_semaphore, #tpu.memory_space<semaphore_mem>>, %arg20: memref<!tpu.dma_semaphore, #tpu.memory_space<semaphore_mem>>, %arg21: memref<!tpu.dma_semaphore, #tpu.memory_space<semaphore_mem>>) attributes {dimension_semantics = [#tpu.dimension_semantics<core_parallel>, #tpu.dimension_semantics<subcore_parallel>], iteration_bounds = array<i64: 2, 16>, scalar_prefetch = 0 : i64, scratch_operands = 16 : i64, tpu.core_type = #tpu.core_type<sc_vector_subcore>, window_params = [{transform_indices = #map}, {transform_indices = #map1}, {transform_indices = #map2}, {transform_indices = #map}]} {
    %dma_start3A = arith.constant 0 : i32
    %dma_start3A_0 = arith.constant 0 : i32
    %dma_start3A_1 = arith.constant 0 : i32
    %dma_start3A_2 = tpu.memref_slice %arg3[%dma_start3A, %arg1, %dma_start3A_0, %dma_start3A_1] : memref<2x16x160x125xi32, #tpu.memory_space<hbm>> -> memref<1x1x160x125xi32, #tpu.memory_space<hbm>>
    %dma_start3A_3 = tpu.memref_squeeze %dma_start3A_2 : memref<1x1x160x125xi32, #tpu.memory_space<hbm>> -> memref<160x125xi32, #tpu.memory_space<hbm>>
    %dma_start3A_4 = arith.constant 0 : i32
    %dma_start3A_5 = arith.constant 0 : i32
    %dma_start3A_6 = tpu.memref_slice %arg3[%dma_start3A, %arg1, %dma_start3A_4, %dma_start3A_5] : memref<2x16x160x125xi32, #tpu.memory_space<hbm>> -> memref<1x1x160x125xi32, #tpu.memory_space<hbm>>
    %dma_start3A_7 = tpu.memref_squeeze %dma_start3A_6 : memref<1x1x160x125xi32, #tpu.memory_space<hbm>> -> memref<160x125xi32, #tpu.memory_space<hbm>>
    tpu.enqueue_dma source(%dma_start3A_7 : memref<160x125xi32, #tpu.memory_space<hbm>>) target(%arg6 : memref<160x125xi32, #tpu.memory_space<vmem>>) target_semaphore(%arg14 : memref<!tpu.dma_semaphore, #tpu.memory_space<semaphore_mem>>)
    %dma_start3A_8 = arith.constant 1 : i32
    %dma_start3A_9 = arith.constant 0 : i32
    %dma_start3A_10 = arith.constant 0 : i32
    %dma_start3A_11 = tpu.memref_slice %arg3[%dma_start3A_8, %arg1, %dma_start3A_9, %dma_start3A_10] : memref<2x16x160x125xi32, #tpu.memory_space<hbm>> -> memref<1x1x160x125xi32, #tpu.memory_space<hbm>>
    %dma_start3A_12 = tpu.memref_squeeze %dma_start3A_11 : memref<1x1x160x125xi32, #tpu.memory_space<hbm>> -> memref<160x125xi32, #tpu.memory_space<hbm>>
    %dma_start3A_13 = arith.constant 0 : i32
    %dma_start3A_14 = arith.constant 0 : i32
    %dma_start3A_15 = tpu.memref_slice %arg3[%dma_start3A_8, %arg1, %dma_start3A_13, %dma_start3A_14] : memref<2x16x160x125xi32, #tpu.memory_space<hbm>> -> memref<1x1x160x125xi32, #tpu.memory_space<hbm>>
    %dma_start3A_16 = tpu.memref_squeeze %dma_start3A_15 : memref<1x1x160x125xi32, #tpu.memory_space<hbm>> -> memref<160x125xi32, #tpu.memory_space<hbm>>
    tpu.enqueue_dma source(%dma_start3A_16 : memref<160x125xi32, #tpu.memory_space<hbm>>) target(%arg7 : memref<160x125xi32, #tpu.memory_space<vmem>>) target_semaphore(%arg15 : memref<!tpu.dma_semaphore, #tpu.memory_space<semaphore_mem>>)
    "tpu.region"() ({
      %run_scoped3A = tpu.sem_alloc : memref<!tpu.dma_semaphore, #tpu.memory_space<semaphore_mem>>
      tpu.enqueue_dma source(%arg4 : memref<128x64xf32, #tpu.memory_space<hbm>>) target(%arg12 : memref<128x64xf32, #tpu.memory_space<vmem>>) target_semaphore(%run_scoped3A : memref<!tpu.dma_semaphore, #tpu.memory_space<semaphore_mem>>)
      tpu.wait_dma2 semaphore(%run_scoped3A : memref<!tpu.dma_semaphore, #tpu.memory_space<semaphore_mem>>) src(%arg4 : memref<128x64xf32, #tpu.memory_space<hbm>>) dst(%arg12 : memref<128x64xf32, #tpu.memory_space<vmem>>)
      tpu.yield
    }) : () -> ()
    %mul3A = arith.constant 640 : i32
    %mul3A_17 = arith.muli %arg1, %mul3A : i32
    %add3A = arith.constant 0 : i32
    %add3A_18 = arith.addi %mul3A_17, %add3A : i32
    %dma_start3A_19 = arith.constant 0 : i32
    %dma_start3A_20 = tpu.memref_slice %arg13[%add3A_18, %dma_start3A_19] : memref<10240x64xf32, #tpu.memory_space<vmem_shared>> -> memref<128x64xf32, #tpu.memory_space<vmem_shared>>
    %dma_start3A_21 = arith.constant 0 : i32
    %dma_start3A_22 = tpu.memref_slice %arg13[%add3A_18, %dma_start3A_21] : memref<10240x64xf32, #tpu.memory_space<vmem_shared>> -> memref<128x64xf32, #tpu.memory_space<vmem_shared>>
    tpu.enqueue_dma source(%arg12 : memref<128x64xf32, #tpu.memory_space<vmem>>) target(%dma_start3A_22 : memref<128x64xf32, #tpu.memory_space<vmem_shared>>) target_semaphore(%arg18 : memref<!tpu.dma_semaphore, #tpu.memory_space<semaphore_mem>>)
    %mul3A_23 = arith.constant 640 : i32
    %mul3A_24 = arith.muli %arg1, %mul3A_23 : i32
    %add3A_25 = arith.constant 128 : i32
    %add3A_26 = arith.addi %mul3A_24, %add3A_25 : i32
    %dma_start3A_27 = arith.constant 0 : i32
    %dma_start3A_28 = tpu.memref_slice %arg13[%add3A_26, %dma_start3A_27] : memref<10240x64xf32, #tpu.memory_space<vmem_shared>> -> memref<128x64xf32, #tpu.memory_space<vmem_shared>>
    %dma_start3A_29 = arith.constant 0 : i32
    %dma_start3A_30 = tpu.memref_slice %arg13[%add3A_26, %dma_start3A_29] : memref<10240x64xf32, #tpu.memory_space<vmem_shared>> -> memref<128x64xf32, #tpu.memory_space<vmem_shared>>
    tpu.enqueue_dma source(%arg12 : memref<128x64xf32, #tpu.memory_space<vmem>>) target(%dma_start3A_30 : memref<128x64xf32, #tpu.memory_space<vmem_shared>>) target_semaphore(%arg18 : memref<!tpu.dma_semaphore, #tpu.memory_space<semaphore_mem>>)
    %mul3A_31 = arith.constant 640 : i32
    %mul3A_32 = arith.muli %arg1, %mul3A_31 : i32
    %add3A_33 = arith.constant 256 : i32
    %add3A_34 = arith.addi %mul3A_32, %add3A_33 : i32
    %dma_start3A_35 = arith.constant 0 : i32
    %dma_start3A_36 = tpu.memref_slice %arg13[%add3A_34, %dma_start3A_35] : memref<10240x64xf32, #tpu.memory_space<vmem_shared>> -> memref<128x64xf32, #tpu.memory_space<vmem_shared>>
    %dma_start3A_37 = arith.constant 0 : i32
    %dma_start3A_38 = tpu.memref_slice %arg13[%add3A_34, %dma_start3A_37] : memref<10240x64xf32, #tpu.memory_space<vmem_shared>> -> memref<128x64xf32, #tpu.memory_space<vmem_shared>>
    tpu.enqueue_dma source(%arg12 : memref<128x64xf32, #tpu.memory_space<vmem>>) target(%dma_start3A_38 : memref<128x64xf32, #tpu.memory_space<vmem_shared>>) target_semaphore(%arg18 : memref<!tpu.dma_semaphore, #tpu.memory_space<semaphore_mem>>)
    %mul3A_39 = arith.constant 640 : i32
    %mul3A_40 = arith.muli %arg1, %mul3A_39 : i32
    %add3A_41 = arith.constant 384 : i32
    %add3A_42 = arith.addi %mul3A_40, %add3A_41 : i32
    %dma_start3A_43 = arith.constant 0 : i32
    %dma_start3A_44 = tpu.memref_slice %arg13[%add3A_42, %dma_start3A_43] : memref<10240x64xf32, #tpu.memory_space<vmem_shared>> -> memref<128x64xf32, #tpu.memory_space<vmem_shared>>
    %dma_start3A_45 = arith.constant 0 : i32
    %dma_start3A_46 = tpu.memref_slice %arg13[%add3A_42, %dma_start3A_45] : memref<10240x64xf32, #tpu.memory_space<vmem_shared>> -> memref<128x64xf32, #tpu.memory_space<vmem_shared>>
    tpu.enqueue_dma source(%arg12 : memref<128x64xf32, #tpu.memory_space<vmem>>) target(%dma_start3A_46 : memref<128x64xf32, #tpu.memory_space<vmem_shared>>) target_semaphore(%arg18 : memref<!tpu.dma_semaphore, #tpu.memory_space<semaphore_mem>>)
    %mul3A_47 = arith.constant 640 : i32
    %mul3A_48 = arith.muli %arg1, %mul3A_47 : i32
    %add3A_49 = arith.constant 512 : i32
    %add3A_50 = arith.addi %mul3A_48, %add3A_49 : i32
    %dma_start3A_51 = arith.constant 0 : i32
    %dma_start3A_52 = tpu.memref_slice %arg13[%add3A_50, %dma_start3A_51] : memref<10240x64xf32, #tpu.memory_space<vmem_shared>> -> memref<128x64xf32, #tpu.memory_space<vmem_shared>>
    %dma_start3A_53 = arith.constant 0 : i32
    %dma_start3A_54 = tpu.memref_slice %arg13[%add3A_50, %dma_start3A_53] : memref<10240x64xf32, #tpu.memory_space<vmem_shared>> -> memref<128x64xf32, #tpu.memory_space<vmem_shared>>
    tpu.enqueue_dma source(%arg12 : memref<128x64xf32, #tpu.memory_space<vmem>>) target(%dma_start3A_54 : memref<128x64xf32, #tpu.memory_space<vmem_shared>>) target_semaphore(%arg18 : memref<!tpu.dma_semaphore, #tpu.memory_space<semaphore_mem>>)
    %dma_wait3A = arith.constant 0 : i32
    %dma_wait3A_55 = arith.constant 0 : i32
    %dma_wait3A_56 = arith.constant 0 : i32
    %dma_wait3A_57 = tpu.memref_slice %arg3[%dma_wait3A, %arg1, %dma_wait3A_55, %dma_wait3A_56] : memref<2x16x160x125xi32, #tpu.memory_space<hbm>> -> memref<1x1x160x125xi32, #tpu.memory_space<hbm>>
    %dma_wait3A_58 = tpu.memref_squeeze %dma_wait3A_57 : memref<1x1x160x125xi32, #tpu.memory_space<hbm>> -> memref<160x125xi32, #tpu.memory_space<hbm>>
    %dma_wait3A_59 = arith.constant 0 : i32
    %dma_wait3A_60 = arith.constant 0 : i32
    %dma_wait3A_61 = tpu.memref_slice %arg3[%dma_wait3A, %arg1, %dma_wait3A_59, %dma_wait3A_60] : memref<2x16x160x125xi32, #tpu.memory_space<hbm>> -> memref<1x1x160x125xi32, #tpu.memory_space<hbm>>
    %dma_wait3A_62 = tpu.memref_squeeze %dma_wait3A_61 : memref<1x1x160x125xi32, #tpu.memory_space<hbm>> -> memref<160x125xi32, #tpu.memory_space<hbm>>
    tpu.wait_dma2 semaphore(%arg14 : memref<!tpu.dma_semaphore, #tpu.memory_space<semaphore_mem>>) src(%dma_wait3A_62 : memref<160x125xi32, #tpu.memory_space<hbm>>) dst(%arg6 : memref<160x125xi32, #tpu.memory_space<vmem>>)
    %dma_wait3A_63 = arith.constant 1 : i32
    %dma_wait3A_64 = arith.constant 0 : i32
    %dma_wait3A_65 = arith.constant 0 : i32
    %dma_wait3A_66 = tpu.memref_slice %arg3[%dma_wait3A_63, %arg1, %dma_wait3A_64, %dma_wait3A_65] : memref<2x16x160x125xi32, #tpu.memory_space<hbm>> -> memref<1x1x160x125xi32, #tpu.memory_space<hbm>>
    %dma_wait3A_67 = tpu.memref_squeeze %dma_wait3A_66 : memref<1x1x160x125xi32, #tpu.memory_space<hbm>> -> memref<160x125xi32, #tpu.memory_space<hbm>>
    %dma_wait3A_68 = arith.constant 0 : i32
    %dma_wait3A_69 = arith.constant 0 : i32
    %dma_wait3A_70 = tpu.memref_slice %arg3[%dma_wait3A_63, %arg1, %dma_wait3A_68, %dma_wait3A_69] : memref<2x16x160x125xi32, #tpu.memory_space<hbm>> -> memref<1x1x160x125xi32, #tpu.memory_space<hbm>>
    %dma_wait3A_71 = tpu.memref_squeeze %dma_wait3A_70 : memref<1x1x160x125xi32, #tpu.memory_space<hbm>> -> memref<160x125xi32, #tpu.memory_space<hbm>>
    tpu.wait_dma2 semaphore(%arg15 : memref<!tpu.dma_semaphore, #tpu.memory_space<semaphore_mem>>) src(%dma_wait3A_71 : memref<160x125xi32, #tpu.memory_space<hbm>>) dst(%arg7 : memref<160x125xi32, #tpu.memory_space<vmem>>)
    %dma_wait3A_72 = arith.constant 0 : i32
    %dma_wait3A_73 = tpu.memref_slice %arg13[%add3A_18, %dma_wait3A_72] : memref<10240x64xf32, #tpu.memory_space<vmem_shared>> -> memref<128x64xf32, #tpu.memory_space<vmem_shared>>
    %dma_wait3A_74 = arith.constant 0 : i32
    %dma_wait3A_75 = tpu.memref_slice %arg13[%add3A_18, %dma_wait3A_74] : memref<10240x64xf32, #tpu.memory_space<vmem_shared>> -> memref<128x64xf32, #tpu.memory_space<vmem_shared>>
    tpu.wait_dma2 semaphore(%arg18 : memref<!tpu.dma_semaphore, #tpu.memory_space<semaphore_mem>>) src(%arg12 : memref<128x64xf32, #tpu.memory_space<vmem>>) dst(%dma_wait3A_75 : memref<128x64xf32, #tpu.memory_space<vmem_shared>>)
    %dma_wait3A_76 = arith.constant 0 : i32
    %dma_wait3A_77 = tpu.memref_slice %arg13[%add3A_26, %dma_wait3A_76] : memref<10240x64xf32, #tpu.memory_space<vmem_shared>> -> memref<128x64xf32, #tpu.memory_space<vmem_shared>>
    %dma_wait3A_78 = arith.constant 0 : i32
    %dma_wait3A_79 = tpu.memref_slice %arg13[%add3A_26, %dma_wait3A_78] : memref<10240x64xf32, #tpu.memory_space<vmem_shared>> -> memref<128x64xf32, #tpu.memory_space<vmem_shared>>
    tpu.wait_dma2 semaphore(%arg18 : memref<!tpu.dma_semaphore, #tpu.memory_space<semaphore_mem>>) src(%arg12 : memref<128x64xf32, #tpu.memory_space<vmem>>) dst(%dma_wait3A_79 : memref<128x64xf32, #tpu.memory_space<vmem_shared>>)
    %dma_wait3A_80 = arith.constant 0 : i32
    %dma_wait3A_81 = tpu.memref_slice %arg13[%add3A_34, %dma_wait3A_80] : memref<10240x64xf32, #tpu.memory_space<vmem_shared>> -> memref<128x64xf32, #tpu.memory_space<vmem_shared>>
    %dma_wait3A_82 = arith.constant 0 : i32
    %dma_wait3A_83 = tpu.memref_slice %arg13[%add3A_34, %dma_wait3A_82] : memref<10240x64xf32, #tpu.memory_space<vmem_shared>> -> memref<128x64xf32, #tpu.memory_space<vmem_shared>>
    tpu.wait_dma2 semaphore(%arg18 : memref<!tpu.dma_semaphore, #tpu.memory_space<semaphore_mem>>) src(%arg12 : memref<128x64xf32, #tpu.memory_space<vmem>>) dst(%dma_wait3A_83 : memref<128x64xf32, #tpu.memory_space<vmem_shared>>)
    %dma_wait3A_84 = arith.constant 0 : i32
    %dma_wait3A_85 = tpu.memref_slice %arg13[%add3A_42, %dma_wait3A_84] : memref<10240x64xf32, #tpu.memory_space<vmem_shared>> -> memref<128x64xf32, #tpu.memory_space<vmem_shared>>
    %dma_wait3A_86 = arith.constant 0 : i32
    %dma_wait3A_87 = tpu.memref_slice %arg13[%add3A_42, %dma_wait3A_86] : memref<10240x64xf32, #tpu.memory_space<vmem_shared>> -> memref<128x64xf32, #tpu.memory_space<vmem_shared>>
    tpu.wait_dma2 semaphore(%arg18 : memref<!tpu.dma_semaphore, #tpu.memory_space<semaphore_mem>>) src(%arg12 : memref<128x64xf32, #tpu.memory_space<vmem>>) dst(%dma_wait3A_87 : memref<128x64xf32, #tpu.memory_space<vmem_shared>>)
    %dma_wait3A_88 = arith.constant 0 : i32
    %dma_wait3A_89 = tpu.memref_slice %arg13[%add3A_50, %dma_wait3A_88] : memref<10240x64xf32, #tpu.memory_space<vmem_shared>> -> memref<128x64xf32, #tpu.memory_space<vmem_shared>>
    %dma_wait3A_90 = arith.constant 0 : i32
    %dma_wait3A_91 = tpu.memref_slice %arg13[%add3A_50, %dma_wait3A_90] : memref<10240x64xf32, #tpu.memory_space<vmem_shared>> -> memref<128x64xf32, #tpu.memory_space<vmem_shared>>
    tpu.wait_dma2 semaphore(%arg18 : memref<!tpu.dma_semaphore, #tpu.memory_space<semaphore_mem>>) src(%arg12 : memref<128x64xf32, #tpu.memory_space<vmem>>) dst(%dma_wait3A_91 : memref<128x64xf32, #tpu.memory_space<vmem_shared>>)
    %barrier3A = arith.constant 0 : index
    tpu.barrier barrier_id(%barrier3A)
    %dma_start3A_92 = arith.constant 0 : i32
    %dma_start3A_93 = arith.constant 0 : i32
    %dma_start3A_94 = tpu.memref_slice %arg6[%dma_start3A_92, %dma_start3A_93] : memref<160x125xi32, #tpu.memory_space<vmem>> -> memref<1x125xi32, #tpu.memory_space<vmem>>
    %dma_start3A_95 = tpu.memref_squeeze %dma_start3A_94 : memref<1x125xi32, #tpu.memory_space<vmem>> -> memref<125xi32, #tpu.memory_space<vmem>>
    %dma_start3A_96 = arith.constant 0 : i32
    %dma_start3A_97 = arith.constant 0 : i32
    %dma_start3A_98 = tpu.memref_slice %arg2[%arg0, %dma_start3A_96, %dma_start3A_97] : memref<2x10000x64xf32, #tpu.memory_space<hbm>> -> memref<1x10000x64xf32, #tpu.memory_space<hbm>>
    %dma_start3A_99 = tpu.memref_squeeze %dma_start3A_98 : memref<1x10000x64xf32, #tpu.memory_space<hbm>> -> memref<10000x64xf32, #tpu.memory_space<hbm>>
    %dma_start3A_100 = arith.constant 0 : i32
    %dma_start3A_101 = arith.constant 0 : i32
    %dma_start3A_102 = tpu.memref_slice %dma_start3A_99[%dma_start3A_100, %dma_start3A_101] : memref<10000x64xf32, #tpu.memory_space<hbm>> -> memref<10000x64xf32, #tpu.memory_space<hbm>>
    tpu.enqueue_indirect_dma source(%dma_start3A_102 : memref<10000x64xf32, #tpu.memory_space<hbm>>) target(%arg8 : memref<125x64xf32, #tpu.memory_space<vmem>>) offsets(%dma_start3A_95 : memref<125xi32, #tpu.memory_space<vmem>>) semaphore(%arg14 : memref<!tpu.dma_semaphore, #tpu.memory_space<semaphore_mem>>)
    %dma_start3A_103 = arith.constant 1 : i32
    %dma_start3A_104 = arith.constant 0 : i32
    %dma_start3A_105 = tpu.memref_slice %arg6[%dma_start3A_103, %dma_start3A_104] : memref<160x125xi32, #tpu.memory_space<vmem>> -> memref<1x125xi32, #tpu.memory_space<vmem>>
    %dma_start3A_106 = tpu.memref_squeeze %dma_start3A_105 : memref<1x125xi32, #tpu.memory_space<vmem>> -> memref<125xi32, #tpu.memory_space<vmem>>
    %dma_start3A_107 = arith.constant 0 : i32
    %dma_start3A_108 = arith.constant 0 : i32
    %dma_start3A_109 = tpu.memref_slice %arg2[%arg0, %dma_start3A_107, %dma_start3A_108] : memref<2x10000x64xf32, #tpu.memory_space<hbm>> -> memref<1x10000x64xf32, #tpu.memory_space<hbm>>
    %dma_start3A_110 = tpu.memref_squeeze %dma_start3A_109 : memref<1x10000x64xf32, #tpu.memory_space<hbm>> -> memref<10000x64xf32, #tpu.memory_space<hbm>>
    %dma_start3A_111 = arith.constant 0 : i32
    %dma_start3A_112 = arith.constant 0 : i32
    %dma_start3A_113 = tpu.memref_slice %dma_start3A_110[%dma_start3A_111, %dma_start3A_112] : memref<10000x64xf32, #tpu.memory_space<hbm>> -> memref<10000x64xf32, #tpu.memory_space<hbm>>
    tpu.enqueue_indirect_dma source(%dma_start3A_113 : memref<10000x64xf32, #tpu.memory_space<hbm>>) target(%arg9 : memref<125x64xf32, #tpu.memory_space<vmem>>) offsets(%dma_start3A_106 : memref<125xi32, #tpu.memory_space<vmem>>) semaphore(%arg15 : memref<!tpu.dma_semaphore, #tpu.memory_space<semaphore_mem>>)
    %scan3A = arith.constant 0 : i32
    %scan3A_114 = arith.constant 0 : i32
    %scan3A_115 = arith.constant 40 : i32
    %scan3A_116 = arith.addi %scan3A_114, %scan3A_115 : i32
    %scan3A_117 = arith.constant 1 : i32
    scf.for %scan3A_218 = %scan3A_114 to %scan3A_116 step %scan3A_117  : i32 {
      %mul3A_219 = arith.constant 4 : i32
      %mul3A_220 = arith.muli %scan3A_218, %mul3A_219 : i32
      %add3A_221 = arith.constant 0 : i32
      %add3A_222 = arith.addi %mul3A_220, %add3A_221 : i32
      %add3A_223 = arith.constant 2 : i32
      %add3A_224 = arith.addi %add3A_222, %add3A_223 : i32
      %lt3A = arith.constant 160 : i32
      %lt3A_225 = arith.cmpi slt, %add3A_224, %lt3A : i32
      %convert_element_type3A = arith.extui %lt3A_225 : i1 to i32
      %cond3A = arith.constant 0 : i32
      %cond3A_226 = arith.cmpi ne, %convert_element_type3A, %cond3A : i32
      scf.if %cond3A_226 {
        %ge3A = arith.constant 2 : i32
        %ge3A_318 = arith.cmpi sge, %add3A_222, %ge3A : i32
        %convert_element_type3A_319 = arith.extui %ge3A_318 : i1 to i32
        %cond3A_320 = arith.constant 0 : i32
        %cond3A_321 = arith.cmpi ne, %convert_element_type3A_319, %cond3A_320 : i32
        scf.if %cond3A_321 {
          %sub3A = arith.constant 2 : i32
          %sub3A_334 = arith.subi %add3A_222, %sub3A : i32
          %dma_wait3A_335 = arith.constant 0 : i32
          %dma_wait3A_336 = tpu.memref_slice %arg7[%sub3A_334, %dma_wait3A_335] : memref<160x125xi32, #tpu.memory_space<vmem>> -> memref<1x125xi32, #tpu.memory_space<vmem>>
          %dma_wait3A_337 = tpu.memref_squeeze %dma_wait3A_336 : memref<1x125xi32, #tpu.memory_space<vmem>> -> memref<125xi32, #tpu.memory_space<vmem>>
          %dma_wait3A_338 = arith.constant 0 : i32
          %dma_wait3A_339 = arith.constant 0 : i32
          %dma_wait3A_340 = tpu.memref_slice %arg13[%dma_wait3A_338, %dma_wait3A_339] : memref<10240x64xf32, #tpu.memory_space<vmem_shared>> -> memref<10240x64xf32, #tpu.memory_space<vmem_shared>>
          tpu.wait_indirect_dma semaphore(%arg20 : memref<!tpu.dma_semaphore, #tpu.memory_space<semaphore_mem>>) src(%arg10 : memref<125x64xf32, #tpu.memory_space<vmem>>) dst(%dma_wait3A_340 : memref<10240x64xf32, #tpu.memory_space<vmem_shared>>)
        } else {
        }
        %add3A_322 = arith.constant 2 : i32
        %add3A_323 = arith.addi %add3A_222, %add3A_322 : i32
        %dma_start3A_324 = arith.constant 0 : i32
        %dma_start3A_325 = tpu.memref_slice %arg6[%add3A_323, %dma_start3A_324] : memref<160x125xi32, #tpu.memory_space<vmem>> -> memref<1x125xi32, #tpu.memory_space<vmem>>
        %dma_start3A_326 = tpu.memref_squeeze %dma_start3A_325 : memref<1x125xi32, #tpu.memory_space<vmem>> -> memref<125xi32, #tpu.memory_space<vmem>>
        %dma_start3A_327 = arith.constant 0 : i32
        %dma_start3A_328 = arith.constant 0 : i32
        %dma_start3A_329 = tpu.memref_slice %arg2[%arg0, %dma_start3A_327, %dma_start3A_328] : memref<2x10000x64xf32, #tpu.memory_space<hbm>> -> memref<1x10000x64xf32, #tpu.memory_space<hbm>>
        %dma_start3A_330 = tpu.memref_squeeze %dma_start3A_329 : memref<1x10000x64xf32, #tpu.memory_space<hbm>> -> memref<10000x64xf32, #tpu.memory_space<hbm>>
        %dma_start3A_331 = arith.constant 0 : i32
        %dma_start3A_332 = arith.constant 0 : i32
        %dma_start3A_333 = tpu.memref_slice %dma_start3A_330[%dma_start3A_331, %dma_start3A_332] : memref<10000x64xf32, #tpu.memory_space<hbm>> -> memref<10000x64xf32, #tpu.memory_space<hbm>>
        tpu.enqueue_indirect_dma source(%dma_start3A_333 : memref<10000x64xf32, #tpu.memory_space<hbm>>) target(%arg10 : memref<125x64xf32, #tpu.memory_space<vmem>>) offsets(%dma_start3A_326 : memref<125xi32, #tpu.memory_space<vmem>>) semaphore(%arg16 : memref<!tpu.dma_semaphore, #tpu.memory_space<semaphore_mem>>)
      } else {
      }
      %dma_wait3A_227 = arith.constant 0 : i32
      %dma_wait3A_228 = tpu.memref_slice %arg6[%add3A_222, %dma_wait3A_227] : memref<160x125xi32, #tpu.memory_space<vmem>> -> memref<1x125xi32, #tpu.memory_space<vmem>>
      %dma_wait3A_229 = tpu.memref_squeeze %dma_wait3A_228 : memref<1x125xi32, #tpu.memory_space<vmem>> -> memref<125xi32, #tpu.memory_space<vmem>>
      %dma_wait3A_230 = arith.constant 0 : i32
      %dma_wait3A_231 = arith.constant 0 : i32
      %dma_wait3A_232 = tpu.memref_slice %arg2[%arg0, %dma_wait3A_230, %dma_wait3A_231] : memref<2x10000x64xf32, #tpu.memory_space<hbm>> -> memref<1x10000x64xf32, #tpu.memory_space<hbm>>
      %dma_wait3A_233 = tpu.memref_squeeze %dma_wait3A_232 : memref<1x10000x64xf32, #tpu.memory_space<hbm>> -> memref<10000x64xf32, #tpu.memory_space<hbm>>
      %dma_wait3A_234 = arith.constant 0 : i32
      %dma_wait3A_235 = arith.constant 0 : i32
      %dma_wait3A_236 = tpu.memref_slice %dma_wait3A_233[%dma_wait3A_234, %dma_wait3A_235] : memref<10000x64xf32, #tpu.memory_space<hbm>> -> memref<10000x64xf32, #tpu.memory_space<hbm>>
      tpu.wait_indirect_dma semaphore(%arg14 : memref<!tpu.dma_semaphore, #tpu.memory_space<semaphore_mem>>) src(%dma_wait3A_236 : memref<10000x64xf32, #tpu.memory_space<hbm>>) dst(%arg8 : memref<125x64xf32, #tpu.memory_space<vmem>>)
      %dma_start3A_237 = arith.constant 0 : i32
      %dma_start3A_238 = tpu.memref_slice %arg7[%add3A_222, %dma_start3A_237] : memref<160x125xi32, #tpu.memory_space<vmem>> -> memref<1x125xi32, #tpu.memory_space<vmem>>
      %dma_start3A_239 = tpu.memref_squeeze %dma_start3A_238 : memref<1x125xi32, #tpu.memory_space<vmem>> -> memref<125xi32, #tpu.memory_space<vmem>>
      %dma_start3A_240 = arith.constant 0 : i32
      %dma_start3A_241 = arith.constant 0 : i32
      %dma_start3A_242 = tpu.memref_slice %arg13[%dma_start3A_240, %dma_start3A_241] : memref<10240x64xf32, #tpu.memory_space<vmem_shared>> -> memref<10240x64xf32, #tpu.memory_space<vmem_shared>>
      tpu.enqueue_indirect_dma source(%arg8 : memref<125x64xf32, #tpu.memory_space<vmem>>) target(%dma_start3A_242 : memref<10240x64xf32, #tpu.memory_space<vmem_shared>>) offsets(%dma_start3A_239 : memref<125xi32, #tpu.memory_space<vmem>>) semaphore(%arg18 : memref<!tpu.dma_semaphore, #tpu.memory_space<semaphore_mem>>) {add = true}
      %add3A_243 = arith.constant 1 : i32
      %add3A_244 = arith.addi %mul3A_220, %add3A_243 : i32
      %add3A_245 = arith.constant 2 : i32
      %add3A_246 = arith.addi %add3A_244, %add3A_245 : i32
      %lt3A_247 = arith.constant 160 : i32
      %lt3A_248 = arith.cmpi slt, %add3A_246, %lt3A_247 : i32
      %convert_element_type3A_249 = arith.extui %lt3A_248 : i1 to i32
      %cond3A_250 = arith.constant 0 : i32
      %cond3A_251 = arith.cmpi ne, %convert_element_type3A_249, %cond3A_250 : i32
      scf.if %cond3A_251 {
        %ge3A = arith.constant 2 : i32
        %ge3A_318 = arith.cmpi sge, %add3A_244, %ge3A : i32
        %convert_element_type3A_319 = arith.extui %ge3A_318 : i1 to i32
        %cond3A_320 = arith.constant 0 : i32
        %cond3A_321 = arith.cmpi ne, %convert_element_type3A_319, %cond3A_320 : i32
        scf.if %cond3A_321 {
          %sub3A = arith.constant 2 : i32
          %sub3A_334 = arith.subi %add3A_244, %sub3A : i32
          %dma_wait3A_335 = arith.constant 0 : i32
          %dma_wait3A_336 = tpu.memref_slice %arg7[%sub3A_334, %dma_wait3A_335] : memref<160x125xi32, #tpu.memory_space<vmem>> -> memref<1x125xi32, #tpu.memory_space<vmem>>
          %dma_wait3A_337 = tpu.memref_squeeze %dma_wait3A_336 : memref<1x125xi32, #tpu.memory_space<vmem>> -> memref<125xi32, #tpu.memory_space<vmem>>
          %dma_wait3A_338 = arith.constant 0 : i32
          %dma_wait3A_339 = arith.constant 0 : i32
          %dma_wait3A_340 = tpu.memref_slice %arg13[%dma_wait3A_338, %dma_wait3A_339] : memref<10240x64xf32, #tpu.memory_space<vmem_shared>> -> memref<10240x64xf32, #tpu.memory_space<vmem_shared>>
          tpu.wait_indirect_dma semaphore(%arg21 : memref<!tpu.dma_semaphore, #tpu.memory_space<semaphore_mem>>) src(%arg11 : memref<125x64xf32, #tpu.memory_space<vmem>>) dst(%dma_wait3A_340 : memref<10240x64xf32, #tpu.memory_space<vmem_shared>>)
        } else {
        }
        %add3A_322 = arith.constant 2 : i32
        %add3A_323 = arith.addi %add3A_244, %add3A_322 : i32
        %dma_start3A_324 = arith.constant 0 : i32
        %dma_start3A_325 = tpu.memref_slice %arg6[%add3A_323, %dma_start3A_324] : memref<160x125xi32, #tpu.memory_space<vmem>> -> memref<1x125xi32, #tpu.memory_space<vmem>>
        %dma_start3A_326 = tpu.memref_squeeze %dma_start3A_325 : memref<1x125xi32, #tpu.memory_space<vmem>> -> memref<125xi32, #tpu.memory_space<vmem>>
        %dma_start3A_327 = arith.constant 0 : i32
        %dma_start3A_328 = arith.constant 0 : i32
        %dma_start3A_329 = tpu.memref_slice %arg2[%arg0, %dma_start3A_327, %dma_start3A_328] : memref<2x10000x64xf32, #tpu.memory_space<hbm>> -> memref<1x10000x64xf32, #tpu.memory_space<hbm>>
        %dma_start3A_330 = tpu.memref_squeeze %dma_start3A_329 : memref<1x10000x64xf32, #tpu.memory_space<hbm>> -> memref<10000x64xf32, #tpu.memory_space<hbm>>
        %dma_start3A_331 = arith.constant 0 : i32
        %dma_start3A_332 = arith.constant 0 : i32
        %dma_start3A_333 = tpu.memref_slice %dma_start3A_330[%dma_start3A_331, %dma_start3A_332] : memref<10000x64xf32, #tpu.memory_space<hbm>> -> memref<10000x64xf32, #tpu.memory_space<hbm>>
        tpu.enqueue_indirect_dma source(%dma_start3A_333 : memref<10000x64xf32, #tpu.memory_space<hbm>>) target(%arg11 : memref<125x64xf32, #tpu.memory_space<vmem>>) offsets(%dma_start3A_326 : memref<125xi32, #tpu.memory_space<vmem>>) semaphore(%arg17 : memref<!tpu.dma_semaphore, #tpu.memory_space<semaphore_mem>>)
      } else {
      }
      %dma_wait3A_252 = arith.constant 0 : i32
      %dma_wait3A_253 = tpu.memref_slice %arg6[%add3A_244, %dma_wait3A_252] : memref<160x125xi32, #tpu.memory_space<vmem>> -> memref<1x125xi32, #tpu.memory_space<vmem>>
      %dma_wait3A_254 = tpu.memref_squeeze %dma_wait3A_253 : memref<1x125xi32, #tpu.memory_space<vmem>> -> memref<125xi32, #tpu.memory_space<vmem>>
      %dma_wait3A_255 = arith.constant 0 : i32
      %dma_wait3A_256 = arith.constant 0 : i32
      %dma_wait3A_257 = tpu.memref_slice %arg2[%arg0, %dma_wait3A_255, %dma_wait3A_256] : memref<2x10000x64xf32, #tpu.memory_space<hbm>> -> memref<1x10000x64xf32, #tpu.memory_space<hbm>>
      %dma_wait3A_258 = tpu.memref_squeeze %dma_wait3A_257 : memref<1x10000x64xf32, #tpu.memory_space<hbm>> -> memref<10000x64xf32, #tpu.memory_space<hbm>>
      %dma_wait3A_259 = arith.constant 0 : i32
      %dma_wait3A_260 = arith.constant 0 : i32
      %dma_wait3A_261 = tpu.memref_slice %dma_wait3A_258[%dma_wait3A_259, %dma_wait3A_260] : memref<10000x64xf32, #tpu.memory_space<hbm>> -> memref<10000x64xf32, #tpu.memory_space<hbm>>
      tpu.wait_indirect_dma semaphore(%arg15 : memref<!tpu.dma_semaphore, #tpu.memory_space<semaphore_mem>>) src(%dma_wait3A_261 : memref<10000x64xf32, #tpu.memory_space<hbm>>) dst(%arg9 : memref<125x64xf32, #tpu.memory_space<vmem>>)
      %dma_start3A_262 = arith.constant 0 : i32
      %dma_start3A_263 = tpu.memref_slice %arg7[%add3A_244, %dma_start3A_262] : memref<160x125xi32, #tpu.memory_space<vmem>> -> memref<1x125xi32, #tpu.memory_space<vmem>>
      %dma_start3A_264 = tpu.memref_squeeze %dma_start3A_263 : memref<1x125xi32, #tpu.memory_space<vmem>> -> memref<125xi32, #tpu.memory_space<vmem>>
      %dma_start3A_265 = arith.constant 0 : i32
      %dma_start3A_266 = arith.constant 0 : i32
      %dma_start3A_267 = tpu.memref_slice %arg13[%dma_start3A_265, %dma_start3A_266] : memref<10240x64xf32, #tpu.memory_space<vmem_shared>> -> memref<10240x64xf32, #tpu.memory_space<vmem_shared>>
      tpu.enqueue_indirect_dma source(%arg9 : memref<125x64xf32, #tpu.memory_space<vmem>>) target(%dma_start3A_267 : memref<10240x64xf32, #tpu.memory_space<vmem_shared>>) offsets(%dma_start3A_264 : memref<125xi32, #tpu.memory_space<vmem>>) semaphore(%arg19 : memref<!tpu.dma_semaphore, #tpu.memory_space<semaphore_mem>>) {add = true}
      %add3A_268 = arith.constant 2 : i32
      %add3A_269 = arith.addi %mul3A_220, %add3A_268 : i32
      %add3A_270 = arith.constant 2 : i32
      %add3A_271 = arith.addi %add3A_269, %add3A_270 : i32
      %lt3A_272 = arith.constant 160 : i32
      %lt3A_273 = arith.cmpi slt, %add3A_271, %lt3A_272 : i32
      %convert_element_type3A_274 = arith.extui %lt3A_273 : i1 to i32
      %cond3A_275 = arith.constant 0 : i32
      %cond3A_276 = arith.cmpi ne, %convert_element_type3A_274, %cond3A_275 : i32
      scf.if %cond3A_276 {
        %ge3A = arith.constant 2 : i32
        %ge3A_318 = arith.cmpi sge, %add3A_269, %ge3A : i32
        %convert_element_type3A_319 = arith.extui %ge3A_318 : i1 to i32
        %cond3A_320 = arith.constant 0 : i32
        %cond3A_321 = arith.cmpi ne, %convert_element_type3A_319, %cond3A_320 : i32
        scf.if %cond3A_321 {
          %sub3A = arith.constant 2 : i32
          %sub3A_334 = arith.subi %add3A_269, %sub3A : i32
          %dma_wait3A_335 = arith.constant 0 : i32
          %dma_wait3A_336 = tpu.memref_slice %arg7[%sub3A_334, %dma_wait3A_335] : memref<160x125xi32, #tpu.memory_space<vmem>> -> memref<1x125xi32, #tpu.memory_space<vmem>>
          %dma_wait3A_337 = tpu.memref_squeeze %dma_wait3A_336 : memref<1x125xi32, #tpu.memory_space<vmem>> -> memref<125xi32, #tpu.memory_space<vmem>>
          %dma_wait3A_338 = arith.constant 0 : i32
          %dma_wait3A_339 = arith.constant 0 : i32
          %dma_wait3A_340 = tpu.memref_slice %arg13[%dma_wait3A_338, %dma_wait3A_339] : memref<10240x64xf32, #tpu.memory_space<vmem_shared>> -> memref<10240x64xf32, #tpu.memory_space<vmem_shared>>
          tpu.wait_indirect_dma semaphore(%arg18 : memref<!tpu.dma_semaphore, #tpu.memory_space<semaphore_mem>>) src(%arg8 : memref<125x64xf32, #tpu.memory_space<vmem>>) dst(%dma_wait3A_340 : memref<10240x64xf32, #tpu.memory_space<vmem_shared>>)
        } else {
        }
        %add3A_322 = arith.constant 2 : i32
        %add3A_323 = arith.addi %add3A_269, %add3A_322 : i32
        %dma_start3A_324 = arith.constant 0 : i32
        %dma_start3A_325 = tpu.memref_slice %arg6[%add3A_323, %dma_start3A_324] : memref<160x125xi32, #tpu.memory_space<vmem>> -> memref<1x125xi32, #tpu.memory_space<vmem>>
        %dma_start3A_326 = tpu.memref_squeeze %dma_start3A_325 : memref<1x125xi32, #tpu.memory_space<vmem>> -> memref<125xi32, #tpu.memory_space<vmem>>
        %dma_start3A_327 = arith.constant 0 : i32
        %dma_start3A_328 = arith.constant 0 : i32
        %dma_start3A_329 = tpu.memref_slice %arg2[%arg0, %dma_start3A_327, %dma_start3A_328] : memref<2x10000x64xf32, #tpu.memory_space<hbm>> -> memref<1x10000x64xf32, #tpu.memory_space<hbm>>
        %dma_start3A_330 = tpu.memref_squeeze %dma_start3A_329 : memref<1x10000x64xf32, #tpu.memory_space<hbm>> -> memref<10000x64xf32, #tpu.memory_space<hbm>>
        %dma_start3A_331 = arith.constant 0 : i32
        %dma_start3A_332 = arith.constant 0 : i32
        %dma_start3A_333 = tpu.memref_slice %dma_start3A_330[%dma_start3A_331, %dma_start3A_332] : memref<10000x64xf32, #tpu.memory_space<hbm>> -> memref<10000x64xf32, #tpu.memory_space<hbm>>
        tpu.enqueue_indirect_dma source(%dma_start3A_333 : memref<10000x64xf32, #tpu.memory_space<hbm>>) target(%arg8 : memref<125x64xf32, #tpu.memory_space<vmem>>) offsets(%dma_start3A_326 : memref<125xi32, #tpu.memory_space<vmem>>) semaphore(%arg14 : memref<!tpu.dma_semaphore, #tpu.memory_space<semaphore_mem>>)
      } else {
      }
      %dma_wait3A_277 = arith.constant 0 : i32
      %dma_wait3A_278 = tpu.memref_slice %arg6[%add3A_269, %dma_wait3A_277] : memref<160x125xi32, #tpu.memory_space<vmem>> -> memref<1x125xi32, #tpu.memory_space<vmem>>
      %dma_wait3A_279 = tpu.memref_squeeze %dma_wait3A_278 : memref<1x125xi32, #tpu.memory_space<vmem>> -> memref<125xi32, #tpu.memory_space<vmem>>
      %dma_wait3A_280 = arith.constant 0 : i32
      %dma_wait3A_281 = arith.constant 0 : i32
      %dma_wait3A_282 = tpu.memref_slice %arg2[%arg0, %dma_wait3A_280, %dma_wait3A_281] : memref<2x10000x64xf32, #tpu.memory_space<hbm>> -> memref<1x10000x64xf32, #tpu.memory_space<hbm>>
      %dma_wait3A_283 = tpu.memref_squeeze %dma_wait3A_282 : memref<1x10000x64xf32, #tpu.memory_space<hbm>> -> memref<10000x64xf32, #tpu.memory_space<hbm>>
      %dma_wait3A_284 = arith.constant 0 : i32
      %dma_wait3A_285 = arith.constant 0 : i32
      %dma_wait3A_286 = tpu.memref_slice %dma_wait3A_283[%dma_wait3A_284, %dma_wait3A_285] : memref<10000x64xf32, #tpu.memory_space<hbm>> -> memref<10000x64xf32, #tpu.memory_space<hbm>>
      tpu.wait_indirect_dma semaphore(%arg16 : memref<!tpu.dma_semaphore, #tpu.memory_space<semaphore_mem>>) src(%dma_wait3A_286 : memref<10000x64xf32, #tpu.memory_space<hbm>>) dst(%arg10 : memref<125x64xf32, #tpu.memory_space<vmem>>)
      %dma_start3A_287 = arith.constant 0 : i32
      %dma_start3A_288 = tpu.memref_slice %arg7[%add3A_269, %dma_start3A_287] : memref<160x125xi32, #tpu.memory_space<vmem>> -> memref<1x125xi32, #tpu.memory_space<vmem>>
      %dma_start3A_289 = tpu.memref_squeeze %dma_start3A_288 : memref<1x125xi32, #tpu.memory_space<vmem>> -> memref<125xi32, #tpu.memory_space<vmem>>
      %dma_start3A_290 = arith.constant 0 : i32
      %dma_start3A_291 = arith.constant 0 : i32
      %dma_start3A_292 = tpu.memref_slice %arg13[%dma_start3A_290, %dma_start3A_291] : memref<10240x64xf32, #tpu.memory_space<vmem_shared>> -> memref<10240x64xf32, #tpu.memory_space<vmem_shared>>
      tpu.enqueue_indirect_dma source(%arg10 : memref<125x64xf32, #tpu.memory_space<vmem>>) target(%dma_start3A_292 : memref<10240x64xf32, #tpu.memory_space<vmem_shared>>) offsets(%dma_start3A_289 : memref<125xi32, #tpu.memory_space<vmem>>) semaphore(%arg20 : memref<!tpu.dma_semaphore, #tpu.memory_space<semaphore_mem>>) {add = true}
      %add3A_293 = arith.constant 3 : i32
      %add3A_294 = arith.addi %mul3A_220, %add3A_293 : i32
      %add3A_295 = arith.constant 2 : i32
      %add3A_296 = arith.addi %add3A_294, %add3A_295 : i32
      %lt3A_297 = arith.constant 160 : i32
      %lt3A_298 = arith.cmpi slt, %add3A_296, %lt3A_297 : i32
      %convert_element_type3A_299 = arith.extui %lt3A_298 : i1 to i32
      %cond3A_300 = arith.constant 0 : i32
      %cond3A_301 = arith.cmpi ne, %convert_element_type3A_299, %cond3A_300 : i32
      scf.if %cond3A_301 {
        %ge3A = arith.constant 2 : i32
        %ge3A_318 = arith.cmpi sge, %add3A_294, %ge3A : i32
        %convert_element_type3A_319 = arith.extui %ge3A_318 : i1 to i32
        %cond3A_320 = arith.constant 0 : i32
        %cond3A_321 = arith.cmpi ne, %convert_element_type3A_319, %cond3A_320 : i32
        scf.if %cond3A_321 {
          %sub3A = arith.constant 2 : i32
          %sub3A_334 = arith.subi %add3A_294, %sub3A : i32
          %dma_wait3A_335 = arith.constant 0 : i32
          %dma_wait3A_336 = tpu.memref_slice %arg7[%sub3A_334, %dma_wait3A_335] : memref<160x125xi32, #tpu.memory_space<vmem>> -> memref<1x125xi32, #tpu.memory_space<vmem>>
          %dma_wait3A_337 = tpu.memref_squeeze %dma_wait3A_336 : memref<1x125xi32, #tpu.memory_space<vmem>> -> memref<125xi32, #tpu.memory_space<vmem>>
          %dma_wait3A_338 = arith.constant 0 : i32
          %dma_wait3A_339 = arith.constant 0 : i32
          %dma_wait3A_340 = tpu.memref_slice %arg13[%dma_wait3A_338, %dma_wait3A_339] : memref<10240x64xf32, #tpu.memory_space<vmem_shared>> -> memref<10240x64xf32, #tpu.memory_space<vmem_shared>>
          tpu.wait_indirect_dma semaphore(%arg19 : memref<!tpu.dma_semaphore, #tpu.memory_space<semaphore_mem>>) src(%arg9 : memref<125x64xf32, #tpu.memory_space<vmem>>) dst(%dma_wait3A_340 : memref<10240x64xf32, #tpu.memory_space<vmem_shared>>)
        } else {
        }
        %add3A_322 = arith.constant 2 : i32
        %add3A_323 = arith.addi %add3A_294, %add3A_322 : i32
        %dma_start3A_324 = arith.constant 0 : i32
        %dma_start3A_325 = tpu.memref_slice %arg6[%add3A_323, %dma_start3A_324] : memref<160x125xi32, #tpu.memory_space<vmem>> -> memref<1x125xi32, #tpu.memory_space<vmem>>
        %dma_start3A_326 = tpu.memref_squeeze %dma_start3A_325 : memref<1x125xi32, #tpu.memory_space<vmem>> -> memref<125xi32, #tpu.memory_space<vmem>>
        %dma_start3A_327 = arith.constant 0 : i32
        %dma_start3A_328 = arith.constant 0 : i32
        %dma_start3A_329 = tpu.memref_slice %arg2[%arg0, %dma_start3A_327, %dma_start3A_328] : memref<2x10000x64xf32, #tpu.memory_space<hbm>> -> memref<1x10000x64xf32, #tpu.memory_space<hbm>>
        %dma_start3A_330 = tpu.memref_squeeze %dma_start3A_329 : memref<1x10000x64xf32, #tpu.memory_space<hbm>> -> memref<10000x64xf32, #tpu.memory_space<hbm>>
        %dma_start3A_331 = arith.constant 0 : i32
        %dma_start3A_332 = arith.constant 0 : i32
        %dma_start3A_333 = tpu.memref_slice %dma_start3A_330[%dma_start3A_331, %dma_start3A_332] : memref<10000x64xf32, #tpu.memory_space<hbm>> -> memref<10000x64xf32, #tpu.memory_space<hbm>>
        tpu.enqueue_indirect_dma source(%dma_start3A_333 : memref<10000x64xf32, #tpu.memory_space<hbm>>) target(%arg9 : memref<125x64xf32, #tpu.memory_space<vmem>>) offsets(%dma_start3A_326 : memref<125xi32, #tpu.memory_space<vmem>>) semaphore(%arg15 : memref<!tpu.dma_semaphore, #tpu.memory_space<semaphore_mem>>)
      } else {
      }
      %dma_wait3A_302 = arith.constant 0 : i32
      %dma_wait3A_303 = tpu.memref_slice %arg6[%add3A_294, %dma_wait3A_302] : memref<160x125xi32, #tpu.memory_space<vmem>> -> memref<1x125xi32, #tpu.memory_space<vmem>>
      %dma_wait3A_304 = tpu.memref_squeeze %dma_wait3A_303 : memref<1x125xi32, #tpu.memory_space<vmem>> -> memref<125xi32, #tpu.memory_space<vmem>>
      %dma_wait3A_305 = arith.constant 0 : i32
      %dma_wait3A_306 = arith.constant 0 : i32
      %dma_wait3A_307 = tpu.memref_slice %arg2[%arg0, %dma_wait3A_305, %dma_wait3A_306] : memref<2x10000x64xf32, #tpu.memory_space<hbm>> -> memref<1x10000x64xf32, #tpu.memory_space<hbm>>
      %dma_wait3A_308 = tpu.memref_squeeze %dma_wait3A_307 : memref<1x10000x64xf32, #tpu.memory_space<hbm>> -> memref<10000x64xf32, #tpu.memory_space<hbm>>
      %dma_wait3A_309 = arith.constant 0 : i32
      %dma_wait3A_310 = arith.constant 0 : i32
      %dma_wait3A_311 = tpu.memref_slice %dma_wait3A_308[%dma_wait3A_309, %dma_wait3A_310] : memref<10000x64xf32, #tpu.memory_space<hbm>> -> memref<10000x64xf32, #tpu.memory_space<hbm>>
      tpu.wait_indirect_dma semaphore(%arg17 : memref<!tpu.dma_semaphore, #tpu.memory_space<semaphore_mem>>) src(%dma_wait3A_311 : memref<10000x64xf32, #tpu.memory_space<hbm>>) dst(%arg11 : memref<125x64xf32, #tpu.memory_space<vmem>>)
      %dma_start3A_312 = arith.constant 0 : i32
      %dma_start3A_313 = tpu.memref_slice %arg7[%add3A_294, %dma_start3A_312] : memref<160x125xi32, #tpu.memory_space<vmem>> -> memref<1x125xi32, #tpu.memory_space<vmem>>
      %dma_start3A_314 = tpu.memref_squeeze %dma_start3A_313 : memref<1x125xi32, #tpu.memory_space<vmem>> -> memref<125xi32, #tpu.memory_space<vmem>>
      %dma_start3A_315 = arith.constant 0 : i32
      %dma_start3A_316 = arith.constant 0 : i32
      %dma_start3A_317 = tpu.memref_slice %arg13[%dma_start3A_315, %dma_start3A_316] : memref<10240x64xf32, #tpu.memory_space<vmem_shared>> -> memref<10240x64xf32, #tpu.memory_space<vmem_shared>>
      tpu.enqueue_indirect_dma source(%arg11 : memref<125x64xf32, #tpu.memory_space<vmem>>) target(%dma_start3A_317 : memref<10240x64xf32, #tpu.memory_space<vmem_shared>>) offsets(%dma_start3A_314 : memref<125xi32, #tpu.memory_space<vmem>>) semaphore(%arg21 : memref<!tpu.dma_semaphore, #tpu.memory_space<semaphore_mem>>) {add = true}
    }
    %scan3A_118 = arith.constant 40 : i32
    %dma_wait3A_119 = arith.constant 156 : i32
    %dma_wait3A_120 = arith.constant 0 : i32
    %dma_wait3A_121 = tpu.memref_slice %arg7[%dma_wait3A_119, %dma_wait3A_120] : memref<160x125xi32, #tpu.memory_space<vmem>> -> memref<1x125xi32, #tpu.memory_space<vmem>>
    %dma_wait3A_122 = tpu.memref_squeeze %dma_wait3A_121 : memref<1x125xi32, #tpu.memory_space<vmem>> -> memref<125xi32, #tpu.memory_space<vmem>>
    %dma_wait3A_123 = arith.constant 0 : i32
    %dma_wait3A_124 = arith.constant 0 : i32
    %dma_wait3A_125 = tpu.memref_slice %arg13[%dma_wait3A_123, %dma_wait3A_124] : memref<10240x64xf32, #tpu.memory_space<vmem_shared>> -> memref<10240x64xf32, #tpu.memory_space<vmem_shared>>
    tpu.wait_indirect_dma semaphore(%arg18 : memref<!tpu.dma_semaphore, #tpu.memory_space<semaphore_mem>>) src(%arg8 : memref<125x64xf32, #tpu.memory_space<vmem>>) dst(%dma_wait3A_125 : memref<10240x64xf32, #tpu.memory_space<vmem_shared>>)
    %dma_wait3A_126 = arith.constant 157 : i32
    %dma_wait3A_127 = arith.constant 0 : i32
    %dma_wait3A_128 = tpu.memref_slice %arg7[%dma_wait3A_126, %dma_wait3A_127] : memref<160x125xi32, #tpu.memory_space<vmem>> -> memref<1x125xi32, #tpu.memory_space<vmem>>
    %dma_wait3A_129 = tpu.memref_squeeze %dma_wait3A_128 : memref<1x125xi32, #tpu.memory_space<vmem>> -> memref<125xi32, #tpu.memory_space<vmem>>
    %dma_wait3A_130 = arith.constant 0 : i32
    %dma_wait3A_131 = arith.constant 0 : i32
    %dma_wait3A_132 = tpu.memref_slice %arg13[%dma_wait3A_130, %dma_wait3A_131] : memref<10240x64xf32, #tpu.memory_space<vmem_shared>> -> memref<10240x64xf32, #tpu.memory_space<vmem_shared>>
    tpu.wait_indirect_dma semaphore(%arg19 : memref<!tpu.dma_semaphore, #tpu.memory_space<semaphore_mem>>) src(%arg9 : memref<125x64xf32, #tpu.memory_space<vmem>>) dst(%dma_wait3A_132 : memref<10240x64xf32, #tpu.memory_space<vmem_shared>>)
    %dma_wait3A_133 = arith.constant 158 : i32
    %dma_wait3A_134 = arith.constant 0 : i32
    %dma_wait3A_135 = tpu.memref_slice %arg7[%dma_wait3A_133, %dma_wait3A_134] : memref<160x125xi32, #tpu.memory_space<vmem>> -> memref<1x125xi32, #tpu.memory_space<vmem>>
    %dma_wait3A_136 = tpu.memref_squeeze %dma_wait3A_135 : memref<1x125xi32, #tpu.memory_space<vmem>> -> memref<125xi32, #tpu.memory_space<vmem>>
    %dma_wait3A_137 = arith.constant 0 : i32
    %dma_wait3A_138 = arith.constant 0 : i32
    %dma_wait3A_139 = tpu.memref_slice %arg13[%dma_wait3A_137, %dma_wait3A_138] : memref<10240x64xf32, #tpu.memory_space<vmem_shared>> -> memref<10240x64xf32, #tpu.memory_space<vmem_shared>>
    tpu.wait_indirect_dma semaphore(%arg20 : memref<!tpu.dma_semaphore, #tpu.memory_space<semaphore_mem>>) src(%arg10 : memref<125x64xf32, #tpu.memory_space<vmem>>) dst(%dma_wait3A_139 : memref<10240x64xf32, #tpu.memory_space<vmem_shared>>)
    %dma_wait3A_140 = arith.constant 159 : i32
    %dma_wait3A_141 = arith.constant 0 : i32
    %dma_wait3A_142 = tpu.memref_slice %arg7[%dma_wait3A_140, %dma_wait3A_141] : memref<160x125xi32, #tpu.memory_space<vmem>> -> memref<1x125xi32, #tpu.memory_space<vmem>>
    %dma_wait3A_143 = tpu.memref_squeeze %dma_wait3A_142 : memref<1x125xi32, #tpu.memory_space<vmem>> -> memref<125xi32, #tpu.memory_space<vmem>>
    %dma_wait3A_144 = arith.constant 0 : i32
    %dma_wait3A_145 = arith.constant 0 : i32
    %dma_wait3A_146 = tpu.memref_slice %arg13[%dma_wait3A_144, %dma_wait3A_145] : memref<10240x64xf32, #tpu.memory_space<vmem_shared>> -> memref<10240x64xf32, #tpu.memory_space<vmem_shared>>
    tpu.wait_indirect_dma semaphore(%arg21 : memref<!tpu.dma_semaphore, #tpu.memory_space<semaphore_mem>>) src(%arg11 : memref<125x64xf32, #tpu.memory_space<vmem>>) dst(%dma_wait3A_146 : memref<10240x64xf32, #tpu.memory_space<vmem_shared>>)
    %barrier3A_147 = arith.constant 0 : index
    tpu.barrier barrier_id(%barrier3A_147)
    %mul3A_148 = arith.constant 640 : i32
    %mul3A_149 = arith.muli %arg1, %mul3A_148 : i32
    %add3A_150 = arith.constant 0 : i32
    %add3A_151 = arith.addi %mul3A_149, %add3A_150 : i32
    %dma_start3A_152 = arith.constant 0 : i32
    %dma_start3A_153 = tpu.memref_slice %arg5[%arg0, %add3A_151, %dma_start3A_152] : memref<2x10240x64xf32, #tpu.memory_space<hbm>> -> memref<1x128x64xf32, #tpu.memory_space<hbm>>
    %dma_start3A_154 = tpu.memref_squeeze %dma_start3A_153 : memref<1x128x64xf32, #tpu.memory_space<hbm>> -> memref<128x64xf32, #tpu.memory_space<hbm>>
    %dma_start3A_155 = arith.constant 0 : i32
    %dma_start3A_156 = tpu.memref_slice %arg13[%add3A_151, %dma_start3A_155] : memref<10240x64xf32, #tpu.memory_space<vmem_shared>> -> memref<128x64xf32, #tpu.memory_space<vmem_shared>>
    tpu.enqueue_dma source(%dma_start3A_156 : memref<128x64xf32, #tpu.memory_space<vmem_shared>>) target(%dma_start3A_154 : memref<128x64xf32, #tpu.memory_space<hbm>>) target_semaphore(%arg14 : memref<!tpu.dma_semaphore, #tpu.memory_space<semaphore_mem>>)
    %mul3A_157 = arith.constant 640 : i32
    %mul3A_158 = arith.muli %arg1, %mul3A_157 : i32
    %add3A_159 = arith.constant 128 : i32
    %add3A_160 = arith.addi %mul3A_158, %add3A_159 : i32
    %dma_start3A_161 = arith.constant 0 : i32
    %dma_start3A_162 = tpu.memref_slice %arg5[%arg0, %add3A_160, %dma_start3A_161] : memref<2x10240x64xf32, #tpu.memory_space<hbm>> -> memref<1x128x64xf32, #tpu.memory_space<hbm>>
    %dma_start3A_163 = tpu.memref_squeeze %dma_start3A_162 : memref<1x128x64xf32, #tpu.memory_space<hbm>> -> memref<128x64xf32, #tpu.memory_space<hbm>>
    %dma_start3A_164 = arith.constant 0 : i32
    %dma_start3A_165 = tpu.memref_slice %arg13[%add3A_160, %dma_start3A_164] : memref<10240x64xf32, #tpu.memory_space<vmem_shared>> -> memref<128x64xf32, #tpu.memory_space<vmem_shared>>
    tpu.enqueue_dma source(%dma_start3A_165 : memref<128x64xf32, #tpu.memory_space<vmem_shared>>) target(%dma_start3A_163 : memref<128x64xf32, #tpu.memory_space<hbm>>) target_semaphore(%arg15 : memref<!tpu.dma_semaphore, #tpu.memory_space<semaphore_mem>>)
    %mul3A_166 = arith.constant 640 : i32
    %mul3A_167 = arith.muli %arg1, %mul3A_166 : i32
    %add3A_168 = arith.constant 256 : i32
    %add3A_169 = arith.addi %mul3A_167, %add3A_168 : i32
    %dma_start3A_170 = arith.constant 0 : i32
    %dma_start3A_171 = tpu.memref_slice %arg5[%arg0, %add3A_169, %dma_start3A_170] : memref<2x10240x64xf32, #tpu.memory_space<hbm>> -> memref<1x128x64xf32, #tpu.memory_space<hbm>>
    %dma_start3A_172 = tpu.memref_squeeze %dma_start3A_171 : memref<1x128x64xf32, #tpu.memory_space<hbm>> -> memref<128x64xf32, #tpu.memory_space<hbm>>
    %dma_start3A_173 = arith.constant 0 : i32
    %dma_start3A_174 = tpu.memref_slice %arg13[%add3A_169, %dma_start3A_173] : memref<10240x64xf32, #tpu.memory_space<vmem_shared>> -> memref<128x64xf32, #tpu.memory_space<vmem_shared>>
    tpu.enqueue_dma source(%dma_start3A_174 : memref<128x64xf32, #tpu.memory_space<vmem_shared>>) target(%dma_start3A_172 : memref<128x64xf32, #tpu.memory_space<hbm>>) target_semaphore(%arg16 : memref<!tpu.dma_semaphore, #tpu.memory_space<semaphore_mem>>)
    %mul3A_175 = arith.constant 640 : i32
    %mul3A_176 = arith.muli %arg1, %mul3A_175 : i32
    %add3A_177 = arith.constant 384 : i32
    %add3A_178 = arith.addi %mul3A_176, %add3A_177 : i32
    %dma_start3A_179 = arith.constant 0 : i32
    %dma_start3A_180 = tpu.memref_slice %arg5[%arg0, %add3A_178, %dma_start3A_179] : memref<2x10240x64xf32, #tpu.memory_space<hbm>> -> memref<1x128x64xf32, #tpu.memory_space<hbm>>
    %dma_start3A_181 = tpu.memref_squeeze %dma_start3A_180 : memref<1x128x64xf32, #tpu.memory_space<hbm>> -> memref<128x64xf32, #tpu.memory_space<hbm>>
    %dma_start3A_182 = arith.constant 0 : i32
    %dma_start3A_183 = tpu.memref_slice %arg13[%add3A_178, %dma_start3A_182] : memref<10240x64xf32, #tpu.memory_space<vmem_shared>> -> memref<128x64xf32, #tpu.memory_space<vmem_shared>>
    tpu.enqueue_dma source(%dma_start3A_183 : memref<128x64xf32, #tpu.memory_space<vmem_shared>>) target(%dma_start3A_181 : memref<128x64xf32, #tpu.memory_space<hbm>>) target_semaphore(%arg17 : memref<!tpu.dma_semaphore, #tpu.memory_space<semaphore_mem>>)
    %mul3A_184 = arith.constant 640 : i32
    %mul3A_185 = arith.muli %arg1, %mul3A_184 : i32
    %add3A_186 = arith.constant 512 : i32
    %add3A_187 = arith.addi %mul3A_185, %add3A_186 : i32
    %dma_start3A_188 = arith.constant 0 : i32
    %dma_start3A_189 = tpu.memref_slice %arg5[%arg0, %add3A_187, %dma_start3A_188] : memref<2x10240x64xf32, #tpu.memory_space<hbm>> -> memref<1x128x64xf32, #tpu.memory_space<hbm>>
    %dma_start3A_190 = tpu.memref_squeeze %dma_start3A_189 : memref<1x128x64xf32, #tpu.memory_space<hbm>> -> memref<128x64xf32, #tpu.memory_space<hbm>>
    %dma_start3A_191 = arith.constant 0 : i32
    %dma_start3A_192 = tpu.memref_slice %arg13[%add3A_187, %dma_start3A_191] : memref<10240x64xf32, #tpu.memory_space<vmem_shared>> -> memref<128x64xf32, #tpu.memory_space<vmem_shared>>
    tpu.enqueue_dma source(%dma_start3A_192 : memref<128x64xf32, #tpu.memory_space<vmem_shared>>) target(%dma_start3A_190 : memref<128x64xf32, #tpu.memory_space<hbm>>) target_semaphore(%arg14 : memref<!tpu.dma_semaphore, #tpu.memory_space<semaphore_mem>>)
    %dma_wait3A_193 = arith.constant 0 : i32
    %dma_wait3A_194 = tpu.memref_slice %arg5[%arg0, %add3A_151, %dma_wait3A_193] : memref<2x10240x64xf32, #tpu.memory_space<hbm>> -> memref<1x128x64xf32, #tpu.memory_space<hbm>>
    %dma_wait3A_195 = tpu.memref_squeeze %dma_wait3A_194 : memref<1x128x64xf32, #tpu.memory_space<hbm>> -> memref<128x64xf32, #tpu.memory_space<hbm>>
    %dma_wait3A_196 = arith.constant 0 : i32
    %dma_wait3A_197 = tpu.memref_slice %arg13[%add3A_151, %dma_wait3A_196] : memref<10240x64xf32, #tpu.memory_space<vmem_shared>> -> memref<128x64xf32, #tpu.memory_space<vmem_shared>>
    tpu.wait_dma2 semaphore(%arg14 : memref<!tpu.dma_semaphore, #tpu.memory_space<semaphore_mem>>) src(%dma_wait3A_197 : memref<128x64xf32, #tpu.memory_space<vmem_shared>>) dst(%dma_wait3A_195 : memref<128x64xf32, #tpu.memory_space<hbm>>)
    %dma_wait3A_198 = arith.constant 0 : i32
    %dma_wait3A_199 = tpu.memref_slice %arg5[%arg0, %add3A_160, %dma_wait3A_198] : memref<2x10240x64xf32, #tpu.memory_space<hbm>> -> memref<1x128x64xf32, #tpu.memory_space<hbm>>
    %dma_wait3A_200 = tpu.memref_squeeze %dma_wait3A_199 : memref<1x128x64xf32, #tpu.memory_space<hbm>> -> memref<128x64xf32, #tpu.memory_space<hbm>>
    %dma_wait3A_201 = arith.constant 0 : i32
    %dma_wait3A_202 = tpu.memref_slice %arg13[%add3A_160, %dma_wait3A_201] : memref<10240x64xf32, #tpu.memory_space<vmem_shared>> -> memref<128x64xf32, #tpu.memory_space<vmem_shared>>
    tpu.wait_dma2 semaphore(%arg15 : memref<!tpu.dma_semaphore, #tpu.memory_space<semaphore_mem>>) src(%dma_wait3A_202 : memref<128x64xf32, #tpu.memory_space<vmem_shared>>) dst(%dma_wait3A_200 : memref<128x64xf32, #tpu.memory_space<hbm>>)
    %dma_wait3A_203 = arith.constant 0 : i32
    %dma_wait3A_204 = tpu.memref_slice %arg5[%arg0, %add3A_169, %dma_wait3A_203] : memref<2x10240x64xf32, #tpu.memory_space<hbm>> -> memref<1x128x64xf32, #tpu.memory_space<hbm>>
    %dma_wait3A_205 = tpu.memref_squeeze %dma_wait3A_204 : memref<1x128x64xf32, #tpu.memory_space<hbm>> -> memref<128x64xf32, #tpu.memory_space<hbm>>
    %dma_wait3A_206 = arith.constant 0 : i32
    %dma_wait3A_207 = tpu.memref_slice %arg13[%add3A_169, %dma_wait3A_206] : memref<10240x64xf32, #tpu.memory_space<vmem_shared>> -> memref<128x64xf32, #tpu.memory_space<vmem_shared>>
    tpu.wait_dma2 semaphore(%arg16 : memref<!tpu.dma_semaphore, #tpu.memory_space<semaphore_mem>>) src(%dma_wait3A_207 : memref<128x64xf32, #tpu.memory_space<vmem_shared>>) dst(%dma_wait3A_205 : memref<128x64xf32, #tpu.memory_space<hbm>>)
    %dma_wait3A_208 = arith.constant 0 : i32
    %dma_wait3A_209 = tpu.memref_slice %arg5[%arg0, %add3A_178, %dma_wait3A_208] : memref<2x10240x64xf32, #tpu.memory_space<hbm>> -> memref<1x128x64xf32, #tpu.memory_space<hbm>>
    %dma_wait3A_210 = tpu.memref_squeeze %dma_wait3A_209 : memref<1x128x64xf32, #tpu.memory_space<hbm>> -> memref<128x64xf32, #tpu.memory_space<hbm>>
    %dma_wait3A_211 = arith.constant 0 : i32
    %dma_wait3A_212 = tpu.memref_slice %arg13[%add3A_178, %dma_wait3A_211] : memref<10240x64xf32, #tpu.memory_space<vmem_shared>> -> memref<128x64xf32, #tpu.memory_space<vmem_shared>>
    tpu.wait_dma2 semaphore(%arg17 : memref<!tpu.dma_semaphore, #tpu.memory_space<semaphore_mem>>) src(%dma_wait3A_212 : memref<128x64xf32, #tpu.memory_space<vmem_shared>>) dst(%dma_wait3A_210 : memref<128x64xf32, #tpu.memory_space<hbm>>)
    %dma_wait3A_213 = arith.constant 0 : i32
    %dma_wait3A_214 = tpu.memref_slice %arg5[%arg0, %add3A_187, %dma_wait3A_213] : memref<2x10240x64xf32, #tpu.memory_space<hbm>> -> memref<1x128x64xf32, #tpu.memory_space<hbm>>
    %dma_wait3A_215 = tpu.memref_squeeze %dma_wait3A_214 : memref<1x128x64xf32, #tpu.memory_space<hbm>> -> memref<128x64xf32, #tpu.memory_space<hbm>>
    %dma_wait3A_216 = arith.constant 0 : i32
    %dma_wait3A_217 = tpu.memref_slice %arg13[%add3A_187, %dma_wait3A_216] : memref<10240x64xf32, #tpu.memory_space<vmem_shared>> -> memref<128x64xf32, #tpu.memory_space<vmem_shared>>
    tpu.wait_dma2 semaphore(%arg14 : memref<!tpu.dma_semaphore, #tpu.memory_space<semaphore_mem>>) src(%dma_wait3A_217 : memref<128x64xf32, #tpu.memory_space<vmem_shared>>) dst(%dma_wait3A_215 : memref<128x64xf32, #tpu.memory_space<hbm>>)
    return
  }
}

module attributes {stable_mosaic.version = 14 : i64} {
  func.func @body(%arg0: i32, %arg1: memref<2000x128xf32, #tpu.memory_space<vmem>>, %arg2: memref<2x1000x128xf32, #tpu.memory_space<vmem>>) attributes {dimension_semantics = [#tpu.dimension_semantics<arbitrary>], iteration_bounds = array<i64: 5>, scalar_prefetch = 0 : i64, scratch_operands = 0 : i64, tpu.core_type = #tpu.core_type<tc>, window_params = [{transform_indices = @transform_0, window_bounds = array<i64: 2000, 128>}, {transform_indices = @transform_1, window_bounds = array<i64: 2, 1000, 128>}]} {
    %get3A = arith.constant 0 : index
    %get3A_0 = arith.constant 0 : index
    %get3A_1 = vector.load %arg1[%get3A, %get3A_0] : memref<2000x128xf32, #tpu.memory_space<vmem>>, vector<2000x128xf32>
    %reshape3A = vector.shape_cast %get3A_1 : vector<2000x128xf32> to vector<1000x2x128xf32>
    %slice3A = vector.extract_strided_slice %reshape3A {offsets = [0, 0, 0], sizes = [1000, 1, 128], strides = [1, 1, 1]} : vector<1000x2x128xf32> to vector<1000x1x128xf32>
    %squeeze3A = vector.shape_cast %slice3A : vector<1000x1x128xf32> to vector<1000x128xf32>
    %slice3A_2 = vector.extract_strided_slice %reshape3A {offsets = [0, 1, 0], sizes = [1000, 1, 128], strides = [1, 1, 1]} : vector<1000x2x128xf32> to vector<1000x1x128xf32>
    %squeeze3A_3 = vector.shape_cast %slice3A_2 : vector<1000x1x128xf32> to vector<1000x128xf32>
    %slice3A_4 = vector.extract_strided_slice %squeeze3A {offsets = [0, 0], sizes = [1000, 64], strides = [1, 1]} : vector<1000x128xf32> to vector<1000x64xf32>
    %slice3A_5 = vector.extract_strided_slice %squeeze3A_3 {offsets = [0, 0], sizes = [1000, 64], strides = [1, 1]} : vector<1000x128xf32> to vector<1000x64xf32>
    %concatenate3A = tpu.concatenate %slice3A_4, %slice3A_5 in 1 : vector<1000x64xf32>, vector<1000x64xf32> -> vector<1000x128xf32>
    %swap3A = arith.constant 0 : index
    %swap3A_6 = arith.constant 0 : index
    %swap3A_7 = arith.constant 0 : index
    %swap3A_8 = vector.load %arg2[%swap3A, %swap3A_6, %swap3A_7] : memref<2x1000x128xf32, #tpu.memory_space<vmem>>, vector<1x1000x128xf32>
    %swap3A_9 = vector.shape_cast %swap3A_8 : vector<1x1000x128xf32> to vector<1000x128xf32>
    %swap3A_10 = vector.shape_cast %concatenate3A : vector<1000x128xf32> to vector<1x1000x128xf32>
    tpu.vector_store %arg2[%swap3A, %swap3A_6, %swap3A_7], %swap3A_10 {strides = array<i32>} : memref<2x1000x128xf32, #tpu.memory_space<vmem>>, vector<1x1000x128xf32>,
    %slice3A_11 = vector.extract_strided_slice %squeeze3A {offsets = [0, 64], sizes = [1000, 64], strides = [1, 1]} : vector<1000x128xf32> to vector<1000x64xf32>
    %slice3A_12 = vector.extract_strided_slice %squeeze3A_3 {offsets = [0, 64], sizes = [1000, 64], strides = [1, 1]} : vector<1000x128xf32> to vector<1000x64xf32>
    %concatenate3A_13 = tpu.concatenate %slice3A_11, %slice3A_12 in 1 : vector<1000x64xf32>, vector<1000x64xf32> -> vector<1000x128xf32>
    %swap3A_14 = arith.constant 1 : index
    %swap3A_15 = arith.constant 0 : index
    %swap3A_16 = arith.constant 0 : index
    %swap3A_17 = vector.load %arg2[%swap3A_14, %swap3A_15, %swap3A_16] : memref<2x1000x128xf32, #tpu.memory_space<vmem>>, vector<1x1000x128xf32>
    %swap3A_18 = vector.shape_cast %swap3A_17 : vector<1x1000x128xf32> to vector<1000x128xf32>
    %swap3A_19 = vector.shape_cast %concatenate3A_13 : vector<1000x128xf32> to vector<1x1000x128xf32>
    tpu.vector_store %arg2[%swap3A_14, %swap3A_15, %swap3A_16], %swap3A_19 {strides = array<i32>} : memref<2x1000x128xf32, #tpu.memory_space<vmem>>, vector<1x1000x128xf32>,
    return
  }
  func.func @transform_0(%arg0: i32) -> (i32, i32) {
    %c0_i32 = arith.constant 0 : i32
    %c0_i32_0 = arith.constant 0 : i32
    return %arg0, %c0_i32 : i32, i32
  }
  func.func @transform_1(%arg0: i32) -> (i32, i32, i32) {
    %c0_i32 = arith.constant 0 : i32
    %c0_i32_0 = arith.constant 0 : i32
    %c0_i32_1 = arith.constant 0 : i32
    return %c0_i32, %arg0, %c0_i32_0 : i32, i32, i32
  }
}

module attributes {stable_mosaic.version = 14 : i64} {
  func.func @body(%arg0: memref<2x320000xi32, #tpu.memory_space<vmem>>, %arg1: memref<2x2500x128xi32, #tpu.memory_space<vmem>>) attributes {dimension_semantics = [], scalar_prefetch = 0 : i64, scratch_operands = 0 : i64, tpu.core_type = #tpu.core_type<tc>} {
    %get3A = arith.constant 0 : index
    %get3A_0 = arith.constant 0 : index
    %get3A_1 = vector.load %arg0[%get3A, %get3A_0] : memref<2x320000xi32, #tpu.memory_space<vmem>>, vector<2x320000xi32>
    %reshape3A = vector.shape_cast %get3A_1 : vector<2x320000xi32> to vector<2x2500x128xi32>
    %swap3A = arith.constant 0 : index
    %swap3A_2 = arith.constant 0 : index
    %swap3A_3 = arith.constant 0 : index
    %swap3A_4 = vector.load %arg1[%swap3A, %swap3A_2, %swap3A_3] : memref<2x2500x128xi32, #tpu.memory_space<vmem>>, vector<2x2500x128xi32>
    tpu.vector_store %arg1[%swap3A, %swap3A_2, %swap3A_3], %reshape3A {strides = array<i32>} : memref<2x2500x128xi32, #tpu.memory_space<vmem>>, vector<2x2500x128xi32>,
    return
  }
}

module attributes {stable_mosaic.version = 14 : i64} {
  func.func @body(%arg0: i32, %arg1: memref<2x1000x128xf32, #tpu.memory_space<vmem>>, %arg2: memref<128x128xf32, #tpu.memory_space<vmem>>, %arg3: memref<1x128xf32, #tpu.memory_space<vmem>>, %arg4: memref<1000x256xf32, #tpu.memory_space<vmem>>) attributes {dimension_semantics = [#tpu.dimension_semantics<arbitrary>], iteration_bounds = array<i64: 5>, scalar_prefetch = 0 : i64, scratch_operands = 0 : i64, tpu.core_type = #tpu.core_type<tc>, window_params = [{transform_indices = @transform_0, window_bounds = array<i64: 2, 1000, 128>}, {pipeline_mode = #tpu.pipeline_mode<synchronous>, transform_indices = @transform_1, window_bounds = array<i64: 128, 128>}, {pipeline_mode = #tpu.pipeline_mode<synchronous>, transform_indices = @transform_2, window_bounds = array<i64: 1, 128>}, {transform_indices = @transform_3, window_bounds = array<i64: 1000, 256>}]} {
    %get3A = arith.constant 0 : index
    %get3A_0 = arith.constant 0 : index
    %get3A_1 = arith.constant 0 : index
    %get3A_2 = vector.load %arg1[%get3A, %get3A_0, %get3A_1] : memref<2x1000x128xf32, #tpu.memory_space<vmem>>, vector<1x1000x128xf32>
    %get3A_3 = vector.shape_cast %get3A_2 : vector<1x1000x128xf32> to vector<1000x128xf32>
    %get3A_4 = arith.constant 1 : index
    %get3A_5 = arith.constant 0 : index
    %get3A_6 = arith.constant 0 : index
    %get3A_7 = vector.load %arg1[%get3A_4, %get3A_5, %get3A_6] : memref<2x1000x128xf32, #tpu.memory_space<vmem>>, vector<1x1000x128xf32>
    %get3A_8 = vector.shape_cast %get3A_7 : vector<1x1000x128xf32> to vector<1000x128xf32>
    %slice3A = vector.extract_strided_slice %get3A_3 {offsets = [0, 0], sizes = [1000, 64], strides = [1, 1]} : vector<1000x128xf32> to vector<1000x64xf32>
    %get3A_9 = arith.constant 0 : index
    %get3A_10 = arith.constant 0 : index
    %get3A_11 = vector.load %arg2[%get3A_9, %get3A_10] : memref<128x128xf32, #tpu.memory_space<vmem>>, vector<64x128xf32>
    %dot_general3A = arith.constant dense<0.000000e+00> : vector<1000x128xf32>
    %dot_general3A_12 = tpu.matmul %slice3A, %get3A_11, %dot_general3A {dimension_numbers = #tpu.dot_dimension_numbers<[1], [0], [0], [1], [0, 0, 1, 1], [], []>, transpose_lhs_hint = false} : vector<1000x64xf32>, vector<64x128xf32>, vector<1000x128xf32> -> vector<1000x128xf32>
    %slice3A_13 = vector.extract_strided_slice %get3A_8 {offsets = [0, 0], sizes = [1000, 64], strides = [1, 1]} : vector<1000x128xf32> to vector<1000x64xf32>
    %get3A_14 = arith.constant 64 : index
    %get3A_15 = arith.constant 0 : index
    %get3A_16 = vector.load %arg2[%get3A_14, %get3A_15] : memref<128x128xf32, #tpu.memory_space<vmem>>, vector<64x128xf32>
    %dot_general3A_17 = arith.constant dense<0.000000e+00> : vector<1000x128xf32>
    %dot_general3A_18 = tpu.matmul %slice3A_13, %get3A_16, %dot_general3A_17 {dimension_numbers = #tpu.dot_dimension_numbers<[1], [0], [0], [1], [0, 0, 1, 1], [], []>, transpose_lhs_hint = false} : vector<1000x64xf32>, vector<64x128xf32>, vector<1000x128xf32> -> vector<1000x128xf32>
    %add3A = arith.addf %dot_general3A_12, %dot_general3A_18 : vector<1000x128xf32>
    %get3A_19 = arith.constant 0 : index
    %get3A_20 = arith.constant 0 : index
    %get3A_21 = vector.load %arg3[%get3A_19, %get3A_20] : memref<1x128xf32, #tpu.memory_space<vmem>>, vector<1x128xf32>
    %add3A_22 = vector.broadcast %get3A_21 : vector<1x128xf32> to vector<1000x128xf32>
    %add3A_23 = arith.addf %add3A, %add3A_22 : vector<1000x128xf32>
    %slice3A_24 = vector.extract_strided_slice %get3A_3 {offsets = [0, 64], sizes = [1000, 64], strides = [1, 1]} : vector<1000x128xf32> to vector<1000x64xf32>
    %get3A_25 = arith.constant 0 : index
    %get3A_26 = arith.constant 0 : index
    %get3A_27 = vector.load %arg2[%get3A_25, %get3A_26] : memref<128x128xf32, #tpu.memory_space<vmem>>, vector<64x128xf32>
    %dot_general3A_28 = arith.constant dense<0.000000e+00> : vector<1000x128xf32>
    %dot_general3A_29 = tpu.matmul %slice3A_24, %get3A_27, %dot_general3A_28 {dimension_numbers = #tpu.dot_dimension_numbers<[1], [0], [0], [1], [0, 0, 1, 1], [], []>, transpose_lhs_hint = false} : vector<1000x64xf32>, vector<64x128xf32>, vector<1000x128xf32> -> vector<1000x128xf32>
    %slice3A_30 = vector.extract_strided_slice %get3A_8 {offsets = [0, 64], sizes = [1000, 64], strides = [1, 1]} : vector<1000x128xf32> to vector<1000x64xf32>
    %get3A_31 = arith.constant 64 : index
    %get3A_32 = arith.constant 0 : index
    %get3A_33 = vector.load %arg2[%get3A_31, %get3A_32] : memref<128x128xf32, #tpu.memory_space<vmem>>, vector<64x128xf32>
    %dot_general3A_34 = arith.constant dense<0.000000e+00> : vector<1000x128xf32>
    %dot_general3A_35 = tpu.matmul %slice3A_30, %get3A_33, %dot_general3A_34 {dimension_numbers = #tpu.dot_dimension_numbers<[1], [0], [0], [1], [0, 0, 1, 1], [], []>, transpose_lhs_hint = false} : vector<1000x64xf32>, vector<64x128xf32>, vector<1000x128xf32> -> vector<1000x128xf32>
    %add3A_36 = arith.addf %dot_general3A_29, %dot_general3A_35 : vector<1000x128xf32>
    %get3A_37 = arith.constant 0 : index
    %get3A_38 = arith.constant 0 : index
    %get3A_39 = vector.load %arg3[%get3A_37, %get3A_38] : memref<1x128xf32, #tpu.memory_space<vmem>>, vector<1x128xf32>
    %add3A_40 = vector.broadcast %get3A_39 : vector<1x128xf32> to vector<1000x128xf32>
    %add3A_41 = arith.addf %add3A_36, %add3A_40 : vector<1000x128xf32>
    %concatenate3A = tpu.concatenate %add3A_23, %add3A_41 in 1 : vector<1000x128xf32>, vector<1000x128xf32> -> vector<1000x256xf32>
    %swap3A = arith.constant 0 : index
    %swap3A_42 = arith.constant 0 : index
    %swap3A_43 = vector.load %arg4[%swap3A, %swap3A_42] : memref<1000x256xf32, #tpu.memory_space<vmem>>, vector<1000x256xf32>
    tpu.vector_store %arg4[%swap3A, %swap3A_42], %concatenate3A {strides = array<i32>} : memref<1000x256xf32, #tpu.memory_space<vmem>>, vector<1000x256xf32>,
    return
  }
  func.func @transform_0(%arg0: i32) -> (i32, i32, i32) {
    %c0_i32 = arith.constant 0 : i32
    %c0_i32_0 = arith.constant 0 : i32
    %c0_i32_1 = arith.constant 0 : i32
    return %c0_i32, %arg0, %c0_i32_0 : i32, i32, i32
  }
  func.func @transform_1(%arg0: i32) -> (i32, i32) {
    %c0_i32 = arith.constant 0 : i32
    %c0_i32_0 = arith.constant 0 : i32
    %c0_i32_1 = arith.constant 0 : i32
    return %c0_i32, %c0_i32_0 : i32, i32
  }
  func.func @transform_2(%arg0: i32) -> (i32, i32) {
    %c0_i32 = arith.constant 0 : i32
    %c0_i32_0 = arith.constant 0 : i32
    %c0_i32_1 = arith.constant 0 : i32
    return %c0_i32, %c0_i32_0 : i32, i32
  }
  func.func @transform_3(%arg0: i32) -> (i32, i32) {
    %c0_i32 = arith.constant 0 : i32
    %c0_i32_0 = arith.constant 0 : i32
    return %arg0, %c0_i32 : i32, i32
  }
}

module attributes {stable_mosaic.version = 14 : i64} {
  func.func @body(%arg0: i32, %arg1: memref<2x1000x128xf32, #tpu.memory_space<vmem>>, %arg2: memref<1000x256xf32, #tpu.memory_space<vmem>>, %arg3: memref<128x128xf32, #tpu.memory_space<vmem>>, %arg4: memref<2x1000x128xf32, #tpu.memory_space<vmem>>) attributes {dimension_semantics = [#tpu.dimension_semantics<arbitrary>], iteration_bounds = array<i64: 5>, scalar_prefetch = 0 : i64, scratch_operands = 0 : i64, tpu.core_type = #tpu.core_type<tc>, window_params = [{transform_indices = @transform_0, window_bounds = array<i64: 2, 1000, 128>}, {transform_indices = @transform_1, window_bounds = array<i64: 1000, 256>}, {pipeline_mode = #tpu.pipeline_mode<synchronous>, transform_indices = @transform_2, window_bounds = array<i64: 128, 128>}, {transform_indices = @transform_3, window_bounds = array<i64: 2, 1000, 128>}]} {
    %get3A = arith.constant 0 : index
    %get3A_0 = arith.constant 0 : index
    %get3A_1 = arith.constant 0 : index
    %get3A_2 = vector.load %arg1[%get3A, %get3A_0, %get3A_1] : memref<2x1000x128xf32, #tpu.memory_space<vmem>>, vector<1x1000x128xf32>
    %get3A_3 = vector.shape_cast %get3A_2 : vector<1x1000x128xf32> to vector<1000x128xf32>
    %get3A_4 = arith.constant 1 : index
    %get3A_5 = arith.constant 0 : index
    %get3A_6 = arith.constant 0 : index
    %get3A_7 = vector.load %arg1[%get3A_4, %get3A_5, %get3A_6] : memref<2x1000x128xf32, #tpu.memory_space<vmem>>, vector<1x1000x128xf32>
    %get3A_8 = vector.shape_cast %get3A_7 : vector<1x1000x128xf32> to vector<1000x128xf32>
    %slice3A = vector.extract_strided_slice %get3A_3 {offsets = [0, 0], sizes = [1000, 64], strides = [1, 1]} : vector<1000x128xf32> to vector<1000x64xf32>
    %get3A_9 = arith.constant 0 : index
    %get3A_10 = arith.constant 0 : index
    %get3A_11 = vector.load %arg3[%get3A_9, %get3A_10] : memref<128x128xf32, #tpu.memory_space<vmem>>, vector<64x128xf32>
    %dot_general3A = arith.constant dense<0.000000e+00> : vector<1000x128xf32>
    %dot_general3A_12 = tpu.matmul %slice3A, %get3A_11, %dot_general3A {dimension_numbers = #tpu.dot_dimension_numbers<[1], [0], [0], [1], [0, 0, 1, 1], [], []>, transpose_lhs_hint = false} : vector<1000x64xf32>, vector<64x128xf32>, vector<1000x128xf32> -> vector<1000x128xf32>
    %slice3A_13 = vector.extract_strided_slice %get3A_8 {offsets = [0, 0], sizes = [1000, 64], strides = [1, 1]} : vector<1000x128xf32> to vector<1000x64xf32>
    %get3A_14 = arith.constant 64 : index
    %get3A_15 = arith.constant 0 : index
    %get3A_16 = vector.load %arg3[%get3A_14, %get3A_15] : memref<128x128xf32, #tpu.memory_space<vmem>>, vector<64x128xf32>
    %dot_general3A_17 = arith.constant dense<0.000000e+00> : vector<1000x128xf32>
    %dot_general3A_18 = tpu.matmul %slice3A_13, %get3A_16, %dot_general3A_17 {dimension_numbers = #tpu.dot_dimension_numbers<[1], [0], [0], [1], [0, 0, 1, 1], [], []>, transpose_lhs_hint = false} : vector<1000x64xf32>, vector<64x128xf32>, vector<1000x128xf32> -> vector<1000x128xf32>
    %add3A = arith.addf %dot_general3A_12, %dot_general3A_18 : vector<1000x128xf32>
    %get3A_19 = arith.constant 0 : index
    %get3A_20 = arith.constant 0 : index
    %get3A_21 = vector.load %arg2[%get3A_19, %get3A_20] : memref<1000x256xf32, #tpu.memory_space<vmem>>, vector<1000x128xf32>
    %add3A_22 = arith.addf %add3A, %get3A_21 : vector<1000x128xf32>
    %max3A = arith.constant 0.000000e+00 : f32
    %max3A_23 = vector.broadcast %max3A : f32 to vector<1000x128xf32>
    %max3A_24 = arith.maximumf %add3A_22, %max3A_23 : vector<1000x128xf32>
    %slice3A_25 = vector.extract_strided_slice %get3A_3 {offsets = [0, 64], sizes = [1000, 64], strides = [1, 1]} : vector<1000x128xf32> to vector<1000x64xf32>
    %get3A_26 = arith.constant 0 : index
    %get3A_27 = arith.constant 0 : index
    %get3A_28 = vector.load %arg3[%get3A_26, %get3A_27] : memref<128x128xf32, #tpu.memory_space<vmem>>, vector<64x128xf32>
    %dot_general3A_29 = arith.constant dense<0.000000e+00> : vector<1000x128xf32>
    %dot_general3A_30 = tpu.matmul %slice3A_25, %get3A_28, %dot_general3A_29 {dimension_numbers = #tpu.dot_dimension_numbers<[1], [0], [0], [1], [0, 0, 1, 1], [], []>, transpose_lhs_hint = false} : vector<1000x64xf32>, vector<64x128xf32>, vector<1000x128xf32> -> vector<1000x128xf32>
    %slice3A_31 = vector.extract_strided_slice %get3A_8 {offsets = [0, 64], sizes = [1000, 64], strides = [1, 1]} : vector<1000x128xf32> to vector<1000x64xf32>
    %get3A_32 = arith.constant 64 : index
    %get3A_33 = arith.constant 0 : index
    %get3A_34 = vector.load %arg3[%get3A_32, %get3A_33] : memref<128x128xf32, #tpu.memory_space<vmem>>, vector<64x128xf32>
    %dot_general3A_35 = arith.constant dense<0.000000e+00> : vector<1000x128xf32>
    %dot_general3A_36 = tpu.matmul %slice3A_31, %get3A_34, %dot_general3A_35 {dimension_numbers = #tpu.dot_dimension_numbers<[1], [0], [0], [1], [0, 0, 1, 1], [], []>, transpose_lhs_hint = false} : vector<1000x64xf32>, vector<64x128xf32>, vector<1000x128xf32> -> vector<1000x128xf32>
    %add3A_37 = arith.addf %dot_general3A_30, %dot_general3A_36 : vector<1000x128xf32>
    %get3A_38 = arith.constant 0 : index
    %get3A_39 = arith.constant 128 : index
    %get3A_40 = vector.load %arg2[%get3A_38, %get3A_39] : memref<1000x256xf32, #tpu.memory_space<vmem>>, vector<1000x128xf32>
    %add3A_41 = arith.addf %add3A_37, %get3A_40 : vector<1000x128xf32>
    %max3A_42 = arith.constant 0.000000e+00 : f32
    %max3A_43 = vector.broadcast %max3A_42 : f32 to vector<1000x128xf32>
    %max3A_44 = arith.maximumf %add3A_41, %max3A_43 : vector<1000x128xf32>
    %slice3A_45 = vector.extract_strided_slice %max3A_24 {offsets = [0, 0], sizes = [1000, 64], strides = [1, 1]} : vector<1000x128xf32> to vector<1000x64xf32>
    %slice3A_46 = vector.extract_strided_slice %max3A_44 {offsets = [0, 0], sizes = [1000, 64], strides = [1, 1]} : vector<1000x128xf32> to vector<1000x64xf32>
    %concatenate3A = tpu.concatenate %slice3A_45, %slice3A_46 in 1 : vector<1000x64xf32>, vector<1000x64xf32> -> vector<1000x128xf32>
    %swap3A = arith.constant 0 : index
    %swap3A_47 = arith.constant 0 : index
    %swap3A_48 = arith.constant 0 : index
    %swap3A_49 = vector.load %arg4[%swap3A, %swap3A_47, %swap3A_48] : memref<2x1000x128xf32, #tpu.memory_space<vmem>>, vector<1x1000x128xf32>
    %swap3A_50 = vector.shape_cast %swap3A_49 : vector<1x1000x128xf32> to vector<1000x128xf32>
    %swap3A_51 = vector.shape_cast %concatenate3A : vector<1000x128xf32> to vector<1x1000x128xf32>
    tpu.vector_store %arg4[%swap3A, %swap3A_47, %swap3A_48], %swap3A_51 {strides = array<i32>} : memref<2x1000x128xf32, #tpu.memory_space<vmem>>, vector<1x1000x128xf32>,
    %slice3A_52 = vector.extract_strided_slice %max3A_24 {offsets = [0, 64], sizes = [1000, 64], strides = [1, 1]} : vector<1000x128xf32> to vector<1000x64xf32>
    %slice3A_53 = vector.extract_strided_slice %max3A_44 {offsets = [0, 64], sizes = [1000, 64], strides = [1, 1]} : vector<1000x128xf32> to vector<1000x64xf32>
    %concatenate3A_54 = tpu.concatenate %slice3A_52, %slice3A_53 in 1 : vector<1000x64xf32>, vector<1000x64xf32> -> vector<1000x128xf32>
    %swap3A_55 = arith.constant 1 : index
    %swap3A_56 = arith.constant 0 : index
    %swap3A_57 = arith.constant 0 : index
    %swap3A_58 = vector.load %arg4[%swap3A_55, %swap3A_56, %swap3A_57] : memref<2x1000x128xf32, #tpu.memory_space<vmem>>, vector<1x1000x128xf32>
    %swap3A_59 = vector.shape_cast %swap3A_58 : vector<1x1000x128xf32> to vector<1000x128xf32>
    %swap3A_60 = vector.shape_cast %concatenate3A_54 : vector<1000x128xf32> to vector<1x1000x128xf32>
    tpu.vector_store %arg4[%swap3A_55, %swap3A_56, %swap3A_57], %swap3A_60 {strides = array<i32>} : memref<2x1000x128xf32, #tpu.memory_space<vmem>>, vector<1x1000x128xf32>,
    return
  }
  func.func @transform_0(%arg0: i32) -> (i32, i32, i32) {
    %c0_i32 = arith.constant 0 : i32
    %c0_i32_0 = arith.constant 0 : i32
    %c0_i32_1 = arith.constant 0 : i32
    return %c0_i32, %arg0, %c0_i32_0 : i32, i32, i32
  }
  func.func @transform_1(%arg0: i32) -> (i32, i32) {
    %c0_i32 = arith.constant 0 : i32
    %c0_i32_0 = arith.constant 0 : i32
    return %arg0, %c0_i32 : i32, i32
  }
  func.func @transform_2(%arg0: i32) -> (i32, i32) {
    %c0_i32 = arith.constant 0 : i32
    %c0_i32_0 = arith.constant 0 : i32
    %c0_i32_1 = arith.constant 0 : i32
    return %c0_i32, %c0_i32_0 : i32, i32
  }
  func.func @transform_3(%arg0: i32) -> (i32, i32, i32) {
    %c0_i32 = arith.constant 0 : i32
    %c0_i32_0 = arith.constant 0 : i32
    %c0_i32_1 = arith.constant 0 : i32
    return %c0_i32, %arg0, %c0_i32_0 : i32, i32, i32
  }
}

module attributes {stable_mosaic.version = 14 : i64} {
  func.func @body(%arg0: i32, %arg1: memref<2x1000x128xf32, #tpu.memory_space<vmem>>, %arg2: memref<1000x256xf32, #tpu.memory_space<vmem>>, %arg3: memref<128x128xf32, #tpu.memory_space<vmem>>, %arg4: memref<2000x128xf32, #tpu.memory_space<vmem>>) attributes {dimension_semantics = [#tpu.dimension_semantics<arbitrary>], iteration_bounds = array<i64: 5>, scalar_prefetch = 0 : i64, scratch_operands = 0 : i64, tpu.core_type = #tpu.core_type<tc>, window_params = [{transform_indices = @transform_0, window_bounds = array<i64: 2, 1000, 128>}, {transform_indices = @transform_1, window_bounds = array<i64: 1000, 256>}, {pipeline_mode = #tpu.pipeline_mode<synchronous>, transform_indices = @transform_2, window_bounds = array<i64: 128, 128>}, {transform_indices = @transform_3, window_bounds = array<i64: 2000, 128>}]} {
    %get3A = arith.constant 0 : index
    %get3A_0 = arith.constant 0 : index
    %get3A_1 = arith.constant 0 : index
    %get3A_2 = vector.load %arg1[%get3A, %get3A_0, %get3A_1] : memref<2x1000x128xf32, #tpu.memory_space<vmem>>, vector<1x1000x128xf32>
    %get3A_3 = vector.shape_cast %get3A_2 : vector<1x1000x128xf32> to vector<1000x128xf32>
    %get3A_4 = arith.constant 1 : index
    %get3A_5 = arith.constant 0 : index
    %get3A_6 = arith.constant 0 : index
    %get3A_7 = vector.load %arg1[%get3A_4, %get3A_5, %get3A_6] : memref<2x1000x128xf32, #tpu.memory_space<vmem>>, vector<1x1000x128xf32>
    %get3A_8 = vector.shape_cast %get3A_7 : vector<1x1000x128xf32> to vector<1000x128xf32>
    %slice3A = vector.extract_strided_slice %get3A_3 {offsets = [0, 0], sizes = [1000, 64], strides = [1, 1]} : vector<1000x128xf32> to vector<1000x64xf32>
    %get3A_9 = arith.constant 0 : index
    %get3A_10 = arith.constant 0 : index
    %get3A_11 = vector.load %arg3[%get3A_9, %get3A_10] : memref<128x128xf32, #tpu.memory_space<vmem>>, vector<64x128xf32>
    %dot_general3A = arith.constant dense<0.000000e+00> : vector<1000x128xf32>
    %dot_general3A_12 = tpu.matmul %slice3A, %get3A_11, %dot_general3A {dimension_numbers = #tpu.dot_dimension_numbers<[1], [0], [0], [1], [0, 0, 1, 1], [], []>, transpose_lhs_hint = false} : vector<1000x64xf32>, vector<64x128xf32>, vector<1000x128xf32> -> vector<1000x128xf32>
    %slice3A_13 = vector.extract_strided_slice %get3A_8 {offsets = [0, 0], sizes = [1000, 64], strides = [1, 1]} : vector<1000x128xf32> to vector<1000x64xf32>
    %get3A_14 = arith.constant 64 : index
    %get3A_15 = arith.constant 0 : index
    %get3A_16 = vector.load %arg3[%get3A_14, %get3A_15] : memref<128x128xf32, #tpu.memory_space<vmem>>, vector<64x128xf32>
    %dot_general3A_17 = arith.constant dense<0.000000e+00> : vector<1000x128xf32>
    %dot_general3A_18 = tpu.matmul %slice3A_13, %get3A_16, %dot_general3A_17 {dimension_numbers = #tpu.dot_dimension_numbers<[1], [0], [0], [1], [0, 0, 1, 1], [], []>, transpose_lhs_hint = false} : vector<1000x64xf32>, vector<64x128xf32>, vector<1000x128xf32> -> vector<1000x128xf32>
    %add3A = arith.addf %dot_general3A_12, %dot_general3A_18 : vector<1000x128xf32>
    %get3A_19 = arith.constant 0 : index
    %get3A_20 = arith.constant 0 : index
    %get3A_21 = vector.load %arg2[%get3A_19, %get3A_20] : memref<1000x256xf32, #tpu.memory_space<vmem>>, vector<1000x128xf32>
    %add3A_22 = arith.addf %add3A, %get3A_21 : vector<1000x128xf32>
    %max3A = arith.constant 0.000000e+00 : f32
    %max3A_23 = vector.broadcast %max3A : f32 to vector<1000x128xf32>
    %max3A_24 = arith.maximumf %add3A_22, %max3A_23 : vector<1000x128xf32>
    %slice3A_25 = vector.extract_strided_slice %get3A_3 {offsets = [0, 64], sizes = [1000, 64], strides = [1, 1]} : vector<1000x128xf32> to vector<1000x64xf32>
    %get3A_26 = arith.constant 0 : index
    %get3A_27 = arith.constant 0 : index
    %get3A_28 = vector.load %arg3[%get3A_26, %get3A_27] : memref<128x128xf32, #tpu.memory_space<vmem>>, vector<64x128xf32>
    %dot_general3A_29 = arith.constant dense<0.000000e+00> : vector<1000x128xf32>
    %dot_general3A_30 = tpu.matmul %slice3A_25, %get3A_28, %dot_general3A_29 {dimension_numbers = #tpu.dot_dimension_numbers<[1], [0], [0], [1], [0, 0, 1, 1], [], []>, transpose_lhs_hint = false} : vector<1000x64xf32>, vector<64x128xf32>, vector<1000x128xf32> -> vector<1000x128xf32>
    %slice3A_31 = vector.extract_strided_slice %get3A_8 {offsets = [0, 64], sizes = [1000, 64], strides = [1, 1]} : vector<1000x128xf32> to vector<1000x64xf32>
    %get3A_32 = arith.constant 64 : index
    %get3A_33 = arith.constant 0 : index
    %get3A_34 = vector.load %arg3[%get3A_32, %get3A_33] : memref<128x128xf32, #tpu.memory_space<vmem>>, vector<64x128xf32>
    %dot_general3A_35 = arith.constant dense<0.000000e+00> : vector<1000x128xf32>
    %dot_general3A_36 = tpu.matmul %slice3A_31, %get3A_34, %dot_general3A_35 {dimension_numbers = #tpu.dot_dimension_numbers<[1], [0], [0], [1], [0, 0, 1, 1], [], []>, transpose_lhs_hint = false} : vector<1000x64xf32>, vector<64x128xf32>, vector<1000x128xf32> -> vector<1000x128xf32>
    %add3A_37 = arith.addf %dot_general3A_30, %dot_general3A_36 : vector<1000x128xf32>
    %get3A_38 = arith.constant 0 : index
    %get3A_39 = arith.constant 128 : index
    %get3A_40 = vector.load %arg2[%get3A_38, %get3A_39] : memref<1000x256xf32, #tpu.memory_space<vmem>>, vector<1000x128xf32>
    %add3A_41 = arith.addf %add3A_37, %get3A_40 : vector<1000x128xf32>
    %max3A_42 = arith.constant 0.000000e+00 : f32
    %max3A_43 = vector.broadcast %max3A_42 : f32 to vector<1000x128xf32>
    %max3A_44 = arith.maximumf %add3A_41, %max3A_43 : vector<1000x128xf32>
    %broadcast_in_dim3A = vector.shape_cast %max3A_24 : vector<1000x128xf32> to vector<1000x1x128xf32>
    %broadcast_in_dim3A_45 = vector.shape_cast %max3A_44 : vector<1000x128xf32> to vector<1000x1x128xf32>
    %concatenate3A = tpu.concatenate %broadcast_in_dim3A, %broadcast_in_dim3A_45 in 1 : vector<1000x1x128xf32>, vector<1000x1x128xf32> -> vector<1000x2x128xf32>
    %reshape3A = vector.shape_cast %concatenate3A : vector<1000x2x128xf32> to vector<2000x128xf32>
    %swap3A = arith.constant 0 : index
    %swap3A_46 = arith.constant 0 : index
    %swap3A_47 = vector.load %arg4[%swap3A, %swap3A_46] : memref<2000x128xf32, #tpu.memory_space<vmem>>, vector<2000x128xf32>
    tpu.vector_store %arg4[%swap3A, %swap3A_46], %reshape3A {strides = array<i32>} : memref<2000x128xf32, #tpu.memory_space<vmem>>, vector<2000x128xf32>,
    return
  }
  func.func @transform_0(%arg0: i32) -> (i32, i32, i32) {
    %c0_i32 = arith.constant 0 : i32
    %c0_i32_0 = arith.constant 0 : i32
    %c0_i32_1 = arith.constant 0 : i32
    return %c0_i32, %arg0, %c0_i32_0 : i32, i32, i32
  }
  func.func @transform_1(%arg0: i32) -> (i32, i32) {
    %c0_i32 = arith.constant 0 : i32
    %c0_i32_0 = arith.constant 0 : i32
    return %arg0, %c0_i32 : i32, i32
  }
  func.func @transform_2(%arg0: i32) -> (i32, i32) {
    %c0_i32 = arith.constant 0 : i32
    %c0_i32_0 = arith.constant 0 : i32
    %c0_i32_1 = arith.constant 0 : i32
    return %c0_i32, %c0_i32_0 : i32, i32
  }
  func.func @transform_3(%arg0: i32) -> (i32, i32) {
    %c0_i32 = arith.constant 0 : i32
    %c0_i32_0 = arith.constant 0 : i32
    return %arg0, %c0_i32 : i32, i32
  }
}

</mosaic_0001>

<sc_bundles>
// kernel: kernel.13.cloned.1.call-start
scs
__scs_entry_jumppad:
0x0: {  	(pc) =	sbr.rel $0x88, $3  }
0x1: {  	(tag) =	ssettag $0x0;
	lr =	simm.s32 $0x1  }
0x2: {  	[smem:$0x3F96] =	sst lr;
	_ =	strace $0xD0000000  }
0x3: {  	_ = 	snop  }
0x4: {  	_ = 	snop  }
0x5: {  	_ = 	snop  }
0x6: {  	_ = 	snop  }
0x7: {  	_ = 	snop  }
__scs_overlays_trampoline_lowered:
0x8: {  	[smem:$0x3FA5] =	sst s0  }
0x9: {  	[smem:$0x3FA6] =	sst s1  }
0xa: {  	[smem:$0x3FA7] =	sst s2  }
0xb: {  	[smem:$0x3FA8] =	sst s3  }
0xc: {  	[smem:$0x3FA9] =	sst s4  }
0xd: {  	[smem:$0x3FAA] =	sst s5  }
0xe: {  	[smem:$0x3FAB] =	sst s6  }
0xf: {  	[smem:$0x3FAC] =	sst s7  }
0x10: {  	[smem:$0x3FAD] =	sst s8  }
0x11: {  	[smem:$0x3FAE] =	sst s9;
	s0 =	simm.s32 @!p0 $0x0  }
0x12: {  	s1 =	sld [smem:$0x3F94];
	s0 =	simm.s32 @p0 $0x1  }
0x13: {  	[smem:$0x3FAF] =	sst s0;
	s0 =	simm.s32 @!p1 $0x0  }
0x14: {  	s2 =	sld [smem:$0x3F93];
	s0 =	simm.s32 @p1 $0x1  }
0x15: {  	[smem:$0x3FB0] =	sst s0;
	s0 =	simm.s32 @!p2 $0x0  }
0x16: {  	s3 =	sld [smem:$0x3FDB];
	s0 =	simm.s32 @p2 $0x1  }
0x17: {  	s4 =	simm.s32 $0x1BF5;
	[smem:$0x3FB2] =	sst s0  }
0x18: {  	s0 =	sld [smem:$0x3F95];
	_ =	swait.ge [sflag:s4], $0x0  }
0x19: {  	s7 =	sld [smem:$0x3F96]  }
0x1a: {  	s8 =	sadd.s32 $0xFFFFE003, lr  }
0x1b: {  	s9 =	sadd.s32 $0xFFFFFEF7, lr;
	s5 =	simm.s32 $0xFFFFFFFF;
	p2 =	slt.u32 s8, $0xFFFFF086  }
0x1c: {  	p1 =	slt.u32 s9, $0xF7A;
	s5 =	simm.s32 @!p2 $0x0  }
0x1d: {  	s5 =	simm.s32 @p1 $0x1;
	p0 =	seq.s32 s7, s2  }
0x1e: {  	s7 =	smul.u32 @!p0 $0xF7A, s2;
	p2 =	seq.s32 @!p0 s5, $0x0  }
0x1f: {  	s9 =	smul.u32 $0xF7A, s1;
	s8 =	simm.s32 @!p0 $0x1BF5;
	p2 =	por !p2, p0  }
0x20: {  	[sflag:s8] =	ssyncset.s32 @!p0 $0xFFFFF086;
	s6 =	sadd.s32 @!p0 s3, s7;
	s7 =	simm.s32 @!p0 $0x108  }
0x21: {  	s3 =	sadd.s32 s3, s9;
	s6 =	sadd.s32 @!p0 $0x88, s6;
	s7 =	simm.s32 @p2 $0x1082  }
0x22: {  	[simem:s7], [sflag:s8] =	dma.local @!p0 [hbm:s6], $0xF7A  }
0x23: {  	s9 =	sor.u32 $0xD0000000, s2;
	s6 =	simm.s32 $0x108;
	_ =	swait.ge @!p0 [sflag:s8], $0x0  }
0x24: {  	s3 =	sadd.s32 $0x88, s3;
	s6 =	simm.s32 @!p1 $0x1082;
	[sflag:s4] =	ssyncset.s32 $0xFFFFF086  }
0x25: {  	[simem:s6], [sflag:s4] =	dma.local [hbm:s3], $0xF7A  }
0x26: {  	[smem:$0x3F96] =	sst s1;
	(tag) =	ssettag s2;
	_ =	strace s9  }
0x27: {  	s1 =	sld [smem:$0x3FA6]  }
0x28: {  	s2 =	sld [smem:$0x3FA7]  }
0x29: {  	s4 =	sld [smem:$0x3FA9]  }
0x2a: {  	p0 =	seq.s32 s5, $0x0;
	s5 =	sld [smem:$0x3FAA]  }
0x2b: {  	s6 =	sld [smem:$0x3FAB]  }
0x2c: {  	s7 =	sld [smem:$0x3FAC]  }
0x2d: {  	s3 =	simm.s32 $0x108;
	s8 =	sld [smem:$0x3FAD]  }
0x2e: {  	s3 =	simm.s32 @!p0 $0x1082;
	s9 =	sld [smem:$0x3FAE]  }
0x2f: {  	lr =	sadd.s32 s0, s3;
	s0 =	sld [smem:$0x3FA5]  }
0x30: {  	s3 =	sld [smem:$0x3FA8]  }
0x31: {  	[smem:$0x3FB1] =	sst s10  }
0x32: {  	s10 =	sld [smem:$0x3FAF];
	_ =	sdelay $0x3  }
0x33: {  	p0 =	seq.s32 s10, $0x1;
	s10 =	sld [smem:$0x3FB1];
	_ =	sdelay $0x3  }
0x34: {  	[smem:$0x3FB1] =	sst s10  }
0x35: {  	s10 =	sld [smem:$0x3FB0];
	_ =	sdelay $0x3  }
0x36: {  	p1 =	seq.s32 s10, $0x1;
	s10 =	sld [smem:$0x3FB1];
	_ =	sdelay $0x3  }
0x37: {  	[smem:$0x3FB1] =	sst s10  }
0x38: {  	s10 =	sld [smem:$0x3FB2]  }
0x39: {  	_ = 	snop;
	(pc) =	sbr.ind lr, $3  }
0x3a: {  	_ = 	snop  }
0x3b: {  	_ = 	snop  }
0x3c: {  	p2 =	seq.s32 s10, $0x1;
	s10 =	sld [smem:$0x3FB1]  }
0x3d: {  	_ =	shalt  }
0x3e: {  	_ =	shalt  }
0x3f: {  	_ =	shalt  }
0x40: {  	_ =	shalt  }
0x41: {  	_ =	shalt  }
0x42: {  	_ =	shalt  }
0x43: {  	_ =	shalt  }
0x44: {  	_ =	shalt  }
0x45: {  	_ =	shalt  }
0x46: {  	_ =	shalt  }
0x47: {  	_ =	shalt  }
0x48: {  	_ =	shalt  }
0x49: {  	_ =	shalt  }
0x4a: {  	_ =	shalt  }
0x4b: {  	_ =	shalt  }
0x4c: {  	_ =	shalt  }
0x4d: {  	_ =	shalt  }
0x4e: {  	_ =	shalt  }
0x4f: {  	_ =	shalt  }
0x50: {  	_ =	shalt  }
0x51: {  	_ =	shalt  }
0x52: {  	_ =	shalt  }
0x53: {  	_ =	shalt  }
0x54: {  	_ =	shalt  }
0x55: {  	_ =	shalt  }
0x56: {  	_ =	shalt  }
0x57: {  	_ =	shalt  }
0x58: {  	_ =	shalt  }
0x59: {  	_ =	shalt  }
0x5a: {  	_ =	shalt  }
0x5b: {  	_ =	shalt  }
0x5c: {  	_ =	shalt  }
0x5d: {  	_ =	shalt  }
0x5e: {  	_ =	shalt  }
0x5f: {  	_ =	shalt  }
0x60: {  	_ =	shalt  }
0x61: {  	_ =	shalt  }
0x62: {  	_ =	shalt  }
0x63: {  	_ =	shalt  }
0x64: {  	_ =	shalt  }
0x65: {  	_ =	shalt  }
0x66: {  	_ =	shalt  }
0x67: {  	_ =	shalt  }
0x68: {  	_ =	shalt  }
0x69: {  	_ =	shalt  }
0x6a: {  	_ =	shalt  }
0x6b: {  	_ =	shalt  }
0x6c: {  	_ =	shalt  }
0x6d: {  	_ =	shalt  }
0x6e: {  	_ =	shalt  }
0x6f: {  	_ =	shalt  }
0x70: {  	_ =	shalt  }
0x71: {  	_ =	shalt  }
0x72: {  	_ =	shalt  }
0x73: {  	_ =	shalt  }
0x74: {  	_ =	shalt  }
0x75: {  	_ =	shalt  }
0x76: {  	_ =	shalt  }
0x77: {  	_ =	shalt  }
0x78: {  	_ =	shalt  }
0x79: {  	_ =	shalt  }
0x7a: {  	_ =	shalt  }
0x7b: {  	_ =	shalt  }
0x7c: {  	_ =	shalt  }
0x7d: {  	_ =	shalt  }
0x7e: {  	_ =	shalt  }
0x7f: {  	_ =	shalt  }
0x80: {  	_ =	shalt  }
0x81: {  	_ =	shalt  }
0x82: {  	_ =	shalt  }
0x83: {  	_ =	shalt  }
0x84: {  	_ =	shalt  }
0x85: {  	_ =	shalt  }
0x86: {  	_ =	shalt  }
0x87: {  	_ =	shalt  }
.Lfunc_end0:
.L_simem_size_0:
called_computation_lowered:
.L_overlay_start_0:
0x88: {  	s2 =	sld [smem:$0x3FD9]  }
0x89: {  	s3 =	sld [smem:$0x3FFE];
	_ =	sdelay $0x1  }
0x8a: {  	s1 =	srdreg.scid  }
0x8b: {  	s0 =	sand.u32 $0x1, s1  }
0x8c: {  	s17 =	sshll.u32 s0, $0xA;
	s2 =	sadd.s32 s3, s2  }
0x8d: {  	s2 =	sadd.s32 s2, s17  }
0x8e: {  	[smem:$0x3FBD] =	sst s2  }
0x8f: {  	_ = 	snop  }
0x90: {  	s2 =	sld [smem:$0x3FD0];
	(tm) =	ssettm $0x1  }
0x91: {  	s18 =	sld [smem:$0x3FFB];
	_ =	sdelay $0x3  }
0x92: {  	_ =	strace s18  }
0x93: {  	s3 =	sld [smem:$0x3FFC];
	_ =	sdelay $0x3  }
0x94: {  	_ =	strace s3  }
0x95: {  	s3 =	sld [smem:$0x3FFD];
	_ =	sdelay $0x3  }
0x96: {  	_ =	strace s3  }
0x97: {  	_ =	strace $0x8FFFFFFF  }
0x98: {  	s19 =	sld [smem:$0x3FDB];
	_ =	sdelay $0x1  }
0x99: {  	s4 =	simm.s32 $_scs_section_size  }
0x9a: {  	s5 =	simm.s32 $_size__tile_overlayer_lowered;
	s6 =	simm.s32 $_tile_overlayer_lowered  }
0x9b: {  	s22 =	simm.s32 $0x1BFF;
	s21 =	sshll.u32 s6, $0x1;
	s3 =	sadd.s32 s4, s19  }
0x9c: {  	s7 =	simm.s32 $0x0;
	s20 =	sshll.u32 s5, $0x1;
	s5 =	sadd.s32 s21, s3  }
0x9d: {  	[timem:s7], [sflag:s22] =	dma.local [hbm:s5], s20  }
0x9e: {  	_ =	swait.ge [sflag:s22], s20  }
0x9f: {  	s4 =	ssub.s32 $0x0, s20;
	[sflag:s22] =	ssyncset.done $0x0  }
0xa0: {  	[sflag:s22] =	ssyncadd.s32 s4;
	_ =	sdelay $0x1  }
0xa1: {  	s23 =	simm.s32 $0x1B8B  }
0xa2: {  	_ =	swait.ge [sflag:s23], $0x1  }
0xa3: {  	[sflag:s23] =	ssyncset.done $0x0  }
0xa4: {  	s25 =	simm.s32 $0x1B8E;
	s24 =	sld [smem:$0x3FFE];
	[sflag:s23] =	ssyncadd.s32 $0xFFFFFFFF  }
0xa5: {  	s26 =	simm.s32 $execute0_lowered;
	[smem:$0x3FD2] =	sst s25  }
0xa6: {  	s5 =	sshll.u32 s26, $0x1;
	_ =	strace $0x80000046;
	[dreg:$0x1] =	wrdreg $0xFFFFFFFF  }
0xa7: {  	s28 =	simm.s32 $_size_execute0_lowered;
	s3 =	sadd.s32 s3, s5;
	[dreg:$0x0] =	wrdreg $0x0  }
0xa8: {  	s5 =	sshll.u32 s28, $0x1;
	[dreg:$0x2] =	wrdreg s3  }
0xa9: {  	[dreg:$0x3] =	wrdreg s5  }
0xaa: {  	[dreg:$0x4] =	wrdreg $0xC0  }
0xab: {  	_ =	task [dreg:s7], $0x5FFFF  }
0xac: {  	[dreg:$0x1] =	wrdreg $0xFFFFFFFF  }
0xad: {  	[dreg:$0x0] =	wrdreg $0x60  }
0xae: {  	[dreg:$0x2] =	wrdreg s2  }
0xaf: {  	[dreg:$0x3] =	wrdreg s24  }
0xb0: {  	[dreg:$0x4] =	wrdreg $0x13D000  }
0xb1: {  	[dreg:$0x5] =	wrdreg $0x9  }
0xb2: {  	_ =	task.clear_ibuf [dreg:s7], $0x6FFFF;
	_ =	strace $0x90000046  }
0xb3: {  	s29 =	simm.s32 $0x9;
	_ =	strace $0x80000048  }
0xb4: {  	_ =	swait.ge [sflag:s29], $0x1  }
0xb5: {  	[sflag:s29] =	ssyncadd.s32 $0xFFFFFFFF  }
0xb6: {  	_ =	strace $0x90000048  }
0xb7: {  	_ =	sfence  }
0xb8: {  	s30 =	sld [smem:$0x0];
	_ =	sdelay $0x2  }
0xb9: {  	s31 =	sshll.u32 s1, $0xD;
	s1 =	sshrl.u32 s1, $0x2  }
0xba: {  	s3 =	sand.u32 $0x4000, s31;
	s1 =	sadd.s32 s1, s30  }
0xbb: {  	s0 =	sor.u32 s3, s0;
	s1 =	sshll.u32 s1, $0x11  }
0xbc: {  	s0 =	sor.u32 s1, s0  }
0xbd: {  	s0 =	sadd.s32 $0x8F2B, s0  }
0xbe: {  	[sflag:s0] =	ssyncadd.remote.s32 $0x1  }
0xbf: {  	_ =	sfence.sel $0xFFFF  }
0xc0: {  	[dreg:$0x0] =	wrdreg $0xFFFFFFFF;
	(pc) =	sbr.abs _section_cstart, $3  }
0xc1: {  	[dreg:$0x1] =	wrdreg $0xFFFFFFFF  }
0xc2: {  	_ =	task.clear_ibuf [dreg:s7], $0x2FFFF;
	_ =	strace $0x9FFFFFFF  }
0xc3: {  	(tm) =	ssettm $0x7FFFFFFF  }
tec
execute0_lowered:
.L_overlay_start_1:
0x0: {  	(tag) =	ssettag $0x1  }
0x1: {  	s0 =	rddreg [dreg:$0x0]  }
0x2: {  	s1 =	rddreg [dreg:$0x1]  }
0x3: {  	s8 =	stileid.u32;
	s2 =	rddreg [dreg:$0x2];
	s3 =	simm.s32 $0x0  }
0x4: {  	s5 =	srdreg.scid;
	s29 =	simm.s32 $0xBF40;
	s31 =	simm.s32 $0xDE80  }
0x5: {  	s30 =	simm.s32 $0x6;
	s28 =	simm.s32 $0x4;
	s4 =	smul.u32 $0x5000, s8  }
0x6: {  	[smem:$0x7FF] =	sst s3;
	s5 =	sand.u32 $0x1, s5;
	s11 =	smul.u32 $0xA000, s8  }
0x7: {  	s7 =	sadd.s32 $0x17400, s1;
	_ =	strace $0x80000047;
	s15 =	smul.u32 $0xA0000, s5  }
0x8: {  	s6 =	ssub.s32 $0x2, s5;
	[dreg:$0x4] =	wrdreg s7;
	s5 =	smul.u32 $0x13880, s5  }
0x9: {  	s4 =	sshrl.u32 s4, $0x3;
	s17 =	sshrl.u32 s6, $0x1;
	s7 =	sadd.s32 s11, s2  }
0xa: {  	s19 =	sadd.s32 $0x2000, s11;
	s13 =	sadd.s32 $0x4000, s11;
	s14 =	sadd.s32 $0x6000, s11  }
0xb: {  	s16 =	sadd.s32 $0x8000, s11;
	s4 =	sadd.s32 s4, s1;
	s1 =	sadd.s32 $0x17800, s1  }
0xc: {  	s6 =	ssub.s32 s6, s17;
	s8 =	sadd.s32 s19, s2;
	s9 =	sadd.s32 s13, s2  }
0xd: {  	s10 =	sadd.s32 s14, s2;
	s12 =	sadd.s32 s11, s15;
	s11 =	sadd.s32 s16, s2  }
0xe: {  	s22 =	sadd.s32 s15, s13;
	s23 =	sadd.s32 s15, s14;
	s24 =	sadd.s32 s15, s16  }
0xf: {  	s18 =	sadd.s32 $0x3400, s4;
	s4 =	sadd.s32 $0xD400, s4;
	s17 =	sshrl.u32 s12, $0x3  }
0x10: {  	s12 =	sadd.s32 s0, s5;
	s26 =	sshrl.u32 s24, $0x3;
	[dreg:$0x5] =	wrdreg s18  }
0x11: {  	s24 =	simm.s32 $0x5;
	s5 =	simm.s32 $0x8;
	[dreg:$0x6] =	wrdreg s4  }
0x12: {  	s4 =	sadd.s32 s15, s19;
	s20 =	sadd.s32 s1, s17;
	s17 =	sadd.s32 s1, s26  }
0x13: {  	s18 =	smax.u32 s6, $0x1;
	s26 =	simm.s32 $0xA000;
	s6 =	simm.s32 $0x0  }
0x14: {  	[dreg:$0x7] =	wrdreg s20;
	s21 =	sshrl.u32 s4, $0x3;
	s4 =	sshrl.u32 s23, $0x3  }
0x15: {  	s20 =	simm.s32 $0x11D00;
	s23 =	simm.s32 $0x2;
	s0 =	sadd.s32 s1, s21  }
0x16: {  	s25 =	sadd.s32 s1, s4;
	s21 =	simm.s32 $0x9;
	[dreg:$0x8] =	wrdreg s0  }
0x17: {  	s4 =	simm.s32 $0x7;
	s0 =	sshrl.u32 s22, $0x3;
	[dreg:$0xa] =	wrdreg s25  }
0x18: {  	s22 =	simm.s32 $0x1;
	s25 =	simm.s32 $0x7D;
	s0 =	sadd.s32 s1, s0  }
0x19: {  	s1 =	simm.s32 $0x3;
	[dreg:$0x9] =	wrdreg s0;
	s0 =	simm.s32 $0xFDC0  }
.LBB2_1:
0x1a: {  	s13 =	rddreg [dreg:$0x5]  }
0x1b: {  	[tilespmem:s3], [sflag:$0x1] =	stream.linear.gather [hbm4b:s13+s3], $0x5000, $0x38;
	[tilespmem:$0x1DD00] =	vst v63  }
0x1c: {  	s16 =	rddreg [dreg:$0x6];
	s14 =	simm.s32 $0x5000  }
0x1d: {  	[tilespmem:s14], [sflag:$0x2] =	stream.linear.gather [hbm4b:s16+s3], $0x5000, $0x38;
	[tilespmem:$0x1DD00] =	vst v63  }
0x1e: {  	s19 =	rddreg [dreg:$0x4]  }
0x1f: {  	[tilespmem:s20], [sflag:$0x9] =	stream.linear.gather [hbm4b:s19+s3], $0x2000, $0x38;
	[tilespmem:$0x1DD00] =	vst v63  }
0x20: {  	_ =	swait.ge [sflag:s21], $0x2000  }
0x21: {  	[sflag:s21] =	ssyncset.done $0x0  }
0x22: {  	[sflag:s21] =	ssyncadd.s32 $0xFFFFE000  }
0x23: {  	[spmem:s7] =	stream.linear.scatter [tilespmem:s20], [sflag:$0x5], $0x2000, $0x38;
	[tilespmem:$0x1DD00] =	vst v63  }
0x24: {  	_ = 	snop  }
0x25: {  	[spmem:s8] =	stream.linear.scatter [tilespmem:s20], [sflag:$0x5], $0x2000, $0x38;
	[tilespmem:$0x1DD00] =	vst v63  }
0x26: {  	_ = 	snop  }
0x27: {  	[spmem:s9] =	stream.linear.scatter [tilespmem:s20], [sflag:$0x5], $0x2000, $0x38;
	[tilespmem:$0x1DD00] =	vst v63  }
0x28: {  	_ = 	snop  }
0x29: {  	[spmem:s10] =	stream.linear.scatter [tilespmem:s20], [sflag:$0x5], $0x2000, $0x38;
	[tilespmem:$0x1DD00] =	vst v63  }
0x2a: {  	_ = 	snop  }
0x2b: {  	[spmem:s11] =	stream.linear.scatter [tilespmem:s20], [sflag:$0x5], $0x2000, $0x38;
	[tilespmem:$0x1DD00] =	vst v63  }
0x2c: {  	_ =	swait.ge [sflag:s22], $0x5000  }
0x2d: {  	[sflag:s22] =	ssyncset.done $0x0  }
0x2e: {  	[sflag:s22] =	ssyncadd.s32 $0xFFFFB000  }
0x2f: {  	_ =	swait.ge [sflag:s23], $0x5000  }
0x30: {  	[sflag:s23] =	ssyncset.done $0x0  }
0x31: {  	[sflag:s23] =	ssyncadd.s32 $0xFFFFB000  }
0x32: {  	_ =	swait.ge [sflag:s24], $0x2000  }
0x33: {  	[sflag:s24] =	ssyncset.done $0x0  }
0x34: {  	[sflag:s24] =	ssyncadd.s32 $0xFFFFE000  }
0x35: {  	_ =	swait.ge [sflag:s24], $0x2000  }
0x36: {  	[sflag:s24] =	ssyncset.done $0x0  }
0x37: {  	[sflag:s24] =	ssyncadd.s32 $0xFFFFE000  }
0x38: {  	_ =	swait.ge [sflag:s24], $0x2000  }
0x39: {  	[sflag:s24] =	ssyncset.done $0x0  }
0x3a: {  	[sflag:s24] =	ssyncadd.s32 $0xFFFFE000  }
0x3b: {  	_ =	swait.ge [sflag:s24], $0x2000  }
0x3c: {  	[sflag:s24] =	ssyncset.done $0x0  }
0x3d: {  	[sflag:s24] =	ssyncadd.s32 $0xFFFFE000  }
0x3e: {  	_ =	swait.ge [sflag:s24], $0x2000  }
0x3f: {  	[sflag:s24] =	ssyncset.done $0x0  }
0x40: {  	[sflag:s24] =	ssyncadd.s32 $0xFFFFE000  }
0x41: {  	[bflag:$0x0] =	sbarrier.arrive $0xFFFF  }
0x42: {  	[tilespmem:s26], [sflag:$0x1] =	stream.indirect.gather [hbm4b:s12+s25], $0x40, s3, s25, $0xb8;
	[tilespmem:$0x1DD00] =	vst v63  }
0x43: {  	s15 =	simm.s32 $0x80  }
0x44: {  	[tilespmem:s29], [sflag:$0x2] =	stream.indirect.gather [hbm4b:s12+s25], $0x40, s15, s25, $0xb8;
	[tilespmem:$0x1DD00] =	vst v63  }
0x45: {  	s16 =	simm.s32 $0x100  }
0x46: {  	[tilespmem:s31], [sflag:$0x3] =	stream.indirect.gather [hbm4b:s12+s25], $0x40, s16, s25, $0xb8;
	[tilespmem:$0x1DD00] =	vst v63  }
0x47: {  	_ =	swait.ge [sflag:s22], $0x1F40  }
0x48: {  	[sflag:s22] =	ssyncset.done $0x0  }
0x49: {  	[sflag:s22] =	ssyncadd.s32 $0xFFFFE0C0  }
0x4a: {  	[spmem:s2] =	stream.indirect.scatter.add.f32 [tilespmem:s26], [sflag:$0x5], $0x40, s14, s25, $0xb8;
	[tilespmem:$0x1DD00] =	vst v63  }
0x4b: {  	s19 =	simm.s32 $0x180  }
0x4c: {  	[tilespmem:s0], [sflag:$0x4] =	stream.indirect.gather [hbm4b:s12+s25], $0x40, s19, s25, $0xb8;
	[tilespmem:$0x1DD00] =	vst v63  }
0x4d: {  	_ =	swait.ge [sflag:s23], $0x1F40  }
0x4e: {  	[sflag:s23] =	ssyncset.done $0x0  }
0x4f: {  	s14 =	simm.s32 $0x5080;
	[sflag:s23] =	ssyncadd.s32 $0xFFFFE0C0  }
0x50: {  	[spmem:s2] =	stream.indirect.scatter.add.f32 [tilespmem:s29], [sflag:$0x6], $0x40, s14, s25, $0xb8;
	[tilespmem:$0x1DD00] =	vst v63  }
0x51: {  	_ =	swait.ge [sflag:s24], $0x1F40  }
0x52: {  	[sflag:s24] =	ssyncset.done $0x0  }
0x53: {  	s15 =	simm.s32 $0x200;
	[sflag:s24] =	ssyncadd.s32 $0xFFFFE0C0  }
0x54: {  	[tilespmem:s26], [sflag:$0x1] =	stream.indirect.gather [hbm4b:s12+s25], $0x40, s15, s25, $0xb8;
	[tilespmem:$0x1DD00] =	vst v63  }
0x55: {  	_ =	swait.ge [sflag:s1], $0x1F40  }
0x56: {  	[sflag:s1] =	ssyncset.done $0x0  }
0x57: {  	s16 =	simm.s32 $0x5100;
	[sflag:s1] =	ssyncadd.s32 $0xFFFFE0C0  }
0x58: {  	[spmem:s2] =	stream.indirect.scatter.add.f32 [tilespmem:s31], [sflag:$0x7], $0x40, s16, s25, $0xb8;
	[tilespmem:$0x1DD00] =	vst v63  }
0x59: {  	_ =	swait.ge [sflag:s30], $0x1F40  }
0x5a: {  	[sflag:s30] =	ssyncset.done $0x0  }
0x5b: {  	s19 =	simm.s32 $0x280;
	[sflag:s30] =	ssyncadd.s32 $0xFFFFE0C0  }
0x5c: {  	[tilespmem:s29], [sflag:$0x2] =	stream.indirect.gather [hbm4b:s12+s25], $0x40, s19, s25, $0xb8;
	[tilespmem:$0x1DD00] =	vst v63  }
0x5d: {  	_ =	swait.ge [sflag:s28], $0x1F40  }
0x5e: {  	[sflag:s28] =	ssyncset.done $0x0  }
0x5f: {  	s14 =	simm.s32 $0x5180;
	[sflag:s28] =	ssyncadd.s32 $0xFFFFE0C0  }
0x60: {  	[spmem:s2] =	stream.indirect.scatter.add.f32 [tilespmem:s0], [sflag:$0x8], $0x40, s14, s25, $0xb8;
	[tilespmem:$0x1DD00] =	vst v63  }
0x61: {  	_ =	swait.ge [sflag:s4], $0x1F40  }
0x62: {  	[sflag:s4] =	ssyncset.done $0x0  }
0x63: {  	s15 =	simm.s32 $0x300;
	[sflag:s4] =	ssyncadd.s32 $0xFFFFE0C0  }
0x64: {  	[tilespmem:s31], [sflag:$0x3] =	stream.indirect.gather [hbm4b:s12+s25], $0x40, s15, s25, $0xb8;
	[tilespmem:$0x1DD00] =	vst v63  }
0x65: {  	_ =	swait.ge [sflag:s22], $0x1F40  }
0x66: {  	[sflag:s22] =	ssyncset.done $0x0  }
0x67: {  	s16 =	simm.s32 $0x5200;
	[sflag:s22] =	ssyncadd.s32 $0xFFFFE0C0  }
0x68: {  	[spmem:s2] =	stream.indirect.scatter.add.f32 [tilespmem:s26], [sflag:$0x5], $0x40, s16, s25, $0xb8;
	[tilespmem:$0x1DD00] =	vst v63  }
0x69: {  	_ =	swait.ge [sflag:s5], $0x1F40  }
0x6a: {  	[sflag:s5] =	ssyncset.done $0x0  }
0x6b: {  	s19 =	simm.s32 $0x380;
	[sflag:s5] =	ssyncadd.s32 $0xFFFFE0C0  }
0x6c: {  	[tilespmem:s0], [sflag:$0x4] =	stream.indirect.gather [hbm4b:s12+s25], $0x40, s19, s25, $0xb8;
	[tilespmem:$0x1DD00] =	vst v63  }
0x6d: {  	_ =	swait.ge [sflag:s23], $0x1F40  }
0x6e: {  	[sflag:s23] =	ssyncset.done $0x0  }
0x6f: {  	s14 =	simm.s32 $0x5280;
	[sflag:s23] =	ssyncadd.s32 $0xFFFFE0C0  }
0x70: {  	[spmem:s2] =	stream.indirect.scatter.add.f32 [tilespmem:s29], [sflag:$0x6], $0x40, s14, s25, $0xb8;
	[tilespmem:$0x1DD00] =	vst v63  }
0x71: {  	_ =	swait.ge [sflag:s24], $0x1F40  }
0x72: {  	[sflag:s24] =	ssyncset.done $0x0  }
0x73: {  	s15 =	simm.s32 $0x400;
	[sflag:s24] =	ssyncadd.s32 $0xFFFFE0C0  }
0x74: {  	[tilespmem:s26], [sflag:$0x1] =	stream.indirect.gather [hbm4b:s12+s25], $0x40, s15, s25, $0xb8;
	[tilespmem:$0x1DD00] =	vst v63  }
0x75: {  	_ =	swait.ge [sflag:s1], $0x1F40  }
0x76: {  	[sflag:s1] =	ssyncset.done $0x0  }
0x77: {  	s16 =	simm.s32 $0x5300;
	[sflag:s1] =	ssyncadd.s32 $0xFFFFE0C0  }
0x78: {  	[spmem:s2] =	stream.indirect.scatter.add.f32 [tilespmem:s31], [sflag:$0x7], $0x40, s16, s25, $0xb8;
	[tilespmem:$0x1DD00] =	vst v63  }
0x79: {  	_ =	swait.ge [sflag:s30], $0x1F40  }
0x7a: {  	[sflag:s30] =	ssyncset.done $0x0  }
0x7b: {  	s19 =	simm.s32 $0x480;
	[sflag:s30] =	ssyncadd.s32 $0xFFFFE0C0  }
0x7c: {  	[tilespmem:s29], [sflag:$0x2] =	stream.indirect.gather [hbm4b:s12+s25], $0x40, s19, s25, $0xb8;
	[tilespmem:$0x1DD00] =	vst v63  }
0x7d: {  	_ =	swait.ge [sflag:s28], $0x1F40  }
0x7e: {  	[sflag:s28] =	ssyncset.done $0x0  }
0x7f: {  	s13 =	simm.s32 $0x800;
	s14 =	simm.s32 $0x5380;
	[sflag:s28] =	ssyncadd.s32 $0xFFFFE0C0  }
.LBB2_2:
0x80: {  	[spmem:s2] =	stream.indirect.scatter.add.f32 [tilespmem:s0], [sflag:$0x8], $0x40, s14, s25, $0xb8;
	[tilespmem:$0x1DD00] =	vst v63  }
0x81: {  	s14 =	smov.u32 s13  }
0x82: {  	p0 =	sne.s32 s13, $0x12800;
	s13 =	sadd.s32 $0x800, s13;
	_ =	swait.ge [sflag:s4], $0x1F40  }
0x83: {  	s14 =	sshra.s32 s14, $0x2;
	[sflag:s4] =	ssyncset.done $0x0  }
0x84: {  	s15 =	sadd.s32 $0x300, s14;
	[sflag:s4] =	ssyncadd.s32 $0xFFFFE0C0  }
0x85: {  	[tilespmem:s31], [sflag:$0x3] =	stream.indirect.gather [hbm4b:s12+s25], $0x40, s15, s25, $0xb8;
	[tilespmem:$0x1DD00] =	vst v63  }
0x86: {  	_ =	swait.ge [sflag:s22], $0x1F40  }
0x87: {  	[sflag:s22] =	ssyncset.done $0x0  }
0x88: {  	s15 =	sadd.s32 $0x5200, s14;
	[sflag:s22] =	ssyncadd.s32 $0xFFFFE0C0  }
0x89: {  	[spmem:s2] =	stream.indirect.scatter.add.f32 [tilespmem:s26], [sflag:$0x5], $0x40, s15, s25, $0xb8;
	[tilespmem:$0x1DD00] =	vst v63  }
0x8a: {  	_ =	swait.ge [sflag:s5], $0x1F40  }
0x8b: {  	[sflag:s5] =	ssyncset.done $0x0  }
0x8c: {  	s15 =	sadd.s32 $0x380, s14;
	[sflag:s5] =	ssyncadd.s32 $0xFFFFE0C0  }
0x8d: {  	[tilespmem:s0], [sflag:$0x4] =	stream.indirect.gather [hbm4b:s12+s25], $0x40, s15, s25, $0xb8;
	[tilespmem:$0x1DD00] =	vst v63  }
0x8e: {  	_ =	swait.ge [sflag:s23], $0x1F40  }
0x8f: {  	[sflag:s23] =	ssyncset.done $0x0  }
0x90: {  	s15 =	sadd.s32 $0x5280, s14;
	[sflag:s23] =	ssyncadd.s32 $0xFFFFE0C0  }
0x91: {  	[spmem:s2] =	stream.indirect.scatter.add.f32 [tilespmem:s29], [sflag:$0x6], $0x40, s15, s25, $0xb8;
	[tilespmem:$0x1DD00] =	vst v63  }
0x92: {  	_ =	swait.ge [sflag:s24], $0x1F40  }
0x93: {  	[sflag:s24] =	ssyncset.done $0x0  }
0x94: {  	s15 =	sadd.s32 $0x400, s14;
	[sflag:s24] =	ssyncadd.s32 $0xFFFFE0C0  }
0x95: {  	[tilespmem:s26], [sflag:$0x1] =	stream.indirect.gather [hbm4b:s12+s25], $0x40, s15, s25, $0xb8;
	[tilespmem:$0x1DD00] =	vst v63  }
0x96: {  	_ =	swait.ge [sflag:s1], $0x1F40  }
0x97: {  	[sflag:s1] =	ssyncset.done $0x0  }
0x98: {  	s15 =	sadd.s32 $0x5300, s14;
	[sflag:s1] =	ssyncadd.s32 $0xFFFFE0C0  }
0x99: {  	[spmem:s2] =	stream.indirect.scatter.add.f32 [tilespmem:s31], [sflag:$0x7], $0x40, s15, s25, $0xb8;
	[tilespmem:$0x1DD00] =	vst v63  }
0x9a: {  	_ =	swait.ge [sflag:s30], $0x1F40  }
0x9b: {  	[sflag:s30] =	ssyncset.done $0x0  }
.Ltmp0:
0x9c: {  	s15 =	sadd.s32 $0x480, s14;
	[sflag:s30] =	ssyncadd.s32 $0xFFFFE0C0;
	(pc) =	sbr.rel @p0 .LBB2_2-.Ltmp0, $4  }
0x9d: {  	[tilespmem:s29], [sflag:$0x2] =	stream.indirect.gather [hbm4b:s12+s25], $0x40, s15, s25, $0xb8;
	[tilespmem:$0x1DD00] =	vst v63  }
0x9e: {  	_ =	swait.ge [sflag:s28], $0x1F40  }
0x9f: {  	[sflag:s28] =	ssyncset.done $0x0  }
0xa0: {  	s14 =	sadd.s32 $0x5380, s14;
	[sflag:s28] =	ssyncadd.s32 $0xFFFFE0C0  }
0xa1: {  	[spmem:s2] =	stream.indirect.scatter.add.f32 [tilespmem:s0], [sflag:$0x8], $0x40, s14, s25, $0xb8;
	[tilespmem:$0x1DD00] =	vst v63  }
0xa2: {  	_ =	swait.ge [sflag:s4], $0x1F40  }
0xa3: {  	[sflag:s4] =	ssyncset.done $0x0  }
0xa4: {  	s13 =	simm.s32 $0x4F00;
	[sflag:s4] =	ssyncadd.s32 $0xFFFFE0C0  }
0xa5: {  	[tilespmem:s31], [sflag:$0x3] =	stream.indirect.gather [hbm4b:s12+s25], $0x40, s13, s25, $0xb8;
	[tilespmem:$0x1DD00] =	vst v63  }
0xa6: {  	_ =	swait.ge [sflag:s22], $0x1F40  }
0xa7: {  	[sflag:s22] =	ssyncset.done $0x0  }
0xa8: {  	s15 =	simm.s32 $0x9E00;
	[sflag:s22] =	ssyncadd.s32 $0xFFFFE0C0  }
0xa9: {  	[spmem:s2] =	stream.indirect.scatter.add.f32 [tilespmem:s26], [sflag:$0x5], $0x40, s15, s25, $0xb8;
	[tilespmem:$0x1DD00] =	vst v63  }
0xaa: {  	_ =	swait.ge [sflag:s5], $0x1F40  }
0xab: {  	[sflag:s5] =	ssyncset.done $0x0  }
0xac: {  	s16 =	simm.s32 $0x4F80;
	[sflag:s5] =	ssyncadd.s32 $0xFFFFE0C0  }
0xad: {  	[tilespmem:s0], [sflag:$0x4] =	stream.indirect.gather [hbm4b:s12+s25], $0x40, s16, s25, $0xb8;
	[tilespmem:$0x1DD00] =	vst v63  }
0xae: {  	_ =	swait.ge [sflag:s23], $0x1F40  }
0xaf: {  	[sflag:s23] =	ssyncset.done $0x0  }
0xb0: {  	s19 =	simm.s32 $0x9E80;
	[sflag:s23] =	ssyncadd.s32 $0xFFFFE0C0  }
0xb1: {  	[spmem:s2] =	stream.indirect.scatter.add.f32 [tilespmem:s29], [sflag:$0x6], $0x40, s19, s25, $0xb8;
	[tilespmem:$0x1DD00] =	vst v63  }
0xb2: {  	_ =	swait.ge [sflag:s1], $0x1F40  }
0xb3: {  	[sflag:s1] =	ssyncset.done $0x0  }
0xb4: {  	s14 =	simm.s32 $0x9F00;
	[sflag:s1] =	ssyncadd.s32 $0xFFFFE0C0  }
0xb5: {  	[spmem:s2] =	stream.indirect.scatter.add.f32 [tilespmem:s31], [sflag:$0x7], $0x40, s14, s25, $0xb8;
	[tilespmem:$0x1DD00] =	vst v63  }
0xb6: {  	_ =	swait.ge [sflag:s28], $0x1F40  }
0xb7: {  	[sflag:s28] =	ssyncset.done $0x0  }
0xb8: {  	s15 =	simm.s32 $0x9F80;
	[sflag:s28] =	ssyncadd.s32 $0xFFFFE0C0  }
0xb9: {  	[spmem:s2] =	stream.indirect.scatter.add.f32 [tilespmem:s0], [sflag:$0x8], $0x40, s15, s25, $0xb8;
	[tilespmem:$0x1DD00] =	vst v63  }
0xba: {  	_ =	swait.ge [sflag:s24], $0x1F40  }
0xbb: {  	[sflag:s24] =	ssyncset.done $0x0  }
0xbc: {  	[sflag:s24] =	ssyncadd.s32 $0xFFFFE0C0  }
0xbd: {  	_ =	swait.ge [sflag:s30], $0x1F40  }
0xbe: {  	[sflag:s30] =	ssyncset.done $0x0  }
0xbf: {  	[sflag:s30] =	ssyncadd.s32 $0xFFFFE0C0  }
0xc0: {  	_ =	swait.ge [sflag:s4], $0x1F40  }
0xc1: {  	[sflag:s4] =	ssyncset.done $0x0  }
0xc2: {  	[sflag:s4] =	ssyncadd.s32 $0xFFFFE0C0  }
0xc3: {  	_ =	swait.ge [sflag:s5], $0x1F40  }
0xc4: {  	[sflag:s5] =	ssyncset.done $0x0  }
0xc5: {  	s16 =	stileid.u32;
	[sflag:s5] =	ssyncadd.s32 $0xFFFFE0C0  }
0xc6: {  	s13 =	sshll.u32 s16, $0x6;
	[bflag:$0x0] =	sbarrier.arrive $0xFFFF  }
0xc7: {  	s14 =	sor.u32 $0x1C01, s13;
	s15 =	sshrl.u32 s7, $0x3;
	s19 =	rddreg [dreg:$0x7]  }
0xc8: {  	[hbm:s19], [sflag:s14] =	dma.local [spmem:s15], $0x400  }
0xc9: {  	s15 =	sor.u32 $0x1C02, s13;
	s19 =	sshrl.u32 s8, $0x3;
	s16 =	rddreg [dreg:$0x8]  }
0xca: {  	[hbm:s16], [sflag:s15] =	dma.local [spmem:s19], $0x400  }
0xcb: {  	s15 =	sor.u32 $0x1C03, s13;
	s19 =	sshrl.u32 s9, $0x3;
	s16 =	rddreg [dreg:$0x9]  }
0xcc: {  	[hbm:s16], [sflag:s15] =	dma.local [spmem:s19], $0x400  }
0xcd: {  	s13 =	sor.u32 $0x1C04, s13;
	s19 =	sshrl.u32 s10, $0x3;
	s16 =	rddreg [dreg:$0xa]  }
0xce: {  	[hbm:s16], [sflag:s13] =	dma.local [spmem:s19], $0x400  }
0xcf: {  	s19 =	sshrl.u32 s11, $0x3  }
0xd0: {  	[hbm:s17], [sflag:s14] =	dma.local [spmem:s19], $0x400  }
0xd1: {  	_ =	swait.ge [sflag:s22], $0x400  }
0xd2: {  	[sflag:s22] =	ssyncset.done $0x0  }
0xd3: {  	[sflag:s22] =	ssyncadd.s32 $0xFFFFFC00  }
0xd4: {  	_ =	swait.ge [sflag:s23], $0x400  }
0xd5: {  	[sflag:s23] =	ssyncset.done $0x0  }
0xd6: {  	[sflag:s23] =	ssyncadd.s32 $0xFFFFFC00  }
0xd7: {  	_ =	swait.ge [sflag:s1], $0x400  }
0xd8: {  	[sflag:s1] =	ssyncset.done $0x0  }
0xd9: {  	s6 =	sadd.s32 $0x1, s6;
	[sflag:s1] =	ssyncadd.s32 $0xFFFFFC00  }
0xda: {  	p0 =	sne.s32 s6, s18;
	_ =	swait.ge [sflag:s28], $0x400  }
.Ltmp1:
0xdb: {  	[sflag:s28] =	ssyncset.done $0x0;
	(pc) =	sbr.rel @p0 .LBB2_1-.Ltmp1, $4  }
0xdc: {  	[sflag:s28] =	ssyncadd.s32 $0xFFFFFC00  }
0xdd: {  	_ =	swait.ge [sflag:s22], $0x400  }
0xde: {  	[sflag:s22] =	ssyncset.done $0x0  }
0xdf: {  	[sflag:s22] =	ssyncadd.s32 $0xFFFFFC00  }
0xe0: {  	_ =	sfence.sel $0x180000  }
0xe1: {  	[bflag:$0x0] =	sbarrier.arrive $0xFFFF  }
0xe2: {  	_ =	strace $0x90000047  }
0xe3: {  	s0 =	stileid.u32;
	[bflag:$0x2] =	sbarrier.arrive $0xFFFF  }
0xe4: {  	p0 =	sne.s32 s0, $0x0;
	s0 =	rddreg [dreg:$0x3]  }
0xe5: {  	s0 =	sadd.s32 @!p0 $0x100000, s0  }
0xe6: {  	[sflag:s0] =	ssyncadd.tile.s32 @!p0 $0x1;
	_ =	shalt  }
.Lfunc_end2:
_tile_overlayer_lowered:
.L_overlay_start_2:
0xe7: {  	(tag) =	ssettag $0x2  }
0xe8: {  	s0 =	rddreg [dreg:$0x0];
	s2 =	stileid.u32  }
0xe9: {  	s1 =	rddreg [dreg:$0x1];
	p0 =	sne.s32 s2, $0x0  }
0xea: {  	s3 =	rddreg [dreg:$0x2];
	[bflag:$0x3] =	sbarrier.arrive $0xFFFF;
	s2 =	simm.s32 @!p0 $0x1C09  }
0xeb: {  	[timem:s3], [sflag:s2] =	dma.local @!p0 [hbm:s0], s1  }
0xec: {  	s0 =	simm.s32 @!p0 $0x9  }
0xed: {  	_ =	swait.ge @!p0 [sflag:s0], s1  }
0xee: {  	s1 =	ssub.s32 @!p0 $0x0, s1;
	[sflag:s0] =	ssyncset.done @!p0 $0x0  }
0xef: {  	[sflag:s0] =	ssyncadd.s32 @!p0 s1  }
0xf0: {  	[bflag:$0x3] =	sbarrier.arrive $0xFFFF  }
0xf1: {  	_ =	shalt  }

// kernel: kernel.16.cloned.1.call-start
scs
__scs_entry_jumppad:
0x0: {  	(pc) =	sbr.rel $0x88, $3  }
0x1: {  	(tag) =	ssettag $0x0;
	lr =	simm.s32 $0x1  }
0x2: {  	[smem:$0x3F96] =	sst lr;
	_ =	strace $0xD0000000  }
0x3: {  	_ = 	snop  }
0x4: {  	_ = 	snop  }
0x5: {  	_ = 	snop  }
0x6: {  	_ = 	snop  }
0x7: {  	_ = 	snop  }
__scs_overlays_trampoline_lowered:
0x8: {  	[smem:$0x3FA5] =	sst s0  }
0x9: {  	[smem:$0x3FA6] =	sst s1  }
0xa: {  	[smem:$0x3FA7] =	sst s2  }
0xb: {  	[smem:$0x3FA8] =	sst s3  }
0xc: {  	[smem:$0x3FA9] =	sst s4  }
0xd: {  	[smem:$0x3FAA] =	sst s5  }
0xe: {  	[smem:$0x3FAB] =	sst s6  }
0xf: {  	[smem:$0x3FAC] =	sst s7  }
0x10: {  	[smem:$0x3FAD] =	sst s8  }
0x11: {  	[smem:$0x3FAE] =	sst s9;
	s0 =	simm.s32 @!p0 $0x0  }
0x12: {  	s1 =	sld [smem:$0x3F94];
	s0 =	simm.s32 @p0 $0x1  }
0x13: {  	[smem:$0x3FAF] =	sst s0;
	s0 =	simm.s32 @!p1 $0x0  }
0x14: {  	s2 =	sld [smem:$0x3F93];
	s0 =	simm.s32 @p1 $0x1  }
0x15: {  	[smem:$0x3FB0] =	sst s0;
	s0 =	simm.s32 @!p2 $0x0  }
0x16: {  	s3 =	sld [smem:$0x3FDB];
	s0 =	simm.s32 @p2 $0x1  }
0x17: {  	s4 =	simm.s32 $0x1BF5;
	[smem:$0x3FB2] =	sst s0  }
0x18: {  	s0 =	sld [smem:$0x3F95];
	_ =	swait.ge [sflag:s4], $0x0  }
0x19: {  	s7 =	sld [smem:$0x3F96]  }
0x1a: {  	s8 =	sadd.s32 $0xFFFFE003, lr  }
0x1b: {  	s9 =	sadd.s32 $0xFFFFFEF7, lr;
	s5 =	simm.s32 $0xFFFFFFFF;
	p2 =	slt.u32 s8, $0xFFFFF086  }
0x1c: {  	p1 =	slt.u32 s9, $0xF7A;
	s5 =	simm.s32 @!p2 $0x0  }
0x1d: {  	s5 =	simm.s32 @p1 $0x1;
	p0 =	seq.s32 s7, s2  }
0x1e: {  	s7 =	smul.u32 @!p0 $0xF7A, s2;
	p2 =	seq.s32 @!p0 s5, $0x0  }
0x1f: {  	s9 =	smul.u32 $0xF7A, s1;
	s8 =	simm.s32 @!p0 $0x1BF5;
	p2 =	por !p2, p0  }
0x20: {  	[sflag:s8] =	ssyncset.s32 @!p0 $0xFFFFF086;
	s6 =	sadd.s32 @!p0 s3, s7;
	s7 =	simm.s32 @!p0 $0x108  }
0x21: {  	s3 =	sadd.s32 s3, s9;
	s6 =	sadd.s32 @!p0 $0x88, s6;
	s7 =	simm.s32 @p2 $0x1082  }
0x22: {  	[simem:s7], [sflag:s8] =	dma.local @!p0 [hbm:s6], $0xF7A  }
0x23: {  	s9 =	sor.u32 $0xD0000000, s2;
	s6 =	simm.s32 $0x108;
	_ =	swait.ge @!p0 [sflag:s8], $0x0  }
0x24: {  	s3 =	sadd.s32 $0x88, s3;
	s6 =	simm.s32 @!p1 $0x1082;
	[sflag:s4] =	ssyncset.s32 $0xFFFFF086  }
0x25: {  	[simem:s6], [sflag:s4] =	dma.local [hbm:s3], $0xF7A  }
0x26: {  	[smem:$0x3F96] =	sst s1;
	(tag) =	ssettag s2;
	_ =	strace s9  }
0x27: {  	s1 =	sld [smem:$0x3FA6]  }
0x28: {  	s2 =	sld [smem:$0x3FA7]  }
0x29: {  	s4 =	sld [smem:$0x3FA9]  }
0x2a: {  	p0 =	seq.s32 s5, $0x0;
	s5 =	sld [smem:$0x3FAA]  }
0x2b: {  	s6 =	sld [smem:$0x3FAB]  }
0x2c: {  	s7 =	sld [smem:$0x3FAC]  }
0x2d: {  	s3 =	simm.s32 $0x108;
	s8 =	sld [smem:$0x3FAD]  }
0x2e: {  	s3 =	simm.s32 @!p0 $0x1082;
	s9 =	sld [smem:$0x3FAE]  }
0x2f: {  	lr =	sadd.s32 s0, s3;
	s0 =	sld [smem:$0x3FA5]  }
0x30: {  	s3 =	sld [smem:$0x3FA8]  }
0x31: {  	[smem:$0x3FB1] =	sst s10  }
0x32: {  	s10 =	sld [smem:$0x3FAF];
	_ =	sdelay $0x3  }
0x33: {  	p0 =	seq.s32 s10, $0x1;
	s10 =	sld [smem:$0x3FB1];
	_ =	sdelay $0x3  }
0x34: {  	[smem:$0x3FB1] =	sst s10  }
0x35: {  	s10 =	sld [smem:$0x3FB0];
	_ =	sdelay $0x3  }
0x36: {  	p1 =	seq.s32 s10, $0x1;
	s10 =	sld [smem:$0x3FB1];
	_ =	sdelay $0x3  }
0x37: {  	[smem:$0x3FB1] =	sst s10  }
0x38: {  	s10 =	sld [smem:$0x3FB2]  }
0x39: {  	_ = 	snop;
	(pc) =	sbr.ind lr, $3  }
0x3a: {  	_ = 	snop  }
0x3b: {  	_ = 	snop  }
0x3c: {  	p2 =	seq.s32 s10, $0x1;
	s10 =	sld [smem:$0x3FB1]  }
0x3d: {  	_ =	shalt  }
0x3e: {  	_ =	shalt  }
0x3f: {  	_ =	shalt  }
0x40: {  	_ =	shalt  }
0x41: {  	_ =	shalt  }
0x42: {  	_ =	shalt  }
0x43: {  	_ =	shalt  }
0x44: {  	_ =	shalt  }
0x45: {  	_ =	shalt  }
0x46: {  	_ =	shalt  }
0x47: {  	_ =	shalt  }
0x48: {  	_ =	shalt  }
0x49: {  	_ =	shalt  }
0x4a: {  	_ =	shalt  }
0x4b: {  	_ =	shalt  }
0x4c: {  	_ =	shalt  }
0x4d: {  	_ =	shalt  }
0x4e: {  	_ =	shalt  }
0x4f: {  	_ =	shalt  }
0x50: {  	_ =	shalt  }
0x51: {  	_ =	shalt  }
0x52: {  	_ =	shalt  }
0x53: {  	_ =	shalt  }
0x54: {  	_ =	shalt  }
0x55: {  	_ =	shalt  }
0x56: {  	_ =	shalt  }
0x57: {  	_ =	shalt  }
0x58: {  	_ =	shalt  }
0x59: {  	_ =	shalt  }
0x5a: {  	_ =	shalt  }
0x5b: {  	_ =	shalt  }
0x5c: {  	_ =	shalt  }
0x5d: {  	_ =	shalt  }
0x5e: {  	_ =	shalt  }
0x5f: {  	_ =	shalt  }
0x60: {  	_ =	shalt  }
0x61: {  	_ =	shalt  }
0x62: {  	_ =	shalt  }
0x63: {  	_ =	shalt  }
0x64: {  	_ =	shalt  }
0x65: {  	_ =	shalt  }
0x66: {  	_ =	shalt  }
0x67: {  	_ =	shalt  }
0x68: {  	_ =	shalt  }
0x69: {  	_ =	shalt  }
0x6a: {  	_ =	shalt  }
0x6b: {  	_ =	shalt  }
0x6c: {  	_ =	shalt  }
0x6d: {  	_ =	shalt  }
0x6e: {  	_ =	shalt  }
0x6f: {  	_ =	shalt  }
0x70: {  	_ =	shalt  }
0x71: {  	_ =	shalt  }
0x72: {  	_ =	shalt  }
0x73: {  	_ =	shalt  }
0x74: {  	_ =	shalt  }
0x75: {  	_ =	shalt  }
0x76: {  	_ =	shalt  }
0x77: {  	_ =	shalt  }
0x78: {  	_ =	shalt  }
0x79: {  	_ =	shalt  }
0x7a: {  	_ =	shalt  }
0x7b: {  	_ =	shalt  }
0x7c: {  	_ =	shalt  }
0x7d: {  	_ =	shalt  }
0x7e: {  	_ =	shalt  }
0x7f: {  	_ =	shalt  }
0x80: {  	_ =	shalt  }
0x81: {  	_ =	shalt  }
0x82: {  	_ =	shalt  }
0x83: {  	_ =	shalt  }
0x84: {  	_ =	shalt  }
0x85: {  	_ =	shalt  }
0x86: {  	_ =	shalt  }
0x87: {  	_ =	shalt  }
.Lfunc_end0:
.L_simem_size_0:
called_computation.1_lowered:
.L_overlay_start_0:
0x88: {  	s2 =	sld [smem:$0x3FD9]  }
0x89: {  	s3 =	sld [smem:$0x3FFE];
	_ =	sdelay $0x1  }
0x8a: {  	s1 =	srdreg.scid  }
0x8b: {  	s0 =	sand.u32 $0x1, s1  }
0x8c: {  	s17 =	sshll.u32 s0, $0xA;
	s2 =	sadd.s32 s3, s2  }
0x8d: {  	s2 =	sadd.s32 s2, s17  }
0x8e: {  	[smem:$0x3FBD] =	sst s2  }
0x8f: {  	_ = 	snop  }
0x90: {  	s2 =	sld [smem:$0x3FD0];
	(tm) =	ssettm $0x1  }
0x91: {  	s18 =	sld [smem:$0x3FFB];
	_ =	sdelay $0x3  }
0x92: {  	_ =	strace s18  }
0x93: {  	s3 =	sld [smem:$0x3FFC];
	_ =	sdelay $0x3  }
0x94: {  	_ =	strace s3  }
0x95: {  	s3 =	sld [smem:$0x3FFD];
	_ =	sdelay $0x3  }
0x96: {  	_ =	strace s3  }
0x97: {  	_ =	strace $0x8FFFFFFF  }
0x98: {  	s19 =	sld [smem:$0x3FDB];
	_ =	sdelay $0x1  }
0x99: {  	s4 =	simm.s32 $_scs_section_size  }
0x9a: {  	s5 =	simm.s32 $_size__tile_overlayer_lowered;
	s6 =	simm.s32 $_tile_overlayer_lowered  }
0x9b: {  	s22 =	simm.s32 $0x1BFF;
	s21 =	sshll.u32 s6, $0x1;
	s3 =	sadd.s32 s4, s19  }
0x9c: {  	s7 =	simm.s32 $0x0;
	s20 =	sshll.u32 s5, $0x1;
	s5 =	sadd.s32 s21, s3  }
0x9d: {  	[timem:s7], [sflag:s22] =	dma.local [hbm:s5], s20  }
0x9e: {  	_ =	swait.ge [sflag:s22], s20  }
0x9f: {  	s4 =	ssub.s32 $0x0, s20;
	[sflag:s22] =	ssyncset.done $0x0  }
0xa0: {  	[sflag:s22] =	ssyncadd.s32 s4;
	_ =	sdelay $0x1  }
0xa1: {  	s23 =	simm.s32 $0x1B8B  }
0xa2: {  	_ =	swait.ge [sflag:s23], $0x1  }
0xa3: {  	[sflag:s23] =	ssyncset.done $0x0  }
0xa4: {  	s25 =	simm.s32 $0x1B8E;
	s24 =	sld [smem:$0x3FFE];
	[sflag:s23] =	ssyncadd.s32 $0xFFFFFFFF  }
0xa5: {  	s26 =	simm.s32 $execute0_lowered;
	[smem:$0x3FD2] =	sst s25  }
0xa6: {  	s5 =	sshll.u32 s26, $0x1;
	_ =	strace $0x80000049;
	[dreg:$0x1] =	wrdreg $0xFFFFFFFF  }
0xa7: {  	s28 =	simm.s32 $_size_execute0_lowered;
	s3 =	sadd.s32 s3, s5;
	[dreg:$0x0] =	wrdreg $0x0  }
0xa8: {  	s5 =	sshll.u32 s28, $0x1;
	[dreg:$0x2] =	wrdreg s3  }
0xa9: {  	[dreg:$0x3] =	wrdreg s5  }
0xaa: {  	[dreg:$0x4] =	wrdreg $0xC0  }
0xab: {  	_ =	task [dreg:s7], $0x5FFFF  }
0xac: {  	[dreg:$0x1] =	wrdreg $0xFFFFFFFF  }
0xad: {  	[dreg:$0x0] =	wrdreg $0x60  }
0xae: {  	[dreg:$0x2] =	wrdreg s2  }
0xaf: {  	[dreg:$0x3] =	wrdreg s24  }
0xb0: {  	[dreg:$0x4] =	wrdreg $0x13D000  }
0xb1: {  	[dreg:$0x5] =	wrdreg $0x9  }
0xb2: {  	_ =	task.clear_ibuf [dreg:s7], $0x6FFFF;
	_ =	strace $0x90000049  }
0xb3: {  	s29 =	simm.s32 $0x9;
	_ =	strace $0x8000004B  }
0xb4: {  	_ =	swait.ge [sflag:s29], $0x1  }
0xb5: {  	[sflag:s29] =	ssyncadd.s32 $0xFFFFFFFF  }
0xb6: {  	_ =	strace $0x9000004B  }
0xb7: {  	_ =	sfence  }
0xb8: {  	s30 =	sld [smem:$0x0];
	_ =	sdelay $0x2  }
0xb9: {  	s31 =	sshll.u32 s1, $0xD;
	s1 =	sshrl.u32 s1, $0x2  }
0xba: {  	s3 =	sand.u32 $0x4000, s31;
	s1 =	sadd.s32 s1, s30  }
0xbb: {  	s0 =	sor.u32 s3, s0;
	s1 =	sshll.u32 s1, $0x11  }
0xbc: {  	s0 =	sor.u32 s1, s0  }
0xbd: {  	s0 =	sadd.s32 $0x8F2B, s0  }
0xbe: {  	[sflag:s0] =	ssyncadd.remote.s32 $0x1  }
0xbf: {  	_ =	sfence.sel $0xFFFF  }
0xc0: {  	[dreg:$0x0] =	wrdreg $0xFFFFFFFF;
	(pc) =	sbr.abs _section_cstart, $3  }
0xc1: {  	[dreg:$0x1] =	wrdreg $0xFFFFFFFF  }
0xc2: {  	_ =	task.clear_ibuf [dreg:s7], $0x2FFFF;
	_ =	strace $0x9FFFFFFF  }
0xc3: {  	(tm) =	ssettm $0x7FFFFFFF  }
tec
execute0_lowered:
.L_overlay_start_1:
0x0: {  	(tag) =	ssettag $0x1  }
0x1: {  	s0 =	rddreg [dreg:$0x0]  }
0x2: {  	s1 =	rddreg [dreg:$0x1]  }
0x3: {  	s8 =	stileid.u32;
	s2 =	rddreg [dreg:$0x2];
	s3 =	simm.s32 $0x0  }
0x4: {  	s5 =	srdreg.scid;
	s29 =	simm.s32 $0xBF40;
	s31 =	simm.s32 $0xDE80  }
0x5: {  	s30 =	simm.s32 $0x6;
	s28 =	simm.s32 $0x4;
	s4 =	smul.u32 $0x5000, s8  }
0x6: {  	[smem:$0x7FF] =	sst s3;
	s5 =	sand.u32 $0x1, s5;
	s11 =	smul.u32 $0xA000, s8  }
0x7: {  	s7 =	sadd.s32 $0x17400, s1;
	_ =	strace $0x8000004A;
	s15 =	smul.u32 $0xA0000, s5  }
0x8: {  	s6 =	ssub.s32 $0x2, s5;
	[dreg:$0x4] =	wrdreg s7;
	s5 =	smul.u32 $0x13880, s5  }
0x9: {  	s4 =	sshrl.u32 s4, $0x3;
	s17 =	sshrl.u32 s6, $0x1;
	s7 =	sadd.s32 s11, s2  }
0xa: {  	s19 =	sadd.s32 $0x2000, s11;
	s13 =	sadd.s32 $0x4000, s11;
	s14 =	sadd.s32 $0x6000, s11  }
0xb: {  	s16 =	sadd.s32 $0x8000, s11;
	s4 =	sadd.s32 s4, s1;
	s1 =	sadd.s32 $0x17800, s1  }
0xc: {  	s6 =	ssub.s32 s6, s17;
	s8 =	sadd.s32 s19, s2;
	s9 =	sadd.s32 s13, s2  }
0xd: {  	s10 =	sadd.s32 s14, s2;
	s12 =	sadd.s32 s11, s15;
	s11 =	sadd.s32 s16, s2  }
0xe: {  	s22 =	sadd.s32 s15, s13;
	s23 =	sadd.s32 s15, s14;
	s24 =	sadd.s32 s15, s16  }
0xf: {  	s18 =	sadd.s32 $0x3400, s4;
	s4 =	sadd.s32 $0xD400, s4;
	s17 =	sshrl.u32 s12, $0x3  }
0x10: {  	s12 =	sadd.s32 s0, s5;
	s26 =	sshrl.u32 s24, $0x3;
	[dreg:$0x5] =	wrdreg s18  }
0x11: {  	s24 =	simm.s32 $0x5;
	s5 =	simm.s32 $0x8;
	[dreg:$0x6] =	wrdreg s4  }
0x12: {  	s4 =	sadd.s32 s15, s19;
	s20 =	sadd.s32 s1, s17;
	s17 =	sadd.s32 s1, s26  }
0x13: {  	s18 =	smax.u32 s6, $0x1;
	s26 =	simm.s32 $0xA000;
	s6 =	simm.s32 $0x0  }
0x14: {  	[dreg:$0x7] =	wrdreg s20;
	s21 =	sshrl.u32 s4, $0x3;
	s4 =	sshrl.u32 s23, $0x3  }
0x15: {  	s20 =	simm.s32 $0x11D00;
	s23 =	simm.s32 $0x2;
	s0 =	sadd.s32 s1, s21  }
0x16: {  	s25 =	sadd.s32 s1, s4;
	s21 =	simm.s32 $0x9;
	[dreg:$0x8] =	wrdreg s0  }
0x17: {  	s4 =	simm.s32 $0x7;
	s0 =	sshrl.u32 s22, $0x3;
	[dreg:$0xa] =	wrdreg s25  }
0x18: {  	s22 =	simm.s32 $0x1;
	s25 =	simm.s32 $0x7D;
	s0 =	sadd.s32 s1, s0  }
0x19: {  	s1 =	simm.s32 $0x3;
	[dreg:$0x9] =	wrdreg s0;
	s0 =	simm.s32 $0xFDC0  }
.LBB2_1:
0x1a: {  	s13 =	rddreg [dreg:$0x5]  }
0x1b: {  	[tilespmem:s3], [sflag:$0x1] =	stream.linear.gather [hbm4b:s13+s3], $0x5000, $0x38;
	[tilespmem:$0x1DD00] =	vst v63  }
0x1c: {  	s16 =	rddreg [dreg:$0x6];
	s14 =	simm.s32 $0x5000  }
0x1d: {  	[tilespmem:s14], [sflag:$0x2] =	stream.linear.gather [hbm4b:s16+s3], $0x5000, $0x38;
	[tilespmem:$0x1DD00] =	vst v63  }
0x1e: {  	s19 =	rddreg [dreg:$0x4]  }
0x1f: {  	[tilespmem:s20], [sflag:$0x9] =	stream.linear.gather [hbm4b:s19+s3], $0x2000, $0x38;
	[tilespmem:$0x1DD00] =	vst v63  }
0x20: {  	_ =	swait.ge [sflag:s21], $0x2000  }
0x21: {  	[sflag:s21] =	ssyncset.done $0x0  }
0x22: {  	[sflag:s21] =	ssyncadd.s32 $0xFFFFE000  }
0x23: {  	[spmem:s7] =	stream.linear.scatter [tilespmem:s20], [sflag:$0x5], $0x2000, $0x38;
	[tilespmem:$0x1DD00] =	vst v63  }
0x24: {  	_ = 	snop  }
0x25: {  	[spmem:s8] =	stream.linear.scatter [tilespmem:s20], [sflag:$0x5], $0x2000, $0x38;
	[tilespmem:$0x1DD00] =	vst v63  }
0x26: {  	_ = 	snop  }
0x27: {  	[spmem:s9] =	stream.linear.scatter [tilespmem:s20], [sflag:$0x5], $0x2000, $0x38;
	[tilespmem:$0x1DD00] =	vst v63  }
0x28: {  	_ = 	snop  }
0x29: {  	[spmem:s10] =	stream.linear.scatter [tilespmem:s20], [sflag:$0x5], $0x2000, $0x38;
	[tilespmem:$0x1DD00] =	vst v63  }
0x2a: {  	_ = 	snop  }
0x2b: {  	[spmem:s11] =	stream.linear.scatter [tilespmem:s20], [sflag:$0x5], $0x2000, $0x38;
	[tilespmem:$0x1DD00] =	vst v63  }
0x2c: {  	_ =	swait.ge [sflag:s22], $0x5000  }
0x2d: {  	[sflag:s22] =	ssyncset.done $0x0  }
0x2e: {  	[sflag:s22] =	ssyncadd.s32 $0xFFFFB000  }
0x2f: {  	_ =	swait.ge [sflag:s23], $0x5000  }
0x30: {  	[sflag:s23] =	ssyncset.done $0x0  }
0x31: {  	[sflag:s23] =	ssyncadd.s32 $0xFFFFB000  }
0x32: {  	_ =	swait.ge [sflag:s24], $0x2000  }
0x33: {  	[sflag:s24] =	ssyncset.done $0x0  }
0x34: {  	[sflag:s24] =	ssyncadd.s32 $0xFFFFE000  }
0x35: {  	_ =	swait.ge [sflag:s24], $0x2000  }
0x36: {  	[sflag:s24] =	ssyncset.done $0x0  }
0x37: {  	[sflag:s24] =	ssyncadd.s32 $0xFFFFE000  }
0x38: {  	_ =	swait.ge [sflag:s24], $0x2000  }
0x39: {  	[sflag:s24] =	ssyncset.done $0x0  }
0x3a: {  	[sflag:s24] =	ssyncadd.s32 $0xFFFFE000  }
0x3b: {  	_ =	swait.ge [sflag:s24], $0x2000  }
0x3c: {  	[sflag:s24] =	ssyncset.done $0x0  }
0x3d: {  	[sflag:s24] =	ssyncadd.s32 $0xFFFFE000  }
0x3e: {  	_ =	swait.ge [sflag:s24], $0x2000  }
0x3f: {  	[sflag:s24] =	ssyncset.done $0x0  }
0x40: {  	[sflag:s24] =	ssyncadd.s32 $0xFFFFE000  }
0x41: {  	[bflag:$0x0] =	sbarrier.arrive $0xFFFF  }
0x42: {  	[tilespmem:s26], [sflag:$0x1] =	stream.indirect.gather [hbm4b:s12+s25], $0x40, s3, s25, $0xb8;
	[tilespmem:$0x1DD00] =	vst v63  }
0x43: {  	s15 =	simm.s32 $0x80  }
0x44: {  	[tilespmem:s29], [sflag:$0x2] =	stream.indirect.gather [hbm4b:s12+s25], $0x40, s15, s25, $0xb8;
	[tilespmem:$0x1DD00] =	vst v63  }
0x45: {  	s16 =	simm.s32 $0x100  }
0x46: {  	[tilespmem:s31], [sflag:$0x3] =	stream.indirect.gather [hbm4b:s12+s25], $0x40, s16, s25, $0xb8;
	[tilespmem:$0x1DD00] =	vst v63  }
0x47: {  	_ =	swait.ge [sflag:s22], $0x1F40  }
0x48: {  	[sflag:s22] =	ssyncset.done $0x0  }
0x49: {  	[sflag:s22] =	ssyncadd.s32 $0xFFFFE0C0  }
0x4a: {  	[spmem:s2] =	stream.indirect.scatter.add.f32 [tilespmem:s26], [sflag:$0x5], $0x40, s14, s25, $0xb8;
	[tilespmem:$0x1DD00] =	vst v63  }
0x4b: {  	s19 =	simm.s32 $0x180  }
0x4c: {  	[tilespmem:s0], [sflag:$0x4] =	stream.indirect.gather [hbm4b:s12+s25], $0x40, s19, s25, $0xb8;
	[tilespmem:$0x1DD00] =	vst v63  }
0x4d: {  	_ =	swait.ge [sflag:s23], $0x1F40  }
0x4e: {  	[sflag:s23] =	ssyncset.done $0x0  }
0x4f: {  	s14 =	simm.s32 $0x5080;
	[sflag:s23] =	ssyncadd.s32 $0xFFFFE0C0  }
0x50: {  	[spmem:s2] =	stream.indirect.scatter.add.f32 [tilespmem:s29], [sflag:$0x6], $0x40, s14, s25, $0xb8;
	[tilespmem:$0x1DD00] =	vst v63  }
0x51: {  	_ =	swait.ge [sflag:s24], $0x1F40  }
0x52: {  	[sflag:s24] =	ssyncset.done $0x0  }
0x53: {  	s15 =	simm.s32 $0x200;
	[sflag:s24] =	ssyncadd.s32 $0xFFFFE0C0  }
0x54: {  	[tilespmem:s26], [sflag:$0x1] =	stream.indirect.gather [hbm4b:s12+s25], $0x40, s15, s25, $0xb8;
	[tilespmem:$0x1DD00] =	vst v63  }
0x55: {  	_ =	swait.ge [sflag:s1], $0x1F40  }
0x56: {  	[sflag:s1] =	ssyncset.done $0x0  }
0x57: {  	s16 =	simm.s32 $0x5100;
	[sflag:s1] =	ssyncadd.s32 $0xFFFFE0C0  }
0x58: {  	[spmem:s2] =	stream.indirect.scatter.add.f32 [tilespmem:s31], [sflag:$0x7], $0x40, s16, s25, $0xb8;
	[tilespmem:$0x1DD00] =	vst v63  }
0x59: {  	_ =	swait.ge [sflag:s30], $0x1F40  }
0x5a: {  	[sflag:s30] =	ssyncset.done $0x0  }
0x5b: {  	s19 =	simm.s32 $0x280;
	[sflag:s30] =	ssyncadd.s32 $0xFFFFE0C0  }
0x5c: {  	[tilespmem:s29], [sflag:$0x2] =	stream.indirect.gather [hbm4b:s12+s25], $0x40, s19, s25, $0xb8;
	[tilespmem:$0x1DD00] =	vst v63  }
0x5d: {  	_ =	swait.ge [sflag:s28], $0x1F40  }
0x5e: {  	[sflag:s28] =	ssyncset.done $0x0  }
0x5f: {  	s14 =	simm.s32 $0x5180;
	[sflag:s28] =	ssyncadd.s32 $0xFFFFE0C0  }
0x60: {  	[spmem:s2] =	stream.indirect.scatter.add.f32 [tilespmem:s0], [sflag:$0x8], $0x40, s14, s25, $0xb8;
	[tilespmem:$0x1DD00] =	vst v63  }
0x61: {  	_ =	swait.ge [sflag:s4], $0x1F40  }
0x62: {  	[sflag:s4] =	ssyncset.done $0x0  }
0x63: {  	s15 =	simm.s32 $0x300;
	[sflag:s4] =	ssyncadd.s32 $0xFFFFE0C0  }
0x64: {  	[tilespmem:s31], [sflag:$0x3] =	stream.indirect.gather [hbm4b:s12+s25], $0x40, s15, s25, $0xb8;
	[tilespmem:$0x1DD00] =	vst v63  }
0x65: {  	_ =	swait.ge [sflag:s22], $0x1F40  }
0x66: {  	[sflag:s22] =	ssyncset.done $0x0  }
0x67: {  	s16 =	simm.s32 $0x5200;
	[sflag:s22] =	ssyncadd.s32 $0xFFFFE0C0  }
0x68: {  	[spmem:s2] =	stream.indirect.scatter.add.f32 [tilespmem:s26], [sflag:$0x5], $0x40, s16, s25, $0xb8;
	[tilespmem:$0x1DD00] =	vst v63  }
0x69: {  	_ =	swait.ge [sflag:s5], $0x1F40  }
0x6a: {  	[sflag:s5] =	ssyncset.done $0x0  }
0x6b: {  	s19 =	simm.s32 $0x380;
	[sflag:s5] =	ssyncadd.s32 $0xFFFFE0C0  }
0x6c: {  	[tilespmem:s0], [sflag:$0x4] =	stream.indirect.gather [hbm4b:s12+s25], $0x40, s19, s25, $0xb8;
	[tilespmem:$0x1DD00] =	vst v63  }
0x6d: {  	_ =	swait.ge [sflag:s23], $0x1F40  }
0x6e: {  	[sflag:s23] =	ssyncset.done $0x0  }
0x6f: {  	s14 =	simm.s32 $0x5280;
	[sflag:s23] =	ssyncadd.s32 $0xFFFFE0C0  }
0x70: {  	[spmem:s2] =	stream.indirect.scatter.add.f32 [tilespmem:s29], [sflag:$0x6], $0x40, s14, s25, $0xb8;
	[tilespmem:$0x1DD00] =	vst v63  }
0x71: {  	_ =	swait.ge [sflag:s24], $0x1F40  }
0x72: {  	[sflag:s24] =	ssyncset.done $0x0  }
0x73: {  	s15 =	simm.s32 $0x400;
	[sflag:s24] =	ssyncadd.s32 $0xFFFFE0C0  }
0x74: {  	[tilespmem:s26], [sflag:$0x1] =	stream.indirect.gather [hbm4b:s12+s25], $0x40, s15, s25, $0xb8;
	[tilespmem:$0x1DD00] =	vst v63  }
0x75: {  	_ =	swait.ge [sflag:s1], $0x1F40  }
0x76: {  	[sflag:s1] =	ssyncset.done $0x0  }
0x77: {  	s16 =	simm.s32 $0x5300;
	[sflag:s1] =	ssyncadd.s32 $0xFFFFE0C0  }
0x78: {  	[spmem:s2] =	stream.indirect.scatter.add.f32 [tilespmem:s31], [sflag:$0x7], $0x40, s16, s25, $0xb8;
	[tilespmem:$0x1DD00] =	vst v63  }
0x79: {  	_ =	swait.ge [sflag:s30], $0x1F40  }
0x7a: {  	[sflag:s30] =	ssyncset.done $0x0  }
0x7b: {  	s19 =	simm.s32 $0x480;
	[sflag:s30] =	ssyncadd.s32 $0xFFFFE0C0  }
0x7c: {  	[tilespmem:s29], [sflag:$0x2] =	stream.indirect.gather [hbm4b:s12+s25], $0x40, s19, s25, $0xb8;
	[tilespmem:$0x1DD00] =	vst v63  }
0x7d: {  	_ =	swait.ge [sflag:s28], $0x1F40  }
0x7e: {  	[sflag:s28] =	ssyncset.done $0x0  }
0x7f: {  	s13 =	simm.s32 $0x800;
	s14 =	simm.s32 $0x5380;
	[sflag:s28] =	ssyncadd.s32 $0xFFFFE0C0  }
.LBB2_2:
0x80: {  	[spmem:s2] =	stream.indirect.scatter.add.f32 [tilespmem:s0], [sflag:$0x8], $0x40, s14, s25, $0xb8;
	[tilespmem:$0x1DD00] =	vst v63  }
0x81: {  	s14 =	smov.u32 s13  }
0x82: {  	p0 =	sne.s32 s13, $0x12800;
	s13 =	sadd.s32 $0x800, s13;
	_ =	swait.ge [sflag:s4], $0x1F40  }
0x83: {  	s14 =	sshra.s32 s14, $0x2;
	[sflag:s4] =	ssyncset.done $0x0  }
0x84: {  	s15 =	sadd.s32 $0x300, s14;
	[sflag:s4] =	ssyncadd.s32 $0xFFFFE0C0  }
0x85: {  	[tilespmem:s31], [sflag:$0x3] =	stream.indirect.gather [hbm4b:s12+s25], $0x40, s15, s25, $0xb8;
	[tilespmem:$0x1DD00] =	vst v63  }
0x86: {  	_ =	swait.ge [sflag:s22], $0x1F40  }
0x87: {  	[sflag:s22] =	ssyncset.done $0x0  }
0x88: {  	s15 =	sadd.s32 $0x5200, s14;
	[sflag:s22] =	ssyncadd.s32 $0xFFFFE0C0  }
0x89: {  	[spmem:s2] =	stream.indirect.scatter.add.f32 [tilespmem:s26], [sflag:$0x5], $0x40, s15, s25, $0xb8;
	[tilespmem:$0x1DD00] =	vst v63  }
0x8a: {  	_ =	swait.ge [sflag:s5], $0x1F40  }
0x8b: {  	[sflag:s5] =	ssyncset.done $0x0  }
0x8c: {  	s15 =	sadd.s32 $0x380, s14;
	[sflag:s5] =	ssyncadd.s32 $0xFFFFE0C0  }
0x8d: {  	[tilespmem:s0], [sflag:$0x4] =	stream.indirect.gather [hbm4b:s12+s25], $0x40, s15, s25, $0xb8;
	[tilespmem:$0x1DD00] =	vst v63  }
0x8e: {  	_ =	swait.ge [sflag:s23], $0x1F40  }
0x8f: {  	[sflag:s23] =	ssyncset.done $0x0  }
0x90: {  	s15 =	sadd.s32 $0x5280, s14;
	[sflag:s23] =	ssyncadd.s32 $0xFFFFE0C0  }
0x91: {  	[spmem:s2] =	stream.indirect.scatter.add.f32 [tilespmem:s29], [sflag:$0x6], $0x40, s15, s25, $0xb8;
	[tilespmem:$0x1DD00] =	vst v63  }
0x92: {  	_ =	swait.ge [sflag:s24], $0x1F40  }
0x93: {  	[sflag:s24] =	ssyncset.done $0x0  }
0x94: {  	s15 =	sadd.s32 $0x400, s14;
	[sflag:s24] =	ssyncadd.s32 $0xFFFFE0C0  }
0x95: {  	[tilespmem:s26], [sflag:$0x1] =	stream.indirect.gather [hbm4b:s12+s25], $0x40, s15, s25, $0xb8;
	[tilespmem:$0x1DD00] =	vst v63  }
0x96: {  	_ =	swait.ge [sflag:s1], $0x1F40  }
0x97: {  	[sflag:s1] =	ssyncset.done $0x0  }
0x98: {  	s15 =	sadd.s32 $0x5300, s14;
	[sflag:s1] =	ssyncadd.s32 $0xFFFFE0C0  }
0x99: {  	[spmem:s2] =	stream.indirect.scatter.add.f32 [tilespmem:s31], [sflag:$0x7], $0x40, s15, s25, $0xb8;
	[tilespmem:$0x1DD00] =	vst v63  }
0x9a: {  	_ =	swait.ge [sflag:s30], $0x1F40  }
0x9b: {  	[sflag:s30] =	ssyncset.done $0x0  }
.Ltmp0:
0x9c: {  	s15 =	sadd.s32 $0x480, s14;
	[sflag:s30] =	ssyncadd.s32 $0xFFFFE0C0;
	(pc) =	sbr.rel @p0 .LBB2_2-.Ltmp0, $4  }
0x9d: {  	[tilespmem:s29], [sflag:$0x2] =	stream.indirect.gather [hbm4b:s12+s25], $0x40, s15, s25, $0xb8;
	[tilespmem:$0x1DD00] =	vst v63  }
0x9e: {  	_ =	swait.ge [sflag:s28], $0x1F40  }
0x9f: {  	[sflag:s28] =	ssyncset.done $0x0  }
0xa0: {  	s14 =	sadd.s32 $0x5380, s14;
	[sflag:s28] =	ssyncadd.s32 $0xFFFFE0C0  }
0xa1: {  	[spmem:s2] =	stream.indirect.scatter.add.f32 [tilespmem:s0], [sflag:$0x8], $0x40, s14, s25, $0xb8;
	[tilespmem:$0x1DD00] =	vst v63  }
0xa2: {  	_ =	swait.ge [sflag:s4], $0x1F40  }
0xa3: {  	[sflag:s4] =	ssyncset.done $0x0  }
0xa4: {  	s13 =	simm.s32 $0x4F00;
	[sflag:s4] =	ssyncadd.s32 $0xFFFFE0C0  }
0xa5: {  	[tilespmem:s31], [sflag:$0x3] =	stream.indirect.gather [hbm4b:s12+s25], $0x40, s13, s25, $0xb8;
	[tilespmem:$0x1DD00] =	vst v63  }
0xa6: {  	_ =	swait.ge [sflag:s22], $0x1F40  }
0xa7: {  	[sflag:s22] =	ssyncset.done $0x0  }
0xa8: {  	s15 =	simm.s32 $0x9E00;
	[sflag:s22] =	ssyncadd.s32 $0xFFFFE0C0  }
0xa9: {  	[spmem:s2] =	stream.indirect.scatter.add.f32 [tilespmem:s26], [sflag:$0x5], $0x40, s15, s25, $0xb8;
	[tilespmem:$0x1DD00] =	vst v63  }
0xaa: {  	_ =	swait.ge [sflag:s5], $0x1F40  }
0xab: {  	[sflag:s5] =	ssyncset.done $0x0  }
0xac: {  	s16 =	simm.s32 $0x4F80;
	[sflag:s5] =	ssyncadd.s32 $0xFFFFE0C0  }
0xad: {  	[tilespmem:s0], [sflag:$0x4] =	stream.indirect.gather [hbm4b:s12+s25], $0x40, s16, s25, $0xb8;
	[tilespmem:$0x1DD00] =	vst v63  }
0xae: {  	_ =	swait.ge [sflag:s23], $0x1F40  }
0xaf: {  	[sflag:s23] =	ssyncset.done $0x0  }
0xb0: {  	s19 =	simm.s32 $0x9E80;
	[sflag:s23] =	ssyncadd.s32 $0xFFFFE0C0  }
0xb1: {  	[spmem:s2] =	stream.indirect.scatter.add.f32 [tilespmem:s29], [sflag:$0x6], $0x40, s19, s25, $0xb8;
	[tilespmem:$0x1DD00] =	vst v63  }
0xb2: {  	_ =	swait.ge [sflag:s1], $0x1F40  }
0xb3: {  	[sflag:s1] =	ssyncset.done $0x0  }
0xb4: {  	s14 =	simm.s32 $0x9F00;
	[sflag:s1] =	ssyncadd.s32 $0xFFFFE0C0  }
0xb5: {  	[spmem:s2] =	stream.indirect.scatter.add.f32 [tilespmem:s31], [sflag:$0x7], $0x40, s14, s25, $0xb8;
	[tilespmem:$0x1DD00] =	vst v63  }
0xb6: {  	_ =	swait.ge [sflag:s28], $0x1F40  }
0xb7: {  	[sflag:s28] =	ssyncset.done $0x0  }
0xb8: {  	s15 =	simm.s32 $0x9F80;
	[sflag:s28] =	ssyncadd.s32 $0xFFFFE0C0  }
0xb9: {  	[spmem:s2] =	stream.indirect.scatter.add.f32 [tilespmem:s0], [sflag:$0x8], $0x40, s15, s25, $0xb8;
	[tilespmem:$0x1DD00] =	vst v63  }
0xba: {  	_ =	swait.ge [sflag:s24], $0x1F40  }
0xbb: {  	[sflag:s24] =	ssyncset.done $0x0  }
0xbc: {  	[sflag:s24] =	ssyncadd.s32 $0xFFFFE0C0  }
0xbd: {  	_ =	swait.ge [sflag:s30], $0x1F40  }
0xbe: {  	[sflag:s30] =	ssyncset.done $0x0  }
0xbf: {  	[sflag:s30] =	ssyncadd.s32 $0xFFFFE0C0  }
0xc0: {  	_ =	swait.ge [sflag:s4], $0x1F40  }
0xc1: {  	[sflag:s4] =	ssyncset.done $0x0  }
0xc2: {  	[sflag:s4] =	ssyncadd.s32 $0xFFFFE0C0  }
0xc3: {  	_ =	swait.ge [sflag:s5], $0x1F40  }
0xc4: {  	[sflag:s5] =	ssyncset.done $0x0  }
0xc5: {  	s16 =	stileid.u32;
	[sflag:s5] =	ssyncadd.s32 $0xFFFFE0C0  }
0xc6: {  	s13 =	sshll.u32 s16, $0x6;
	[bflag:$0x0] =	sbarrier.arrive $0xFFFF  }
0xc7: {  	s14 =	sor.u32 $0x1C01, s13;
	s15 =	sshrl.u32 s7, $0x3;
	s19 =	rddreg [dreg:$0x7]  }
0xc8: {  	[hbm:s19], [sflag:s14] =	dma.local [spmem:s15], $0x400  }
0xc9: {  	s15 =	sor.u32 $0x1C02, s13;
	s19 =	sshrl.u32 s8, $0x3;
	s16 =	rddreg [dreg:$0x8]  }
0xca: {  	[hbm:s16], [sflag:s15] =	dma.local [spmem:s19], $0x400  }
0xcb: {  	s15 =	sor.u32 $0x1C03, s13;
	s19 =	sshrl.u32 s9, $0x3;
	s16 =	rddreg [dreg:$0x9]  }
0xcc: {  	[hbm:s16], [sflag:s15] =	dma.local [spmem:s19], $0x400  }
0xcd: {  	s13 =	sor.u32 $0x1C04, s13;
	s19 =	sshrl.u32 s10, $0x3;
	s16 =	rddreg [dreg:$0xa]  }
0xce: {  	[hbm:s16], [sflag:s13] =	dma.local [spmem:s19], $0x400  }
0xcf: {  	s19 =	sshrl.u32 s11, $0x3  }
0xd0: {  	[hbm:s17], [sflag:s14] =	dma.local [spmem:s19], $0x400  }
0xd1: {  	_ =	swait.ge [sflag:s22], $0x400  }
0xd2: {  	[sflag:s22] =	ssyncset.done $0x0  }
0xd3: {  	[sflag:s22] =	ssyncadd.s32 $0xFFFFFC00  }
0xd4: {  	_ =	swait.ge [sflag:s23], $0x400  }
0xd5: {  	[sflag:s23] =	ssyncset.done $0x0  }
0xd6: {  	[sflag:s23] =	ssyncadd.s32 $0xFFFFFC00  }
0xd7: {  	_ =	swait.ge [sflag:s1], $0x400  }
0xd8: {  	[sflag:s1] =	ssyncset.done $0x0  }
0xd9: {  	s6 =	sadd.s32 $0x1, s6;
	[sflag:s1] =	ssyncadd.s32 $0xFFFFFC00  }
0xda: {  	p0 =	sne.s32 s6, s18;
	_ =	swait.ge [sflag:s28], $0x400  }
.Ltmp1:
0xdb: {  	[sflag:s28] =	ssyncset.done $0x0;
	(pc) =	sbr.rel @p0 .LBB2_1-.Ltmp1, $4  }
0xdc: {  	[sflag:s28] =	ssyncadd.s32 $0xFFFFFC00  }
0xdd: {  	_ =	swait.ge [sflag:s22], $0x400  }
0xde: {  	[sflag:s22] =	ssyncset.done $0x0  }
0xdf: {  	[sflag:s22] =	ssyncadd.s32 $0xFFFFFC00  }
0xe0: {  	_ =	sfence.sel $0x180000  }
0xe1: {  	[bflag:$0x0] =	sbarrier.arrive $0xFFFF  }
0xe2: {  	_ =	strace $0x9000004A  }
0xe3: {  	s0 =	stileid.u32;
	[bflag:$0x2] =	sbarrier.arrive $0xFFFF  }
0xe4: {  	p0 =	sne.s32 s0, $0x0;
	s0 =	rddreg [dreg:$0x3]  }
0xe5: {  	s0 =	sadd.s32 @!p0 $0x100000, s0  }
0xe6: {  	[sflag:s0] =	ssyncadd.tile.s32 @!p0 $0x1;
	_ =	shalt  }
.Lfunc_end2:
_tile_overlayer_lowered:
.L_overlay_start_2:
0xe7: {  	(tag) =	ssettag $0x2  }
0xe8: {  	s0 =	rddreg [dreg:$0x0];
	s2 =	stileid.u32  }
0xe9: {  	s1 =	rddreg [dreg:$0x1];
	p0 =	sne.s32 s2, $0x0  }
0xea: {  	s3 =	rddreg [dreg:$0x2];
	[bflag:$0x3] =	sbarrier.arrive $0xFFFF;
	s2 =	simm.s32 @!p0 $0x1C09  }
0xeb: {  	[timem:s3], [sflag:s2] =	dma.local @!p0 [hbm:s0], s1  }
0xec: {  	s0 =	simm.s32 @!p0 $0x9  }
0xed: {  	_ =	swait.ge @!p0 [sflag:s0], s1  }
0xee: {  	s1 =	ssub.s32 @!p0 $0x0, s1;
	[sflag:s0] =	ssyncset.done @!p0 $0x0  }
0xef: {  	[sflag:s0] =	ssyncadd.s32 @!p0 s1  }
0xf0: {  	[bflag:$0x3] =	sbarrier.arrive $0xFFFF  }
0xf1: {  	_ =	shalt  }

// kernel: kernel.19.cloned.1.call-start
scs
__scs_entry_jumppad:
0x0: {  	(pc) =	sbr.rel $0x88, $3  }
0x1: {  	(tag) =	ssettag $0x0;
	lr =	simm.s32 $0x1  }
0x2: {  	[smem:$0x3F96] =	sst lr;
	_ =	strace $0xD0000000  }
0x3: {  	_ = 	snop  }
0x4: {  	_ = 	snop  }
0x5: {  	_ = 	snop  }
0x6: {  	_ = 	snop  }
0x7: {  	_ = 	snop  }
__scs_overlays_trampoline_lowered:
0x8: {  	[smem:$0x3FA5] =	sst s0  }
0x9: {  	[smem:$0x3FA6] =	sst s1  }
0xa: {  	[smem:$0x3FA7] =	sst s2  }
0xb: {  	[smem:$0x3FA8] =	sst s3  }
0xc: {  	[smem:$0x3FA9] =	sst s4  }
0xd: {  	[smem:$0x3FAA] =	sst s5  }
0xe: {  	[smem:$0x3FAB] =	sst s6  }
0xf: {  	[smem:$0x3FAC] =	sst s7  }
0x10: {  	[smem:$0x3FAD] =	sst s8  }
0x11: {  	[smem:$0x3FAE] =	sst s9;
	s0 =	simm.s32 @!p0 $0x0  }
0x12: {  	s1 =	sld [smem:$0x3F94];
	s0 =	simm.s32 @p0 $0x1  }
0x13: {  	[smem:$0x3FAF] =	sst s0;
	s0 =	simm.s32 @!p1 $0x0  }
0x14: {  	s2 =	sld [smem:$0x3F93];
	s0 =	simm.s32 @p1 $0x1  }
0x15: {  	[smem:$0x3FB0] =	sst s0;
	s0 =	simm.s32 @!p2 $0x0  }
0x16: {  	s3 =	sld [smem:$0x3FDB];
	s0 =	simm.s32 @p2 $0x1  }
0x17: {  	s4 =	simm.s32 $0x1BF5;
	[smem:$0x3FB2] =	sst s0  }
0x18: {  	s0 =	sld [smem:$0x3F95];
	_ =	swait.ge [sflag:s4], $0x0  }
0x19: {  	s7 =	sld [smem:$0x3F96]  }
0x1a: {  	s8 =	sadd.s32 $0xFFFFE003, lr  }
0x1b: {  	s9 =	sadd.s32 $0xFFFFFEF7, lr;
	s5 =	simm.s32 $0xFFFFFFFF;
	p2 =	slt.u32 s8, $0xFFFFF086  }
0x1c: {  	p1 =	slt.u32 s9, $0xF7A;
	s5 =	simm.s32 @!p2 $0x0  }
0x1d: {  	s5 =	simm.s32 @p1 $0x1;
	p0 =	seq.s32 s7, s2  }
0x1e: {  	s7 =	smul.u32 @!p0 $0xF7A, s2;
	p2 =	seq.s32 @!p0 s5, $0x0  }
0x1f: {  	s9 =	smul.u32 $0xF7A, s1;
	s8 =	simm.s32 @!p0 $0x1BF5;
	p2 =	por !p2, p0  }
0x20: {  	[sflag:s8] =	ssyncset.s32 @!p0 $0xFFFFF086;
	s6 =	sadd.s32 @!p0 s3, s7;
	s7 =	simm.s32 @!p0 $0x108  }
0x21: {  	s3 =	sadd.s32 s3, s9;
	s6 =	sadd.s32 @!p0 $0x88, s6;
	s7 =	simm.s32 @p2 $0x1082  }
0x22: {  	[simem:s7], [sflag:s8] =	dma.local @!p0 [hbm:s6], $0xF7A  }
0x23: {  	s9 =	sor.u32 $0xD0000000, s2;
	s6 =	simm.s32 $0x108;
	_ =	swait.ge @!p0 [sflag:s8], $0x0  }
0x24: {  	s3 =	sadd.s32 $0x88, s3;
	s6 =	simm.s32 @!p1 $0x1082;
	[sflag:s4] =	ssyncset.s32 $0xFFFFF086  }
0x25: {  	[simem:s6], [sflag:s4] =	dma.local [hbm:s3], $0xF7A  }
0x26: {  	[smem:$0x3F96] =	sst s1;
	(tag) =	ssettag s2;
	_ =	strace s9  }
0x27: {  	s1 =	sld [smem:$0x3FA6]  }
0x28: {  	s2 =	sld [smem:$0x3FA7]  }
0x29: {  	s4 =	sld [smem:$0x3FA9]  }
0x2a: {  	p0 =	seq.s32 s5, $0x0;
	s5 =	sld [smem:$0x3FAA]  }
0x2b: {  	s6 =	sld [smem:$0x3FAB]  }
0x2c: {  	s7 =	sld [smem:$0x3FAC]  }
0x2d: {  	s3 =	simm.s32 $0x108;
	s8 =	sld [smem:$0x3FAD]  }
0x2e: {  	s3 =	simm.s32 @!p0 $0x1082;
	s9 =	sld [smem:$0x3FAE]  }
0x2f: {  	lr =	sadd.s32 s0, s3;
	s0 =	sld [smem:$0x3FA5]  }
0x30: {  	s3 =	sld [smem:$0x3FA8]  }
0x31: {  	[smem:$0x3FB1] =	sst s10  }
0x32: {  	s10 =	sld [smem:$0x3FAF];
	_ =	sdelay $0x3  }
0x33: {  	p0 =	seq.s32 s10, $0x1;
	s10 =	sld [smem:$0x3FB1];
	_ =	sdelay $0x3  }
0x34: {  	[smem:$0x3FB1] =	sst s10  }
0x35: {  	s10 =	sld [smem:$0x3FB0];
	_ =	sdelay $0x3  }
0x36: {  	p1 =	seq.s32 s10, $0x1;
	s10 =	sld [smem:$0x3FB1];
	_ =	sdelay $0x3  }
0x37: {  	[smem:$0x3FB1] =	sst s10  }
0x38: {  	s10 =	sld [smem:$0x3FB2]  }
0x39: {  	_ = 	snop;
	(pc) =	sbr.ind lr, $3  }
0x3a: {  	_ = 	snop  }
0x3b: {  	_ = 	snop  }
0x3c: {  	p2 =	seq.s32 s10, $0x1;
	s10 =	sld [smem:$0x3FB1]  }
0x3d: {  	_ =	shalt  }
0x3e: {  	_ =	shalt  }
0x3f: {  	_ =	shalt  }
0x40: {  	_ =	shalt  }
0x41: {  	_ =	shalt  }
0x42: {  	_ =	shalt  }
0x43: {  	_ =	shalt  }
0x44: {  	_ =	shalt  }
0x45: {  	_ =	shalt  }
0x46: {  	_ =	shalt  }
0x47: {  	_ =	shalt  }
0x48: {  	_ =	shalt  }
0x49: {  	_ =	shalt  }
0x4a: {  	_ =	shalt  }
0x4b: {  	_ =	shalt  }
0x4c: {  	_ =	shalt  }
0x4d: {  	_ =	shalt  }
0x4e: {  	_ =	shalt  }
0x4f: {  	_ =	shalt  }
0x50: {  	_ =	shalt  }
0x51: {  	_ =	shalt  }
0x52: {  	_ =	shalt  }
0x53: {  	_ =	shalt  }
0x54: {  	_ =	shalt  }
0x55: {  	_ =	shalt  }
0x56: {  	_ =	shalt  }
0x57: {  	_ =	shalt  }
0x58: {  	_ =	shalt  }
0x59: {  	_ =	shalt  }
0x5a: {  	_ =	shalt  }
0x5b: {  	_ =	shalt  }
0x5c: {  	_ =	shalt  }
0x5d: {  	_ =	shalt  }
0x5e: {  	_ =	shalt  }
0x5f: {  	_ =	shalt  }
0x60: {  	_ =	shalt  }
0x61: {  	_ =	shalt  }
0x62: {  	_ =	shalt  }
0x63: {  	_ =	shalt  }
0x64: {  	_ =	shalt  }
0x65: {  	_ =	shalt  }
0x66: {  	_ =	shalt  }
0x67: {  	_ =	shalt  }
0x68: {  	_ =	shalt  }
0x69: {  	_ =	shalt  }
0x6a: {  	_ =	shalt  }
0x6b: {  	_ =	shalt  }
0x6c: {  	_ =	shalt  }
0x6d: {  	_ =	shalt  }
0x6e: {  	_ =	shalt  }
0x6f: {  	_ =	shalt  }
0x70: {  	_ =	shalt  }
0x71: {  	_ =	shalt  }
0x72: {  	_ =	shalt  }
0x73: {  	_ =	shalt  }
0x74: {  	_ =	shalt  }
0x75: {  	_ =	shalt  }
0x76: {  	_ =	shalt  }
0x77: {  	_ =	shalt  }
0x78: {  	_ =	shalt  }
0x79: {  	_ =	shalt  }
0x7a: {  	_ =	shalt  }
0x7b: {  	_ =	shalt  }
0x7c: {  	_ =	shalt  }
0x7d: {  	_ =	shalt  }
0x7e: {  	_ =	shalt  }
0x7f: {  	_ =	shalt  }
0x80: {  	_ =	shalt  }
0x81: {  	_ =	shalt  }
0x82: {  	_ =	shalt  }
0x83: {  	_ =	shalt  }
0x84: {  	_ =	shalt  }
0x85: {  	_ =	shalt  }
0x86: {  	_ =	shalt  }
0x87: {  	_ =	shalt  }
.Lfunc_end0:
.L_simem_size_0:
called_computation.2_lowered:
.L_overlay_start_0:
0x88: {  	s2 =	sld [smem:$0x3FD9]  }
0x89: {  	s3 =	sld [smem:$0x3FFE];
	_ =	sdelay $0x1  }
0x8a: {  	s1 =	srdreg.scid  }
0x8b: {  	s0 =	sand.u32 $0x1, s1  }
0x8c: {  	s17 =	sshll.u32 s0, $0xA;
	s2 =	sadd.s32 s3, s2  }
0x8d: {  	s2 =	sadd.s32 s2, s17  }
0x8e: {  	[smem:$0x3FBD] =	sst s2  }
0x8f: {  	_ = 	snop  }
0x90: {  	s2 =	sld [smem:$0x3FD0];
	(tm) =	ssettm $0x1  }
0x91: {  	s18 =	sld [smem:$0x3FFB];
	_ =	sdelay $0x3  }
0x92: {  	_ =	strace s18  }
0x93: {  	s3 =	sld [smem:$0x3FFC];
	_ =	sdelay $0x3  }
0x94: {  	_ =	strace s3  }
0x95: {  	s3 =	sld [smem:$0x3FFD];
	_ =	sdelay $0x3  }
0x96: {  	_ =	strace s3  }
0x97: {  	_ =	strace $0x8FFFFFFF  }
0x98: {  	s19 =	sld [smem:$0x3FDB];
	_ =	sdelay $0x1  }
0x99: {  	s4 =	simm.s32 $_scs_section_size  }
0x9a: {  	s5 =	simm.s32 $_size__tile_overlayer_lowered;
	s6 =	simm.s32 $_tile_overlayer_lowered  }
0x9b: {  	s22 =	simm.s32 $0x1BFF;
	s21 =	sshll.u32 s6, $0x1;
	s3 =	sadd.s32 s4, s19  }
0x9c: {  	s7 =	simm.s32 $0x0;
	s20 =	sshll.u32 s5, $0x1;
	s5 =	sadd.s32 s21, s3  }
0x9d: {  	[timem:s7], [sflag:s22] =	dma.local [hbm:s5], s20  }
0x9e: {  	_ =	swait.ge [sflag:s22], s20  }
0x9f: {  	s4 =	ssub.s32 $0x0, s20;
	[sflag:s22] =	ssyncset.done $0x0  }
0xa0: {  	[sflag:s22] =	ssyncadd.s32 s4;
	_ =	sdelay $0x1  }
0xa1: {  	s23 =	simm.s32 $0x1B8B  }
0xa2: {  	_ =	swait.ge [sflag:s23], $0x1  }
0xa3: {  	[sflag:s23] =	ssyncset.done $0x0  }
0xa4: {  	s25 =	simm.s32 $0x1B8E;
	s24 =	sld [smem:$0x3FFE];
	[sflag:s23] =	ssyncadd.s32 $0xFFFFFFFF  }
0xa5: {  	s26 =	simm.s32 $execute0_lowered;
	[smem:$0x3FD2] =	sst s25  }
0xa6: {  	s5 =	sshll.u32 s26, $0x1;
	_ =	strace $0x8000004C;
	[dreg:$0x1] =	wrdreg $0xFFFFFFFF  }
0xa7: {  	s28 =	simm.s32 $_size_execute0_lowered;
	s3 =	sadd.s32 s3, s5;
	[dreg:$0x0] =	wrdreg $0x0  }
0xa8: {  	s5 =	sshll.u32 s28, $0x1;
	[dreg:$0x2] =	wrdreg s3  }
0xa9: {  	[dreg:$0x3] =	wrdreg s5  }
0xaa: {  	[dreg:$0x4] =	wrdreg $0xC0  }
0xab: {  	_ =	task [dreg:s7], $0x5FFFF  }
0xac: {  	[dreg:$0x1] =	wrdreg $0xFFFFFFFF  }
0xad: {  	[dreg:$0x0] =	wrdreg $0x60  }
0xae: {  	[dreg:$0x2] =	wrdreg s2  }
0xaf: {  	[dreg:$0x3] =	wrdreg s24  }
0xb0: {  	[dreg:$0x4] =	wrdreg $0x13D000  }
0xb1: {  	[dreg:$0x5] =	wrdreg $0x9  }
0xb2: {  	_ =	task.clear_ibuf [dreg:s7], $0x6FFFF;
	_ =	strace $0x9000004C  }
0xb3: {  	s29 =	simm.s32 $0x9;
	_ =	strace $0x8000004E  }
0xb4: {  	_ =	swait.ge [sflag:s29], $0x1  }
0xb5: {  	[sflag:s29] =	ssyncadd.s32 $0xFFFFFFFF  }
0xb6: {  	_ =	strace $0x9000004E  }
0xb7: {  	_ =	sfence  }
0xb8: {  	s30 =	sld [smem:$0x0];
	_ =	sdelay $0x2  }
0xb9: {  	s31 =	sshll.u32 s1, $0xD;
	s1 =	sshrl.u32 s1, $0x2  }
0xba: {  	s3 =	sand.u32 $0x4000, s31;
	s1 =	sadd.s32 s1, s30  }
0xbb: {  	s0 =	sor.u32 s3, s0;
	s1 =	sshll.u32 s1, $0x11  }
0xbc: {  	s0 =	sor.u32 s1, s0  }
0xbd: {  	s0 =	sadd.s32 $0x8F2B, s0  }
0xbe: {  	[sflag:s0] =	ssyncadd.remote.s32 $0x1  }
0xbf: {  	_ =	sfence.sel $0xFFFF  }
0xc0: {  	[dreg:$0x0] =	wrdreg $0xFFFFFFFF;
	(pc) =	sbr.abs _section_cstart, $3  }
0xc1: {  	[dreg:$0x1] =	wrdreg $0xFFFFFFFF  }
0xc2: {  	_ =	task.clear_ibuf [dreg:s7], $0x2FFFF;
	_ =	strace $0x9FFFFFFF  }
0xc3: {  	(tm) =	ssettm $0x7FFFFFFF  }
tec
execute0_lowered:
.L_overlay_start_1:
0x0: {  	(tag) =	ssettag $0x1  }
0x1: {  	s0 =	rddreg [dreg:$0x0]  }
0x2: {  	s1 =	rddreg [dreg:$0x1]  }
0x3: {  	s8 =	stileid.u32;
	s2 =	rddreg [dreg:$0x2];
	s3 =	simm.s32 $0x0  }
0x4: {  	s5 =	srdreg.scid;
	s29 =	simm.s32 $0xBF40;
	s31 =	simm.s32 $0xDE80  }
0x5: {  	s30 =	simm.s32 $0x6;
	s28 =	simm.s32 $0x4;
	s4 =	smul.u32 $0x5000, s8  }
0x6: {  	[smem:$0x7FF] =	sst s3;
	s5 =	sand.u32 $0x1, s5;
	s11 =	smul.u32 $0xA000, s8  }
0x7: {  	s7 =	sadd.s32 $0x17400, s1;
	_ =	strace $0x8000004D;
	s15 =	smul.u32 $0xA0000, s5  }
0x8: {  	s6 =	ssub.s32 $0x2, s5;
	[dreg:$0x4] =	wrdreg s7;
	s5 =	smul.u32 $0x13880, s5  }
0x9: {  	s4 =	sshrl.u32 s4, $0x3;
	s17 =	sshrl.u32 s6, $0x1;
	s7 =	sadd.s32 s11, s2  }
0xa: {  	s19 =	sadd.s32 $0x2000, s11;
	s13 =	sadd.s32 $0x4000, s11;
	s14 =	sadd.s32 $0x6000, s11  }
0xb: {  	s16 =	sadd.s32 $0x8000, s11;
	s4 =	sadd.s32 s4, s1;
	s1 =	sadd.s32 $0x17800, s1  }
0xc: {  	s6 =	ssub.s32 s6, s17;
	s8 =	sadd.s32 s19, s2;
	s9 =	sadd.s32 s13, s2  }
0xd: {  	s10 =	sadd.s32 s14, s2;
	s12 =	sadd.s32 s11, s15;
	s11 =	sadd.s32 s16, s2  }
0xe: {  	s22 =	sadd.s32 s15, s13;
	s23 =	sadd.s32 s15, s14;
	s24 =	sadd.s32 s15, s16  }
0xf: {  	s18 =	sadd.s32 $0x3400, s4;
	s4 =	sadd.s32 $0xD400, s4;
	s17 =	sshrl.u32 s12, $0x3  }
0x10: {  	s12 =	sadd.s32 s0, s5;
	s26 =	sshrl.u32 s24, $0x3;
	[dreg:$0x5] =	wrdreg s18  }
0x11: {  	s24 =	simm.s32 $0x5;
	s5 =	simm.s32 $0x8;
	[dreg:$0x6] =	wrdreg s4  }
0x12: {  	s4 =	sadd.s32 s15, s19;
	s20 =	sadd.s32 s1, s17;
	s17 =	sadd.s32 s1, s26  }
0x13: {  	s18 =	smax.u32 s6, $0x1;
	s26 =	simm.s32 $0xA000;
	s6 =	simm.s32 $0x0  }
0x14: {  	[dreg:$0x7] =	wrdreg s20;
	s21 =	sshrl.u32 s4, $0x3;
	s4 =	sshrl.u32 s23, $0x3  }
0x15: {  	s20 =	simm.s32 $0x11D00;
	s23 =	simm.s32 $0x2;
	s0 =	sadd.s32 s1, s21  }
0x16: {  	s25 =	sadd.s32 s1, s4;
	s21 =	simm.s32 $0x9;
	[dreg:$0x8] =	wrdreg s0  }
0x17: {  	s4 =	simm.s32 $0x7;
	s0 =	sshrl.u32 s22, $0x3;
	[dreg:$0xa] =	wrdreg s25  }
0x18: {  	s22 =	simm.s32 $0x1;
	s25 =	simm.s32 $0x7D;
	s0 =	sadd.s32 s1, s0  }
0x19: {  	s1 =	simm.s32 $0x3;
	[dreg:$0x9] =	wrdreg s0;
	s0 =	simm.s32 $0xFDC0  }
.LBB2_1:
0x1a: {  	s13 =	rddreg [dreg:$0x5]  }
0x1b: {  	[tilespmem:s3], [sflag:$0x1] =	stream.linear.gather [hbm4b:s13+s3], $0x5000, $0x38;
	[tilespmem:$0x1DD00] =	vst v63  }
0x1c: {  	s16 =	rddreg [dreg:$0x6];
	s14 =	simm.s32 $0x5000  }
0x1d: {  	[tilespmem:s14], [sflag:$0x2] =	stream.linear.gather [hbm4b:s16+s3], $0x5000, $0x38;
	[tilespmem:$0x1DD00] =	vst v63  }
0x1e: {  	s19 =	rddreg [dreg:$0x4]  }
0x1f: {  	[tilespmem:s20], [sflag:$0x9] =	stream.linear.gather [hbm4b:s19+s3], $0x2000, $0x38;
	[tilespmem:$0x1DD00] =	vst v63  }
0x20: {  	_ =	swait.ge [sflag:s21], $0x2000  }
0x21: {  	[sflag:s21] =	ssyncset.done $0x0  }
0x22: {  	[sflag:s21] =	ssyncadd.s32 $0xFFFFE000  }
0x23: {  	[spmem:s7] =	stream.linear.scatter [tilespmem:s20], [sflag:$0x5], $0x2000, $0x38;
	[tilespmem:$0x1DD00] =	vst v63  }
0x24: {  	_ = 	snop  }
0x25: {  	[spmem:s8] =	stream.linear.scatter [tilespmem:s20], [sflag:$0x5], $0x2000, $0x38;
	[tilespmem:$0x1DD00] =	vst v63  }
0x26: {  	_ = 	snop  }
0x27: {  	[spmem:s9] =	stream.linear.scatter [tilespmem:s20], [sflag:$0x5], $0x2000, $0x38;
	[tilespmem:$0x1DD00] =	vst v63  }
0x28: {  	_ = 	snop  }
0x29: {  	[spmem:s10] =	stream.linear.scatter [tilespmem:s20], [sflag:$0x5], $0x2000, $0x38;
	[tilespmem:$0x1DD00] =	vst v63  }
0x2a: {  	_ = 	snop  }
0x2b: {  	[spmem:s11] =	stream.linear.scatter [tilespmem:s20], [sflag:$0x5], $0x2000, $0x38;
	[tilespmem:$0x1DD00] =	vst v63  }
0x2c: {  	_ =	swait.ge [sflag:s22], $0x5000  }
0x2d: {  	[sflag:s22] =	ssyncset.done $0x0  }
0x2e: {  	[sflag:s22] =	ssyncadd.s32 $0xFFFFB000  }
0x2f: {  	_ =	swait.ge [sflag:s23], $0x5000  }
0x30: {  	[sflag:s23] =	ssyncset.done $0x0  }
0x31: {  	[sflag:s23] =	ssyncadd.s32 $0xFFFFB000  }
0x32: {  	_ =	swait.ge [sflag:s24], $0x2000  }
0x33: {  	[sflag:s24] =	ssyncset.done $0x0  }
0x34: {  	[sflag:s24] =	ssyncadd.s32 $0xFFFFE000  }
0x35: {  	_ =	swait.ge [sflag:s24], $0x2000  }
0x36: {  	[sflag:s24] =	ssyncset.done $0x0  }
0x37: {  	[sflag:s24] =	ssyncadd.s32 $0xFFFFE000  }
0x38: {  	_ =	swait.ge [sflag:s24], $0x2000  }
0x39: {  	[sflag:s24] =	ssyncset.done $0x0  }
0x3a: {  	[sflag:s24] =	ssyncadd.s32 $0xFFFFE000  }
0x3b: {  	_ =	swait.ge [sflag:s24], $0x2000  }
0x3c: {  	[sflag:s24] =	ssyncset.done $0x0  }
0x3d: {  	[sflag:s24] =	ssyncadd.s32 $0xFFFFE000  }
0x3e: {  	_ =	swait.ge [sflag:s24], $0x2000  }
0x3f: {  	[sflag:s24] =	ssyncset.done $0x0  }
0x40: {  	[sflag:s24] =	ssyncadd.s32 $0xFFFFE000  }
0x41: {  	[bflag:$0x0] =	sbarrier.arrive $0xFFFF  }
0x42: {  	[tilespmem:s26], [sflag:$0x1] =	stream.indirect.gather [hbm4b:s12+s25], $0x40, s3, s25, $0xb8;
	[tilespmem:$0x1DD00] =	vst v63  }
0x43: {  	s15 =	simm.s32 $0x80  }
0x44: {  	[tilespmem:s29], [sflag:$0x2] =	stream.indirect.gather [hbm4b:s12+s25], $0x40, s15, s25, $0xb8;
	[tilespmem:$0x1DD00] =	vst v63  }
0x45: {  	s16 =	simm.s32 $0x100  }
0x46: {  	[tilespmem:s31], [sflag:$0x3] =	stream.indirect.gather [hbm4b:s12+s25], $0x40, s16, s25, $0xb8;
	[tilespmem:$0x1DD00] =	vst v63  }
0x47: {  	_ =	swait.ge [sflag:s22], $0x1F40  }
0x48: {  	[sflag:s22] =	ssyncset.done $0x0  }
0x49: {  	[sflag:s22] =	ssyncadd.s32 $0xFFFFE0C0  }
0x4a: {  	[spmem:s2] =	stream.indirect.scatter.add.f32 [tilespmem:s26], [sflag:$0x5], $0x40, s14, s25, $0xb8;
	[tilespmem:$0x1DD00] =	vst v63  }
0x4b: {  	s19 =	simm.s32 $0x180  }
0x4c: {  	[tilespmem:s0], [sflag:$0x4] =	stream.indirect.gather [hbm4b:s12+s25], $0x40, s19, s25, $0xb8;
	[tilespmem:$0x1DD00] =	vst v63  }
0x4d: {  	_ =	swait.ge [sflag:s23], $0x1F40  }
0x4e: {  	[sflag:s23] =	ssyncset.done $0x0  }
0x4f: {  	s14 =	simm.s32 $0x5080;
	[sflag:s23] =	ssyncadd.s32 $0xFFFFE0C0  }
0x50: {  	[spmem:s2] =	stream.indirect.scatter.add.f32 [tilespmem:s29], [sflag:$0x6], $0x40, s14, s25, $0xb8;
	[tilespmem:$0x1DD00] =	vst v63  }
0x51: {  	_ =	swait.ge [sflag:s24], $0x1F40  }
0x52: {  	[sflag:s24] =	ssyncset.done $0x0  }
0x53: {  	s15 =	simm.s32 $0x200;
	[sflag:s24] =	ssyncadd.s32 $0xFFFFE0C0  }
0x54: {  	[tilespmem:s26], [sflag:$0x1] =	stream.indirect.gather [hbm4b:s12+s25], $0x40, s15, s25, $0xb8;
	[tilespmem:$0x1DD00] =	vst v63  }
0x55: {  	_ =	swait.ge [sflag:s1], $0x1F40  }
0x56: {  	[sflag:s1] =	ssyncset.done $0x0  }
0x57: {  	s16 =	simm.s32 $0x5100;
	[sflag:s1] =	ssyncadd.s32 $0xFFFFE0C0  }
0x58: {  	[spmem:s2] =	stream.indirect.scatter.add.f32 [tilespmem:s31], [sflag:$0x7], $0x40, s16, s25, $0xb8;
	[tilespmem:$0x1DD00] =	vst v63  }
0x59: {  	_ =	swait.ge [sflag:s30], $0x1F40  }
0x5a: {  	[sflag:s30] =	ssyncset.done $0x0  }
0x5b: {  	s19 =	simm.s32 $0x280;
	[sflag:s30] =	ssyncadd.s32 $0xFFFFE0C0  }
0x5c: {  	[tilespmem:s29], [sflag:$0x2] =	stream.indirect.gather [hbm4b:s12+s25], $0x40, s19, s25, $0xb8;
	[tilespmem:$0x1DD00] =	vst v63  }
0x5d: {  	_ =	swait.ge [sflag:s28], $0x1F40  }
0x5e: {  	[sflag:s28] =	ssyncset.done $0x0  }
0x5f: {  	s14 =	simm.s32 $0x5180;
	[sflag:s28] =	ssyncadd.s32 $0xFFFFE0C0  }
0x60: {  	[spmem:s2] =	stream.indirect.scatter.add.f32 [tilespmem:s0], [sflag:$0x8], $0x40, s14, s25, $0xb8;
	[tilespmem:$0x1DD00] =	vst v63  }
0x61: {  	_ =	swait.ge [sflag:s4], $0x1F40  }
0x62: {  	[sflag:s4] =	ssyncset.done $0x0  }
0x63: {  	s15 =	simm.s32 $0x300;
	[sflag:s4] =	ssyncadd.s32 $0xFFFFE0C0  }
0x64: {  	[tilespmem:s31], [sflag:$0x3] =	stream.indirect.gather [hbm4b:s12+s25], $0x40, s15, s25, $0xb8;
	[tilespmem:$0x1DD00] =	vst v63  }
0x65: {  	_ =	swait.ge [sflag:s22], $0x1F40  }
0x66: {  	[sflag:s22] =	ssyncset.done $0x0  }
0x67: {  	s16 =	simm.s32 $0x5200;
	[sflag:s22] =	ssyncadd.s32 $0xFFFFE0C0  }
0x68: {  	[spmem:s2] =	stream.indirect.scatter.add.f32 [tilespmem:s26], [sflag:$0x5], $0x40, s16, s25, $0xb8;
	[tilespmem:$0x1DD00] =	vst v63  }
0x69: {  	_ =	swait.ge [sflag:s5], $0x1F40  }
0x6a: {  	[sflag:s5] =	ssyncset.done $0x0  }
0x6b: {  	s19 =	simm.s32 $0x380;
	[sflag:s5] =	ssyncadd.s32 $0xFFFFE0C0  }
0x6c: {  	[tilespmem:s0], [sflag:$0x4] =	stream.indirect.gather [hbm4b:s12+s25], $0x40, s19, s25, $0xb8;
	[tilespmem:$0x1DD00] =	vst v63  }
0x6d: {  	_ =	swait.ge [sflag:s23], $0x1F40  }
0x6e: {  	[sflag:s23] =	ssyncset.done $0x0  }
0x6f: {  	s14 =	simm.s32 $0x5280;
	[sflag:s23] =	ssyncadd.s32 $0xFFFFE0C0  }
0x70: {  	[spmem:s2] =	stream.indirect.scatter.add.f32 [tilespmem:s29], [sflag:$0x6], $0x40, s14, s25, $0xb8;
	[tilespmem:$0x1DD00] =	vst v63  }
0x71: {  	_ =	swait.ge [sflag:s24], $0x1F40  }
0x72: {  	[sflag:s24] =	ssyncset.done $0x0  }
0x73: {  	s15 =	simm.s32 $0x400;
	[sflag:s24] =	ssyncadd.s32 $0xFFFFE0C0  }
0x74: {  	[tilespmem:s26], [sflag:$0x1] =	stream.indirect.gather [hbm4b:s12+s25], $0x40, s15, s25, $0xb8;
	[tilespmem:$0x1DD00] =	vst v63  }
0x75: {  	_ =	swait.ge [sflag:s1], $0x1F40  }
0x76: {  	[sflag:s1] =	ssyncset.done $0x0  }
0x77: {  	s16 =	simm.s32 $0x5300;
	[sflag:s1] =	ssyncadd.s32 $0xFFFFE0C0  }
0x78: {  	[spmem:s2] =	stream.indirect.scatter.add.f32 [tilespmem:s31], [sflag:$0x7], $0x40, s16, s25, $0xb8;
	[tilespmem:$0x1DD00] =	vst v63  }
0x79: {  	_ =	swait.ge [sflag:s30], $0x1F40  }
0x7a: {  	[sflag:s30] =	ssyncset.done $0x0  }
0x7b: {  	s19 =	simm.s32 $0x480;
	[sflag:s30] =	ssyncadd.s32 $0xFFFFE0C0  }
0x7c: {  	[tilespmem:s29], [sflag:$0x2] =	stream.indirect.gather [hbm4b:s12+s25], $0x40, s19, s25, $0xb8;
	[tilespmem:$0x1DD00] =	vst v63  }
0x7d: {  	_ =	swait.ge [sflag:s28], $0x1F40  }
0x7e: {  	[sflag:s28] =	ssyncset.done $0x0  }
0x7f: {  	s13 =	simm.s32 $0x800;
	s14 =	simm.s32 $0x5380;
	[sflag:s28] =	ssyncadd.s32 $0xFFFFE0C0  }
.LBB2_2:
0x80: {  	[spmem:s2] =	stream.indirect.scatter.add.f32 [tilespmem:s0], [sflag:$0x8], $0x40, s14, s25, $0xb8;
	[tilespmem:$0x1DD00] =	vst v63  }
0x81: {  	s14 =	smov.u32 s13  }
0x82: {  	p0 =	sne.s32 s13, $0x12800;
	s13 =	sadd.s32 $0x800, s13;
	_ =	swait.ge [sflag:s4], $0x1F40  }
0x83: {  	s14 =	sshra.s32 s14, $0x2;
	[sflag:s4] =	ssyncset.done $0x0  }
0x84: {  	s15 =	sadd.s32 $0x300, s14;
	[sflag:s4] =	ssyncadd.s32 $0xFFFFE0C0  }
0x85: {  	[tilespmem:s31], [sflag:$0x3] =	stream.indirect.gather [hbm4b:s12+s25], $0x40, s15, s25, $0xb8;
	[tilespmem:$0x1DD00] =	vst v63  }
0x86: {  	_ =	swait.ge [sflag:s22], $0x1F40  }
0x87: {  	[sflag:s22] =	ssyncset.done $0x0  }
0x88: {  	s15 =	sadd.s32 $0x5200, s14;
	[sflag:s22] =	ssyncadd.s32 $0xFFFFE0C0  }
0x89: {  	[spmem:s2] =	stream.indirect.scatter.add.f32 [tilespmem:s26], [sflag:$0x5], $0x40, s15, s25, $0xb8;
	[tilespmem:$0x1DD00] =	vst v63  }
0x8a: {  	_ =	swait.ge [sflag:s5], $0x1F40  }
0x8b: {  	[sflag:s5] =	ssyncset.done $0x0  }
0x8c: {  	s15 =	sadd.s32 $0x380, s14;
	[sflag:s5] =	ssyncadd.s32 $0xFFFFE0C0  }
0x8d: {  	[tilespmem:s0], [sflag:$0x4] =	stream.indirect.gather [hbm4b:s12+s25], $0x40, s15, s25, $0xb8;
	[tilespmem:$0x1DD00] =	vst v63  }
0x8e: {  	_ =	swait.ge [sflag:s23], $0x1F40  }
0x8f: {  	[sflag:s23] =	ssyncset.done $0x0  }
0x90: {  	s15 =	sadd.s32 $0x5280, s14;
	[sflag:s23] =	ssyncadd.s32 $0xFFFFE0C0  }
0x91: {  	[spmem:s2] =	stream.indirect.scatter.add.f32 [tilespmem:s29], [sflag:$0x6], $0x40, s15, s25, $0xb8;
	[tilespmem:$0x1DD00] =	vst v63  }
0x92: {  	_ =	swait.ge [sflag:s24], $0x1F40  }
0x93: {  	[sflag:s24] =	ssyncset.done $0x0  }
0x94: {  	s15 =	sadd.s32 $0x400, s14;
	[sflag:s24] =	ssyncadd.s32 $0xFFFFE0C0  }
0x95: {  	[tilespmem:s26], [sflag:$0x1] =	stream.indirect.gather [hbm4b:s12+s25], $0x40, s15, s25, $0xb8;
	[tilespmem:$0x1DD00] =	vst v63  }
0x96: {  	_ =	swait.ge [sflag:s1], $0x1F40  }
0x97: {  	[sflag:s1] =	ssyncset.done $0x0  }
0x98: {  	s15 =	sadd.s32 $0x5300, s14;
	[sflag:s1] =	ssyncadd.s32 $0xFFFFE0C0  }
0x99: {  	[spmem:s2] =	stream.indirect.scatter.add.f32 [tilespmem:s31], [sflag:$0x7], $0x40, s15, s25, $0xb8;
	[tilespmem:$0x1DD00] =	vst v63  }
0x9a: {  	_ =	swait.ge [sflag:s30], $0x1F40  }
0x9b: {  	[sflag:s30] =	ssyncset.done $0x0  }
.Ltmp0:
0x9c: {  	s15 =	sadd.s32 $0x480, s14;
	[sflag:s30] =	ssyncadd.s32 $0xFFFFE0C0;
	(pc) =	sbr.rel @p0 .LBB2_2-.Ltmp0, $4  }
0x9d: {  	[tilespmem:s29], [sflag:$0x2] =	stream.indirect.gather [hbm4b:s12+s25], $0x40, s15, s25, $0xb8;
	[tilespmem:$0x1DD00] =	vst v63  }
0x9e: {  	_ =	swait.ge [sflag:s28], $0x1F40  }
0x9f: {  	[sflag:s28] =	ssyncset.done $0x0  }
0xa0: {  	s14 =	sadd.s32 $0x5380, s14;
	[sflag:s28] =	ssyncadd.s32 $0xFFFFE0C0  }
0xa1: {  	[spmem:s2] =	stream.indirect.scatter.add.f32 [tilespmem:s0], [sflag:$0x8], $0x40, s14, s25, $0xb8;
	[tilespmem:$0x1DD00] =	vst v63  }
0xa2: {  	_ =	swait.ge [sflag:s4], $0x1F40  }
0xa3: {  	[sflag:s4] =	ssyncset.done $0x0  }
0xa4: {  	s13 =	simm.s32 $0x4F00;
	[sflag:s4] =	ssyncadd.s32 $0xFFFFE0C0  }
0xa5: {  	[tilespmem:s31], [sflag:$0x3] =	stream.indirect.gather [hbm4b:s12+s25], $0x40, s13, s25, $0xb8;
	[tilespmem:$0x1DD00] =	vst v63  }
0xa6: {  	_ =	swait.ge [sflag:s22], $0x1F40  }
0xa7: {  	[sflag:s22] =	ssyncset.done $0x0  }
0xa8: {  	s15 =	simm.s32 $0x9E00;
	[sflag:s22] =	ssyncadd.s32 $0xFFFFE0C0  }
0xa9: {  	[spmem:s2] =	stream.indirect.scatter.add.f32 [tilespmem:s26], [sflag:$0x5], $0x40, s15, s25, $0xb8;
	[tilespmem:$0x1DD00] =	vst v63  }
0xaa: {  	_ =	swait.ge [sflag:s5], $0x1F40  }
0xab: {  	[sflag:s5] =	ssyncset.done $0x0  }
0xac: {  	s16 =	simm.s32 $0x4F80;
	[sflag:s5] =	ssyncadd.s32 $0xFFFFE0C0  }
0xad: {  	[tilespmem:s0], [sflag:$0x4] =	stream.indirect.gather [hbm4b:s12+s25], $0x40, s16, s25, $0xb8;
	[tilespmem:$0x1DD00] =	vst v63  }
0xae: {  	_ =	swait.ge [sflag:s23], $0x1F40  }
0xaf: {  	[sflag:s23] =	ssyncset.done $0x0  }
0xb0: {  	s19 =	simm.s32 $0x9E80;
	[sflag:s23] =	ssyncadd.s32 $0xFFFFE0C0  }
0xb1: {  	[spmem:s2] =	stream.indirect.scatter.add.f32 [tilespmem:s29], [sflag:$0x6], $0x40, s19, s25, $0xb8;
	[tilespmem:$0x1DD00] =	vst v63  }
0xb2: {  	_ =	swait.ge [sflag:s1], $0x1F40  }
0xb3: {  	[sflag:s1] =	ssyncset.done $0x0  }
0xb4: {  	s14 =	simm.s32 $0x9F00;
	[sflag:s1] =	ssyncadd.s32 $0xFFFFE0C0  }
0xb5: {  	[spmem:s2] =	stream.indirect.scatter.add.f32 [tilespmem:s31], [sflag:$0x7], $0x40, s14, s25, $0xb8;
	[tilespmem:$0x1DD00] =	vst v63  }
0xb6: {  	_ =	swait.ge [sflag:s28], $0x1F40  }
0xb7: {  	[sflag:s28] =	ssyncset.done $0x0  }
0xb8: {  	s15 =	simm.s32 $0x9F80;
	[sflag:s28] =	ssyncadd.s32 $0xFFFFE0C0  }
0xb9: {  	[spmem:s2] =	stream.indirect.scatter.add.f32 [tilespmem:s0], [sflag:$0x8], $0x40, s15, s25, $0xb8;
	[tilespmem:$0x1DD00] =	vst v63  }
0xba: {  	_ =	swait.ge [sflag:s24], $0x1F40  }
0xbb: {  	[sflag:s24] =	ssyncset.done $0x0  }
0xbc: {  	[sflag:s24] =	ssyncadd.s32 $0xFFFFE0C0  }
0xbd: {  	_ =	swait.ge [sflag:s30], $0x1F40  }
0xbe: {  	[sflag:s30] =	ssyncset.done $0x0  }
0xbf: {  	[sflag:s30] =	ssyncadd.s32 $0xFFFFE0C0  }
0xc0: {  	_ =	swait.ge [sflag:s4], $0x1F40  }
0xc1: {  	[sflag:s4] =	ssyncset.done $0x0  }
0xc2: {  	[sflag:s4] =	ssyncadd.s32 $0xFFFFE0C0  }
0xc3: {  	_ =	swait.ge [sflag:s5], $0x1F40  }
0xc4: {  	[sflag:s5] =	ssyncset.done $0x0  }
0xc5: {  	s16 =	stileid.u32;
	[sflag:s5] =	ssyncadd.s32 $0xFFFFE0C0  }
0xc6: {  	s13 =	sshll.u32 s16, $0x6;
	[bflag:$0x0] =	sbarrier.arrive $0xFFFF  }
0xc7: {  	s14 =	sor.u32 $0x1C01, s13;
	s15 =	sshrl.u32 s7, $0x3;
	s19 =	rddreg [dreg:$0x7]  }
0xc8: {  	[hbm:s19], [sflag:s14] =	dma.local [spmem:s15], $0x400  }
0xc9: {  	s15 =	sor.u32 $0x1C02, s13;
	s19 =	sshrl.u32 s8, $0x3;
	s16 =	rddreg [dreg:$0x8]  }
0xca: {  	[hbm:s16], [sflag:s15] =	dma.local [spmem:s19], $0x400  }
0xcb: {  	s15 =	sor.u32 $0x1C03, s13;
	s19 =	sshrl.u32 s9, $0x3;
	s16 =	rddreg [dreg:$0x9]  }
0xcc: {  	[hbm:s16], [sflag:s15] =	dma.local [spmem:s19], $0x400  }
0xcd: {  	s13 =	sor.u32 $0x1C04, s13;
	s19 =	sshrl.u32 s10, $0x3;
	s16 =	rddreg [dreg:$0xa]  }
0xce: {  	[hbm:s16], [sflag:s13] =	dma.local [spmem:s19], $0x400  }
0xcf: {  	s19 =	sshrl.u32 s11, $0x3  }
0xd0: {  	[hbm:s17], [sflag:s14] =	dma.local [spmem:s19], $0x400  }
0xd1: {  	_ =	swait.ge [sflag:s22], $0x400  }
0xd2: {  	[sflag:s22] =	ssyncset.done $0x0  }
0xd3: {  	[sflag:s22] =	ssyncadd.s32 $0xFFFFFC00  }
0xd4: {  	_ =	swait.ge [sflag:s23], $0x400  }
0xd5: {  	[sflag:s23] =	ssyncset.done $0x0  }
0xd6: {  	[sflag:s23] =	ssyncadd.s32 $0xFFFFFC00  }
0xd7: {  	_ =	swait.ge [sflag:s1], $0x400  }
0xd8: {  	[sflag:s1] =	ssyncset.done $0x0  }
0xd9: {  	s6 =	sadd.s32 $0x1, s6;
	[sflag:s1] =	ssyncadd.s32 $0xFFFFFC00  }
0xda: {  	p0 =	sne.s32 s6, s18;
	_ =	swait.ge [sflag:s28], $0x400  }
.Ltmp1:
0xdb: {  	[sflag:s28] =	ssyncset.done $0x0;
	(pc) =	sbr.rel @p0 .LBB2_1-.Ltmp1, $4  }
0xdc: {  	[sflag:s28] =	ssyncadd.s32 $0xFFFFFC00  }
0xdd: {  	_ =	swait.ge [sflag:s22], $0x400  }
0xde: {  	[sflag:s22] =	ssyncset.done $0x0  }
0xdf: {  	[sflag:s22] =	ssyncadd.s32 $0xFFFFFC00  }
0xe0: {  	_ =	sfence.sel $0x180000  }
0xe1: {  	[bflag:$0x0] =	sbarrier.arrive $0xFFFF  }
0xe2: {  	_ =	strace $0x9000004D  }
0xe3: {  	s0 =	stileid.u32;
	[bflag:$0x2] =	sbarrier.arrive $0xFFFF  }
0xe4: {  	p0 =	sne.s32 s0, $0x0;
	s0 =	rddreg [dreg:$0x3]  }
0xe5: {  	s0 =	sadd.s32 @!p0 $0x100000, s0  }
0xe6: {  	[sflag:s0] =	ssyncadd.tile.s32 @!p0 $0x1;
	_ =	shalt  }
.Lfunc_end2:
_tile_overlayer_lowered:
.L_overlay_start_2:
0xe7: {  	(tag) =	ssettag $0x2  }
0xe8: {  	s0 =	rddreg [dreg:$0x0];
	s2 =	stileid.u32  }
0xe9: {  	s1 =	rddreg [dreg:$0x1];
	p0 =	sne.s32 s2, $0x0  }
0xea: {  	s3 =	rddreg [dreg:$0x2];
	[bflag:$0x3] =	sbarrier.arrive $0xFFFF;
	s2 =	simm.s32 @!p0 $0x1C09  }
0xeb: {  	[timem:s3], [sflag:s2] =	dma.local @!p0 [hbm:s0], s1  }
0xec: {  	s0 =	simm.s32 @!p0 $0x9  }
0xed: {  	_ =	swait.ge @!p0 [sflag:s0], s1  }
0xee: {  	s1 =	ssub.s32 @!p0 $0x0, s1;
	[sflag:s0] =	ssyncset.done @!p0 $0x0  }
0xef: {  	[sflag:s0] =	ssyncadd.s32 @!p0 s1  }
0xf0: {  	[bflag:$0x3] =	sbarrier.arrive $0xFFFF  }
0xf1: {  	_ =	shalt  }

</sc_bundles>
